<compile_context>
chip_gen: v7x
topology: tpu7x:2x2x1
jax: 0.10.2.dev20260603
libtpu: 0.0.44.dev20260713+nightly
codegen_flags: <defaults>
</compile_context>

<pallas_src>
import functools

import jax
import jax.numpy as jnp
from jax import lax
from jax.experimental import pallas as pl
from jax.experimental.pallas import tpu as pltpu
from jax.experimental.pallas import tpu_sc as plsc

NI, NJ, NK = 54, 20, 23
C = 64
NJK = NJ * NK
NCOMBO = NI * NJK


def _table_body(at_ref, rt_ref, pt_ref, w1_ref, b1_ref, w2_ref, b2_ref, f_ref):
    hi = jnp.float32
    ct = lambda a, b, dims: lax.dot_general(a, b, (dims, ((), ())),
                                            preferred_element_type=hi)
    a_t = ct(w1_ref[0:C, :], at_ref[...], ((0,), (1,)))
    r_t = ct(w1_ref[C:2 * C, :], rt_ref[...], ((0,), (1,)))
    p_t = ct(w1_ref[2 * C:3 * C, :], pt_ref[...], ((0,), (1,)))
    combo_i = lax.broadcasted_iota(jnp.int32, (NI, NCOMBO), 1)
    oh_i = (combo_i // NJK == lax.broadcasted_iota(jnp.int32, (NI, NCOMBO), 0)
            ).astype(jnp.float32)
    combo_j = lax.broadcasted_iota(jnp.int32, (NJ, NCOMBO), 1)
    oh_j = ((combo_j // NK) % NJ == lax.broadcasted_iota(jnp.int32, (NJ, NCOMBO), 0)
            ).astype(jnp.float32)
    combo_k = lax.broadcasted_iota(jnp.int32, (NK, NCOMBO), 1)
    oh_k = (combo_k % NK == lax.broadcasted_iota(jnp.int32, (NK, NCOMBO), 0)
            ).astype(jnp.float32)
    pre = (ct(a_t, oh_i, ((1,), (0,))) + ct(r_t, oh_j, ((1,), (0,)))
           + ct(p_t, oh_k, ((1,), (0,))) + b1_ref[...])
    h = 0.5 * pre * (1.0 + lax.erf(pre * (2.0 ** -0.5)))
    sel_r = lax.broadcasted_iota(jnp.int32, (C, C // 2), 0)
    sel_c = lax.broadcasted_iota(jnp.int32, (C, C // 2), 1)
    s_e = (sel_r == 2 * sel_c).astype(jnp.float32)
    s_o = (sel_r == 2 * sel_c + 1).astype(jnp.float32)
    w2e = ct(w2_ref[...], s_e, ((1,), (0,)))
    w2o = ct(w2_ref[...], s_o, ((1,), (0,)))
    b2e = ct(s_e, b2_ref[...], ((0,), (0,)))
    b2o = ct(s_o, b2_ref[...], ((0,), (0,)))
    o_e = ct(w2e, h, ((0,), (0,))) + b2e
    o_o = ct(w2o, h, ((0,), (0,))) + b2o
    u_e = lax.bitcast_convert_type(o_e.astype(jnp.bfloat16), jnp.uint16
                                   ).astype(jnp.uint32)
    u_o = lax.bitcast_convert_type(o_o.astype(jnp.bfloat16), jnp.uint16
                                   ).astype(jnp.uint32)
    f_ref[...] = lax.bitcast_convert_type(u_e | (u_o << 16), jnp.int32)


def _build_table_packed(atom_table, residue_table, pos_table, W1, b1, W2, b2):
    full = lambda shape: pl.BlockSpec(shape, lambda: (0,) * len(shape))
    return pl.pallas_call(
        _table_body,
        in_specs=[
            full((NI, C)),
            full((NJ, C)),
            full((NK, C)),
            full((3 * C, C)),
            full((C, 1)),
            full((C, C)),
            full((C, 1)),
        ],
        out_specs=full((C // 2, NCOMBO)),
        out_shape=jax.ShapeDtypeStruct((C // 2, NCOMBO), jnp.int32),
    )(atom_table, residue_table, pos_table, W1, b1.reshape(C, 1),
      W2, b2.reshape(C, 1))


def _make_gather(B, L):
    info = plsc.get_sparse_core_info()
    nc = info.num_cores
    nbb = B // 128
    qbb = nbb // 4
    nfl = 4
    fbb = qbb // nfl
    qtok = qbb * 128
    mesh = plsc.VectorSubcoreMesh(core_axis_name="c", subcore_axis_name="s")

    @functools.partial(
        pl.kernel,
        out_type=jax.ShapeDtypeStruct((L, C // 8, nbb, 8 * 128), jnp.float32),
        mesh=mesh,
        compiler_params=pltpu.CompilerParams(use_tc_tiling_on_sc=False,
                                             needs_layout_passes=False),
        scratch_types=[
            pltpu.VMEM((4, NCOMBO), jnp.int32),
            pltpu.VMEM((2, qtok), jnp.int32),
            pltpu.VMEM((2, fbb, 8 * 128), jnp.float32),
            pltpu.SemaphoreType.DMA,
            pltpu.SemaphoreType.DMA,
            pltpu.SemaphoreType.DMA,
        ],
    )
    def gather_k(pt_hbm, idx_hbm, out_hbm, pt_v, idx_v, stage_v, sem_i,
                 sem_s0, sem_s1):
        sem_s = (sem_s0, sem_s1)
        wid = lax.axis_index("s") * nc + lax.axis_index("c")
        c8 = wid // 4
        q = wid % 4
        for p in range(4):
            pltpu.sync_copy(pt_hbm.at[c8 * 4 + p], pt_v.at[p])
        pltpu.async_copy(idx_hbm.at[0, pl.ds(q * qtok, qtok)], idx_v.at[0],
                         sem_i)

        def l_body(l, carry):
            lb = lax.rem(l, 2)
            pltpu.make_async_copy(idx_hbm.at[l, pl.ds(q * qtok, qtok)],
                                  idx_v.at[lb], sem_i).wait()

            @pl.when(l + 1 < L)
            def _fire_idx():
                pltpu.async_copy(idx_hbm.at[l + 1, pl.ds(q * qtok, qtok)],
                                 idx_v.at[1 - lb], sem_i)

            for f in range(nfl):
                slot = f % 2

                def _drain(slot=slot):
                    pltpu.make_async_copy(
                        out_hbm.at[0, 0, pl.ds(0, fbb), :],
                        stage_v.at[slot], sem_s[slot],
                    ).wait()

                if f >= 2:
                    _drain()
                else:
                    pl.when(l >= 1)(_drain)

                @plsc.parallel_loop(0, fbb * 8, unroll=8)
                def _groups(g, f=f, slot=slot):
                    vidx = idx_v[lb, pl.ds(f * (fbb * 128) + g * 16, 16)]
                    col = (g % 8) * 16
                    for p in range(4):
                        w = plsc.load_gather(pt_v.at[p], [vidx])
                        bf = plsc.bitcast(w, jnp.bfloat16)
                        v_e, v_o = plsc.unpack(
                            bf, format=plsc.PackFormat.INTERLEAVED,
                            preferred_element_type=jnp.float32)
                        stage_v[slot, g // 8, pl.ds(2 * p * 128 + col, 16)] = v_e
                        stage_v[slot, g // 8, pl.ds((2 * p + 1) * 128 + col, 16)] = v_o

                pltpu.async_copy(
                    stage_v.at[slot],
                    out_hbm.at[l, c8, pl.ds(q * qbb + f * fbb, fbb), :],
                    sem_s[slot],
                )
            return carry

        lax.fori_loop(0, L, l_body, 0)
        for slot in range(2):
            pltpu.make_async_copy(
                out_hbm.at[0, 0, pl.ds(0, fbb), :],
                stage_v.at[slot], sem_s[slot],
            ).wait()

    return gather_k


def kernel(atom_type, residue_type, residue_pos, atom_table, residue_table,
           pos_table, W1, b1, W2, b2):
    B, L = atom_type.shape
    PT = _build_table_packed(atom_table, residue_table, pos_table, W1, b1, W2, b2)
    cidx_t = (atom_type.T * NJK + residue_type.T * NK + residue_pos.T
              ).astype(jnp.int32)
    out5 = _make_gather(B, L)(PT, cidx_t)
    out = out5.reshape(L, 8, B // 128, 8, 128).transpose((2, 4, 0, 1, 3))
    return out.reshape(B, L, C)

# --- scband reference (transcript-rebuilt; emitter-appended) ---
"""Pipeline reference for scband-conditional-embedder-82471962018382 (READ-ONLY COPY).

The authoritative reference and input builder live on the scoring server;
editing this copy changes nothing except your own understanding.
"""

import jax, jax.numpy as jnp
import numpy as np


def setup_inputs(seed: int = 0) -> dict:
    key = jax.random.key(seed)
    ks = jax.random.split(key, 10)
    B, L, C = 16384, 50, 64
    atom_type = jax.random.randint(ks[0], (B, L), 0, 54)
    residue_type = jax.random.randint(ks[1], (B, L), 0, 20)
    residue_pos = jax.random.randint(ks[2], (B, L), 0, 23)
    atom_table = jax.random.normal(ks[3], (54, C), dtype=jnp.float32)
    residue_table = jax.random.normal(ks[4], (20, C), dtype=jnp.float32)
    pos_table = jax.random.normal(ks[5], (23, C), dtype=jnp.float32)
    W1 = jax.random.normal(ks[6], (3 * C, C), dtype=jnp.float32) * (1.0 / np.sqrt(3 * C))
    b1 = jnp.zeros((C,), dtype=jnp.float32)
    W2 = jax.random.normal(ks[7], (C, C), dtype=jnp.float32) * (1.0 / np.sqrt(C))
    b2 = jnp.zeros((C,), dtype=jnp.float32)
    return {
        "atom_type": atom_type,
        "residue_type": residue_type,
        "residue_pos": residue_pos,
        "atom_table": atom_table,
        "residue_table": residue_table,
        "pos_table": pos_table,
        "W1": W1,
        "b1": b1,
        "W2": W2,
        "b2": b2,
    }


def reference(atom_type, residue_type, residue_pos, atom_table, residue_table, pos_table, W1, b1, W2, b2):
    atom_emb = jnp.take(atom_table, atom_type, axis=0)
    residue_emb = jnp.take(residue_table, residue_type, axis=0)
    pos_emb = jnp.take(pos_table, residue_pos, axis=0)
    x = jnp.concatenate([atom_emb, residue_emb, pos_emb], axis=-1)
    h = x @ W1 + b1
    h = jax.nn.gelu(h, approximate=False)
    out = h @ W2 + b2
    return out

if __name__ == "__main__":
    import jax
    _d = setup_inputs()
    print(jax.jit(kernel)(*tuple(_d.values())))

</pallas_src>

<mosaic_0001>
#map = affine_map<(d0, d1) -> (0, 0)>
#map1 = affine_map<(d0, d1) -> (0, 0, 0, 0)>
module attributes {stable_mosaic.version = 14 : i64} {
  func.func @gather_k(%arg0: i32, %arg1: i32, %arg2: memref<32x24840xi32, #tpu.memory_space<hbm>>, %arg3: memref<50x16384xi32, #tpu.memory_space<hbm>>, %arg4: memref<50x8x128x1024xf32, #tpu.memory_space<hbm>>, %arg5: memref<4x24840xi32, #tpu.memory_space<vmem>>, %arg6: memref<2x4096xi32, #tpu.memory_space<vmem>>, %arg7: memref<2x8x1024xf32, #tpu.memory_space<vmem>>, %arg8: memref<!tpu.dma_semaphore, #tpu.memory_space<semaphore_mem>>, %arg9: memref<!tpu.dma_semaphore, #tpu.memory_space<semaphore_mem>>, %arg10: memref<!tpu.dma_semaphore, #tpu.memory_space<semaphore_mem>>) attributes {dimension_semantics = [#tpu.dimension_semantics<core_parallel>, #tpu.dimension_semantics<subcore_parallel>], iteration_bounds = array<i64: 2, 16>, scalar_prefetch = 0 : i64, scratch_operands = 6 : i64, tpu.core_type = #tpu.core_type<sc_vector_subcore>, window_params = [{transform_indices = #map}, {transform_indices = #map}, {transform_indices = #map1}]} {
    %mul3A = arith.constant 2 : i32
    %mul3A_0 = arith.muli %arg1, %mul3A : i32
    %add3A = arith.addi %mul3A_0, %arg0 : i32
    %jit3A = arith.constant 4 : i32
    %div3A = arith.divsi %add3A, %jit3A : i32
    %sign3A = arith.constant 0 : i32
    %sign3A_1 = arith.cmpi sgt, %add3A, %sign3A : i32
    %sign3A_2 = arith.extui %sign3A_1 : i1 to i32
    %sign3A_3 = arith.constant 0 : i32
    %sign3A_4 = arith.cmpi slt, %add3A, %sign3A_3 : i32
    %sign3A_5 = arith.extui %sign3A_4 : i1 to i32
    %sign3A_6 = arith.subi %sign3A_2, %sign3A_5 : i32
    %sign3A_7 = arith.constant 0 : i32
    %sign3A_8 = arith.cmpi sgt, %jit3A, %sign3A_7 : i32
    %sign3A_9 = arith.extui %sign3A_8 : i1 to i32
    %sign3A_10 = arith.constant 0 : i32
    %sign3A_11 = arith.cmpi slt, %jit3A, %sign3A_10 : i32
    %sign3A_12 = arith.extui %sign3A_11 : i1 to i32
    %sign3A_13 = arith.subi %sign3A_9, %sign3A_12 : i32
    %ne3A = arith.cmpi ne, %sign3A_6, %sign3A_13 : i32
    %rem3A = arith.remsi %add3A, %jit3A : i32
    %ne3A_14 = arith.constant 0 : i32
    %ne3A_15 = arith.cmpi ne, %rem3A, %ne3A_14 : i32
    %and3A = arith.andi %ne3A, %ne3A_15 : i1
    %sub3A = arith.constant 1 : i32
    %sub3A_16 = arith.subi %div3A, %sub3A : i32
    %select_n3A = arith.select %and3A, %sub3A_16, %div3A : i32
    %jit3A_17 = arith.constant 4 : i32
    %eq3A = arith.constant 0 : i32
    %eq3A_18 = arith.cmpi eq, %jit3A_17, %eq3A : i32
    %jit3A_19 = arith.constant 1 : i32
    %select_n3A_20 = arith.select %eq3A_18, %jit3A_19, %jit3A_17 : i32
    %rem3A_21 = arith.remsi %add3A, %select_n3A_20 : i32
    %ne3A_22 = arith.constant 0 : i32
    %ne3A_23 = arith.cmpi ne, %rem3A_21, %ne3A_22 : i32
    %lt3A = arith.constant 0 : i32
    %lt3A_24 = arith.cmpi slt, %rem3A_21, %lt3A : i32
    %lt3A_25 = arith.constant 0 : i32
    %lt3A_26 = arith.cmpi slt, %select_n3A_20, %lt3A_25 : i32
    %ne3A_27 = arith.xori %lt3A_24, %lt3A_26 : i1
    %and3A_28 = arith.andi %ne3A_27, %ne3A_23 : i1
    %add3A_29 = arith.addi %rem3A_21, %select_n3A_20 : i32
    %select_n3A_30 = arith.select %and3A_28, %add3A_29, %rem3A_21 : i32
    %mul3A_31 = arith.constant 4 : i32
    %mul3A_32 = arith.muli %select_n3A, %mul3A_31 : i32
    %add3A_33 = arith.constant 0 : i32
    %add3A_34 = arith.addi %mul3A_32, %add3A_33 : i32
    %run_scoped3A = arith.constant 0 : i32
    "tpu.region"() ({
      %run_scoped3A_105 = tpu.sem_alloc : memref<!tpu.dma_semaphore, #tpu.memory_space<semaphore_mem>>
      %dma_start3A_106 = arith.constant 0 : i32
      %dma_start3A_107 = tpu.memref_slice %arg5[%run_scoped3A, %dma_start3A_106] : memref<4x24840xi32, #tpu.memory_space<vmem>> -> memref<1x24840xi32, #tpu.memory_space<vmem>>
      %dma_start3A_108 = tpu.memref_squeeze %dma_start3A_107 : memref<1x24840xi32, #tpu.memory_space<vmem>> -> memref<24840xi32, #tpu.memory_space<vmem>>
      %dma_start3A_109 = arith.constant 0 : i32
      %dma_start3A_110 = tpu.memref_slice %arg2[%add3A_34, %dma_start3A_109] : memref<32x24840xi32, #tpu.memory_space<hbm>> -> memref<1x24840xi32, #tpu.memory_space<hbm>>
      %dma_start3A_111 = tpu.memref_squeeze %dma_start3A_110 : memref<1x24840xi32, #tpu.memory_space<hbm>> -> memref<24840xi32, #tpu.memory_space<hbm>>
      %dma_start3A_112 = arith.constant 0 : i32
      %dma_start3A_113 = tpu.memref_slice %arg5[%run_scoped3A, %dma_start3A_112] : memref<4x24840xi32, #tpu.memory_space<vmem>> -> memref<1x24840xi32, #tpu.memory_space<vmem>>
      %dma_start3A_114 = tpu.memref_squeeze %dma_start3A_113 : memref<1x24840xi32, #tpu.memory_space<vmem>> -> memref<24840xi32, #tpu.memory_space<vmem>>
      %dma_start3A_115 = arith.constant 0 : i32
      %dma_start3A_116 = tpu.memref_slice %arg2[%add3A_34, %dma_start3A_115] : memref<32x24840xi32, #tpu.memory_space<hbm>> -> memref<1x24840xi32, #tpu.memory_space<hbm>>
      %dma_start3A_117 = tpu.memref_squeeze %dma_start3A_116 : memref<1x24840xi32, #tpu.memory_space<hbm>> -> memref<24840xi32, #tpu.memory_space<hbm>>
      tpu.enqueue_dma source(%dma_start3A_117 : memref<24840xi32, #tpu.memory_space<hbm>>) target(%dma_start3A_114 : memref<24840xi32, #tpu.memory_space<vmem>>) target_semaphore(%run_scoped3A_105 : memref<!tpu.dma_semaphore, #tpu.memory_space<semaphore_mem>>)
      %dma_wait3A_118 = arith.constant 0 : i32
      %dma_wait3A_119 = tpu.memref_slice %arg5[%run_scoped3A, %dma_wait3A_118] : memref<4x24840xi32, #tpu.memory_space<vmem>> -> memref<1x24840xi32, #tpu.memory_space<vmem>>
      %dma_wait3A_120 = tpu.memref_squeeze %dma_wait3A_119 : memref<1x24840xi32, #tpu.memory_space<vmem>> -> memref<24840xi32, #tpu.memory_space<vmem>>
      %dma_wait3A_121 = arith.constant 0 : i32
      %dma_wait3A_122 = tpu.memref_slice %arg2[%add3A_34, %dma_wait3A_121] : memref<32x24840xi32, #tpu.memory_space<hbm>> -> memref<1x24840xi32, #tpu.memory_space<hbm>>
      %dma_wait3A_123 = tpu.memref_squeeze %dma_wait3A_122 : memref<1x24840xi32, #tpu.memory_space<hbm>> -> memref<24840xi32, #tpu.memory_space<hbm>>
      %dma_wait3A_124 = arith.constant 0 : i32
      %dma_wait3A_125 = tpu.memref_slice %arg5[%run_scoped3A, %dma_wait3A_124] : memref<4x24840xi32, #tpu.memory_space<vmem>> -> memref<1x24840xi32, #tpu.memory_space<vmem>>
      %dma_wait3A_126 = tpu.memref_squeeze %dma_wait3A_125 : memref<1x24840xi32, #tpu.memory_space<vmem>> -> memref<24840xi32, #tpu.memory_space<vmem>>
      %dma_wait3A_127 = arith.constant 0 : i32
      %dma_wait3A_128 = tpu.memref_slice %arg2[%add3A_34, %dma_wait3A_127] : memref<32x24840xi32, #tpu.memory_space<hbm>> -> memref<1x24840xi32, #tpu.memory_space<hbm>>
      %dma_wait3A_129 = tpu.memref_squeeze %dma_wait3A_128 : memref<1x24840xi32, #tpu.memory_space<hbm>> -> memref<24840xi32, #tpu.memory_space<hbm>>
      tpu.wait_dma2 semaphore(%run_scoped3A_105 : memref<!tpu.dma_semaphore, #tpu.memory_space<semaphore_mem>>) src(%dma_wait3A_129 : memref<24840xi32, #tpu.memory_space<hbm>>) dst(%dma_wait3A_126 : memref<24840xi32, #tpu.memory_space<vmem>>)
      tpu.yield
    }) : () -> ()
    %mul3A_35 = arith.constant 4 : i32
    %mul3A_36 = arith.muli %select_n3A, %mul3A_35 : i32
    %add3A_37 = arith.constant 1 : i32
    %add3A_38 = arith.addi %mul3A_36, %add3A_37 : i32
    %run_scoped3A_39 = arith.constant 1 : i32
    "tpu.region"() ({
      %run_scoped3A_105 = tpu.sem_alloc : memref<!tpu.dma_semaphore, #tpu.memory_space<semaphore_mem>>
      %dma_start3A_106 = arith.constant 0 : i32
      %dma_start3A_107 = tpu.memref_slice %arg5[%run_scoped3A_39, %dma_start3A_106] : memref<4x24840xi32, #tpu.memory_space<vmem>> -> memref<1x24840xi32, #tpu.memory_space<vmem>>
      %dma_start3A_108 = tpu.memref_squeeze %dma_start3A_107 : memref<1x24840xi32, #tpu.memory_space<vmem>> -> memref<24840xi32, #tpu.memory_space<vmem>>
      %dma_start3A_109 = arith.constant 0 : i32
      %dma_start3A_110 = tpu.memref_slice %arg2[%add3A_38, %dma_start3A_109] : memref<32x24840xi32, #tpu.memory_space<hbm>> -> memref<1x24840xi32, #tpu.memory_space<hbm>>
      %dma_start3A_111 = tpu.memref_squeeze %dma_start3A_110 : memref<1x24840xi32, #tpu.memory_space<hbm>> -> memref<24840xi32, #tpu.memory_space<hbm>>
      %dma_start3A_112 = arith.constant 0 : i32
      %dma_start3A_113 = tpu.memref_slice %arg5[%run_scoped3A_39, %dma_start3A_112] : memref<4x24840xi32, #tpu.memory_space<vmem>> -> memref<1x24840xi32, #tpu.memory_space<vmem>>
      %dma_start3A_114 = tpu.memref_squeeze %dma_start3A_113 : memref<1x24840xi32, #tpu.memory_space<vmem>> -> memref<24840xi32, #tpu.memory_space<vmem>>
      %dma_start3A_115 = arith.constant 0 : i32
      %dma_start3A_116 = tpu.memref_slice %arg2[%add3A_38, %dma_start3A_115] : memref<32x24840xi32, #tpu.memory_space<hbm>> -> memref<1x24840xi32, #tpu.memory_space<hbm>>
      %dma_start3A_117 = tpu.memref_squeeze %dma_start3A_116 : memref<1x24840xi32, #tpu.memory_space<hbm>> -> memref<24840xi32, #tpu.memory_space<hbm>>
      tpu.enqueue_dma source(%dma_start3A_117 : memref<24840xi32, #tpu.memory_space<hbm>>) target(%dma_start3A_114 : memref<24840xi32, #tpu.memory_space<vmem>>) target_semaphore(%run_scoped3A_105 : memref<!tpu.dma_semaphore, #tpu.memory_space<semaphore_mem>>)
      %dma_wait3A_118 = arith.constant 0 : i32
      %dma_wait3A_119 = tpu.memref_slice %arg5[%run_scoped3A_39, %dma_wait3A_118] : memref<4x24840xi32, #tpu.memory_space<vmem>> -> memref<1x24840xi32, #tpu.memory_space<vmem>>
      %dma_wait3A_120 = tpu.memref_squeeze %dma_wait3A_119 : memref<1x24840xi32, #tpu.memory_space<vmem>> -> memref<24840xi32, #tpu.memory_space<vmem>>
      %dma_wait3A_121 = arith.constant 0 : i32
      %dma_wait3A_122 = tpu.memref_slice %arg2[%add3A_38, %dma_wait3A_121] : memref<32x24840xi32, #tpu.memory_space<hbm>> -> memref<1x24840xi32, #tpu.memory_space<hbm>>
      %dma_wait3A_123 = tpu.memref_squeeze %dma_wait3A_122 : memref<1x24840xi32, #tpu.memory_space<hbm>> -> memref<24840xi32, #tpu.memory_space<hbm>>
      %dma_wait3A_124 = arith.constant 0 : i32
      %dma_wait3A_125 = tpu.memref_slice %arg5[%run_scoped3A_39, %dma_wait3A_124] : memref<4x24840xi32, #tpu.memory_space<vmem>> -> memref<1x24840xi32, #tpu.memory_space<vmem>>
      %dma_wait3A_126 = tpu.memref_squeeze %dma_wait3A_125 : memref<1x24840xi32, #tpu.memory_space<vmem>> -> memref<24840xi32, #tpu.memory_space<vmem>>
      %dma_wait3A_127 = arith.constant 0 : i32
      %dma_wait3A_128 = tpu.memref_slice %arg2[%add3A_38, %dma_wait3A_127] : memref<32x24840xi32, #tpu.memory_space<hbm>> -> memref<1x24840xi32, #tpu.memory_space<hbm>>
      %dma_wait3A_129 = tpu.memref_squeeze %dma_wait3A_128 : memref<1x24840xi32, #tpu.memory_space<hbm>> -> memref<24840xi32, #tpu.memory_space<hbm>>
      tpu.wait_dma2 semaphore(%run_scoped3A_105 : memref<!tpu.dma_semaphore, #tpu.memory_space<semaphore_mem>>) src(%dma_wait3A_129 : memref<24840xi32, #tpu.memory_space<hbm>>) dst(%dma_wait3A_126 : memref<24840xi32, #tpu.memory_space<vmem>>)
      tpu.yield
    }) : () -> ()
    %mul3A_40 = arith.constant 4 : i32
    %mul3A_41 = arith.muli %select_n3A, %mul3A_40 : i32
    %add3A_42 = arith.constant 2 : i32
    %add3A_43 = arith.addi %mul3A_41, %add3A_42 : i32
    %run_scoped3A_44 = arith.constant 2 : i32
    "tpu.region"() ({
      %run_scoped3A_105 = tpu.sem_alloc : memref<!tpu.dma_semaphore, #tpu.memory_space<semaphore_mem>>
      %dma_start3A_106 = arith.constant 0 : i32
      %dma_start3A_107 = tpu.memref_slice %arg5[%run_scoped3A_44, %dma_start3A_106] : memref<4x24840xi32, #tpu.memory_space<vmem>> -> memref<1x24840xi32, #tpu.memory_space<vmem>>
      %dma_start3A_108 = tpu.memref_squeeze %dma_start3A_107 : memref<1x24840xi32, #tpu.memory_space<vmem>> -> memref<24840xi32, #tpu.memory_space<vmem>>
      %dma_start3A_109 = arith.constant 0 : i32
      %dma_start3A_110 = tpu.memref_slice %arg2[%add3A_43, %dma_start3A_109] : memref<32x24840xi32, #tpu.memory_space<hbm>> -> memref<1x24840xi32, #tpu.memory_space<hbm>>
      %dma_start3A_111 = tpu.memref_squeeze %dma_start3A_110 : memref<1x24840xi32, #tpu.memory_space<hbm>> -> memref<24840xi32, #tpu.memory_space<hbm>>
      %dma_start3A_112 = arith.constant 0 : i32
      %dma_start3A_113 = tpu.memref_slice %arg5[%run_scoped3A_44, %dma_start3A_112] : memref<4x24840xi32, #tpu.memory_space<vmem>> -> memref<1x24840xi32, #tpu.memory_space<vmem>>
      %dma_start3A_114 = tpu.memref_squeeze %dma_start3A_113 : memref<1x24840xi32, #tpu.memory_space<vmem>> -> memref<24840xi32, #tpu.memory_space<vmem>>
      %dma_start3A_115 = arith.constant 0 : i32
      %dma_start3A_116 = tpu.memref_slice %arg2[%add3A_43, %dma_start3A_115] : memref<32x24840xi32, #tpu.memory_space<hbm>> -> memref<1x24840xi32, #tpu.memory_space<hbm>>
      %dma_start3A_117 = tpu.memref_squeeze %dma_start3A_116 : memref<1x24840xi32, #tpu.memory_space<hbm>> -> memref<24840xi32, #tpu.memory_space<hbm>>
      tpu.enqueue_dma source(%dma_start3A_117 : memref<24840xi32, #tpu.memory_space<hbm>>) target(%dma_start3A_114 : memref<24840xi32, #tpu.memory_space<vmem>>) target_semaphore(%run_scoped3A_105 : memref<!tpu.dma_semaphore, #tpu.memory_space<semaphore_mem>>)
      %dma_wait3A_118 = arith.constant 0 : i32
      %dma_wait3A_119 = tpu.memref_slice %arg5[%run_scoped3A_44, %dma_wait3A_118] : memref<4x24840xi32, #tpu.memory_space<vmem>> -> memref<1x24840xi32, #tpu.memory_space<vmem>>
      %dma_wait3A_120 = tpu.memref_squeeze %dma_wait3A_119 : memref<1x24840xi32, #tpu.memory_space<vmem>> -> memref<24840xi32, #tpu.memory_space<vmem>>
      %dma_wait3A_121 = arith.constant 0 : i32
      %dma_wait3A_122 = tpu.memref_slice %arg2[%add3A_43, %dma_wait3A_121] : memref<32x24840xi32, #tpu.memory_space<hbm>> -> memref<1x24840xi32, #tpu.memory_space<hbm>>
      %dma_wait3A_123 = tpu.memref_squeeze %dma_wait3A_122 : memref<1x24840xi32, #tpu.memory_space<hbm>> -> memref<24840xi32, #tpu.memory_space<hbm>>
      %dma_wait3A_124 = arith.constant 0 : i32
      %dma_wait3A_125 = tpu.memref_slice %arg5[%run_scoped3A_44, %dma_wait3A_124] : memref<4x24840xi32, #tpu.memory_space<vmem>> -> memref<1x24840xi32, #tpu.memory_space<vmem>>
      %dma_wait3A_126 = tpu.memref_squeeze %dma_wait3A_125 : memref<1x24840xi32, #tpu.memory_space<vmem>> -> memref<24840xi32, #tpu.memory_space<vmem>>
      %dma_wait3A_127 = arith.constant 0 : i32
      %dma_wait3A_128 = tpu.memref_slice %arg2[%add3A_43, %dma_wait3A_127] : memref<32x24840xi32, #tpu.memory_space<hbm>> -> memref<1x24840xi32, #tpu.memory_space<hbm>>
      %dma_wait3A_129 = tpu.memref_squeeze %dma_wait3A_128 : memref<1x24840xi32, #tpu.memory_space<hbm>> -> memref<24840xi32, #tpu.memory_space<hbm>>
      tpu.wait_dma2 semaphore(%run_scoped3A_105 : memref<!tpu.dma_semaphore, #tpu.memory_space<semaphore_mem>>) src(%dma_wait3A_129 : memref<24840xi32, #tpu.memory_space<hbm>>) dst(%dma_wait3A_126 : memref<24840xi32, #tpu.memory_space<vmem>>)
      tpu.yield
    }) : () -> ()
    %mul3A_45 = arith.constant 4 : i32
    %mul3A_46 = arith.muli %select_n3A, %mul3A_45 : i32
    %add3A_47 = arith.constant 3 : i32
    %add3A_48 = arith.addi %mul3A_46, %add3A_47 : i32
    %run_scoped3A_49 = arith.constant 3 : i32
    "tpu.region"() ({
      %run_scoped3A_105 = tpu.sem_alloc : memref<!tpu.dma_semaphore, #tpu.memory_space<semaphore_mem>>
      %dma_start3A_106 = arith.constant 0 : i32
      %dma_start3A_107 = tpu.memref_slice %arg5[%run_scoped3A_49, %dma_start3A_106] : memref<4x24840xi32, #tpu.memory_space<vmem>> -> memref<1x24840xi32, #tpu.memory_space<vmem>>
      %dma_start3A_108 = tpu.memref_squeeze %dma_start3A_107 : memref<1x24840xi32, #tpu.memory_space<vmem>> -> memref<24840xi32, #tpu.memory_space<vmem>>
      %dma_start3A_109 = arith.constant 0 : i32
      %dma_start3A_110 = tpu.memref_slice %arg2[%add3A_48, %dma_start3A_109] : memref<32x24840xi32, #tpu.memory_space<hbm>> -> memref<1x24840xi32, #tpu.memory_space<hbm>>
      %dma_start3A_111 = tpu.memref_squeeze %dma_start3A_110 : memref<1x24840xi32, #tpu.memory_space<hbm>> -> memref<24840xi32, #tpu.memory_space<hbm>>
      %dma_start3A_112 = arith.constant 0 : i32
      %dma_start3A_113 = tpu.memref_slice %arg5[%run_scoped3A_49, %dma_start3A_112] : memref<4x24840xi32, #tpu.memory_space<vmem>> -> memref<1x24840xi32, #tpu.memory_space<vmem>>
      %dma_start3A_114 = tpu.memref_squeeze %dma_start3A_113 : memref<1x24840xi32, #tpu.memory_space<vmem>> -> memref<24840xi32, #tpu.memory_space<vmem>>
      %dma_start3A_115 = arith.constant 0 : i32
      %dma_start3A_116 = tpu.memref_slice %arg2[%add3A_48, %dma_start3A_115] : memref<32x24840xi32, #tpu.memory_space<hbm>> -> memref<1x24840xi32, #tpu.memory_space<hbm>>
      %dma_start3A_117 = tpu.memref_squeeze %dma_start3A_116 : memref<1x24840xi32, #tpu.memory_space<hbm>> -> memref<24840xi32, #tpu.memory_space<hbm>>
      tpu.enqueue_dma source(%dma_start3A_117 : memref<24840xi32, #tpu.memory_space<hbm>>) target(%dma_start3A_114 : memref<24840xi32, #tpu.memory_space<vmem>>) target_semaphore(%run_scoped3A_105 : memref<!tpu.dma_semaphore, #tpu.memory_space<semaphore_mem>>)
      %dma_wait3A_118 = arith.constant 0 : i32
      %dma_wait3A_119 = tpu.memref_slice %arg5[%run_scoped3A_49, %dma_wait3A_118] : memref<4x24840xi32, #tpu.memory_space<vmem>> -> memref<1x24840xi32, #tpu.memory_space<vmem>>
      %dma_wait3A_120 = tpu.memref_squeeze %dma_wait3A_119 : memref<1x24840xi32, #tpu.memory_space<vmem>> -> memref<24840xi32, #tpu.memory_space<vmem>>
      %dma_wait3A_121 = arith.constant 0 : i32
      %dma_wait3A_122 = tpu.memref_slice %arg2[%add3A_48, %dma_wait3A_121] : memref<32x24840xi32, #tpu.memory_space<hbm>> -> memref<1x24840xi32, #tpu.memory_space<hbm>>
      %dma_wait3A_123 = tpu.memref_squeeze %dma_wait3A_122 : memref<1x24840xi32, #tpu.memory_space<hbm>> -> memref<24840xi32, #tpu.memory_space<hbm>>
      %dma_wait3A_124 = arith.constant 0 : i32
      %dma_wait3A_125 = tpu.memref_slice %arg5[%run_scoped3A_49, %dma_wait3A_124] : memref<4x24840xi32, #tpu.memory_space<vmem>> -> memref<1x24840xi32, #tpu.memory_space<vmem>>
      %dma_wait3A_126 = tpu.memref_squeeze %dma_wait3A_125 : memref<1x24840xi32, #tpu.memory_space<vmem>> -> memref<24840xi32, #tpu.memory_space<vmem>>
      %dma_wait3A_127 = arith.constant 0 : i32
      %dma_wait3A_128 = tpu.memref_slice %arg2[%add3A_48, %dma_wait3A_127] : memref<32x24840xi32, #tpu.memory_space<hbm>> -> memref<1x24840xi32, #tpu.memory_space<hbm>>
      %dma_wait3A_129 = tpu.memref_squeeze %dma_wait3A_128 : memref<1x24840xi32, #tpu.memory_space<hbm>> -> memref<24840xi32, #tpu.memory_space<hbm>>
      tpu.wait_dma2 semaphore(%run_scoped3A_105 : memref<!tpu.dma_semaphore, #tpu.memory_space<semaphore_mem>>) src(%dma_wait3A_129 : memref<24840xi32, #tpu.memory_space<hbm>>) dst(%dma_wait3A_126 : memref<24840xi32, #tpu.memory_space<vmem>>)
      tpu.yield
    }) : () -> ()
    %mul3A_50 = arith.constant 4096 : i32
    %mul3A_51 = arith.muli %select_n3A_30, %mul3A_50 : i32
    %dma_start3A = arith.constant 0 : i32
    %dma_start3A_52 = arith.constant 0 : i32
    %dma_start3A_53 = arith.constant 0 : i32
    %dma_start3A_54 = tpu.memref_slice %arg6[%dma_start3A_52, %dma_start3A_53] : memref<2x4096xi32, #tpu.memory_space<vmem>> -> memref<1x4096xi32, #tpu.memory_space<vmem>>
    %dma_start3A_55 = tpu.memref_squeeze %dma_start3A_54 : memref<1x4096xi32, #tpu.memory_space<vmem>> -> memref<4096xi32, #tpu.memory_space<vmem>>
    %dma_start3A_56 = tpu.memref_slice %arg3[%dma_start3A, %mul3A_51] : memref<50x16384xi32, #tpu.memory_space<hbm>> -> memref<1x4096xi32, #tpu.memory_space<hbm>>
    %dma_start3A_57 = tpu.memref_squeeze %dma_start3A_56 : memref<1x4096xi32, #tpu.memory_space<hbm>> -> memref<4096xi32, #tpu.memory_space<hbm>>
    %dma_start3A_58 = arith.constant 0 : i32
    %dma_start3A_59 = tpu.memref_slice %arg6[%dma_start3A_52, %dma_start3A_58] : memref<2x4096xi32, #tpu.memory_space<vmem>> -> memref<1x4096xi32, #tpu.memory_space<vmem>>
    %dma_start3A_60 = tpu.memref_squeeze %dma_start3A_59 : memref<1x4096xi32, #tpu.memory_space<vmem>> -> memref<4096xi32, #tpu.memory_space<vmem>>
    %dma_start3A_61 = tpu.memref_slice %arg3[%dma_start3A, %mul3A_51] : memref<50x16384xi32, #tpu.memory_space<hbm>> -> memref<1x4096xi32, #tpu.memory_space<hbm>>
    %dma_start3A_62 = tpu.memref_squeeze %dma_start3A_61 : memref<1x4096xi32, #tpu.memory_space<hbm>> -> memref<4096xi32, #tpu.memory_space<hbm>>
    tpu.enqueue_dma source(%dma_start3A_62 : memref<4096xi32, #tpu.memory_space<hbm>>) target(%dma_start3A_60 : memref<4096xi32, #tpu.memory_space<vmem>>) target_semaphore(%arg8 : memref<!tpu.dma_semaphore, #tpu.memory_space<semaphore_mem>>)
    %scan3A = arith.constant 0 : i32
    %scan3A_63 = arith.constant 0 : i32
    %scan3A_64 = arith.constant 50 : i32
    %scan3A_65 = arith.addi %scan3A_63, %scan3A_64 : i32
    %scan3A_66 = arith.constant 1 : i32
    scf.for %scan3A_105 = %scan3A_63 to %scan3A_65 step %scan3A_66  : i32 {
      %rem3A_106 = arith.constant 2 : i32
      %rem3A_107 = arith.remsi %scan3A_105, %rem3A_106 : i32
      %mul3A_108 = arith.constant 4096 : i32
      %mul3A_109 = arith.muli %select_n3A_30, %mul3A_108 : i32
      %dma_wait3A_110 = arith.constant 0 : i32
      %dma_wait3A_111 = tpu.memref_slice %arg6[%rem3A_107, %dma_wait3A_110] : memref<2x4096xi32, #tpu.memory_space<vmem>> -> memref<1x4096xi32, #tpu.memory_space<vmem>>
      %dma_wait3A_112 = tpu.memref_squeeze %dma_wait3A_111 : memref<1x4096xi32, #tpu.memory_space<vmem>> -> memref<4096xi32, #tpu.memory_space<vmem>>
      %dma_wait3A_113 = tpu.memref_slice %arg3[%scan3A_105, %mul3A_109] : memref<50x16384xi32, #tpu.memory_space<hbm>> -> memref<1x4096xi32, #tpu.memory_space<hbm>>
      %dma_wait3A_114 = tpu.memref_squeeze %dma_wait3A_113 : memref<1x4096xi32, #tpu.memory_space<hbm>> -> memref<4096xi32, #tpu.memory_space<hbm>>
      %dma_wait3A_115 = arith.constant 0 : i32
      %dma_wait3A_116 = tpu.memref_slice %arg6[%rem3A_107, %dma_wait3A_115] : memref<2x4096xi32, #tpu.memory_space<vmem>> -> memref<1x4096xi32, #tpu.memory_space<vmem>>
      %dma_wait3A_117 = tpu.memref_squeeze %dma_wait3A_116 : memref<1x4096xi32, #tpu.memory_space<vmem>> -> memref<4096xi32, #tpu.memory_space<vmem>>
      %dma_wait3A_118 = tpu.memref_slice %arg3[%scan3A_105, %mul3A_109] : memref<50x16384xi32, #tpu.memory_space<hbm>> -> memref<1x4096xi32, #tpu.memory_space<hbm>>
      %dma_wait3A_119 = tpu.memref_squeeze %dma_wait3A_118 : memref<1x4096xi32, #tpu.memory_space<hbm>> -> memref<4096xi32, #tpu.memory_space<hbm>>
      tpu.wait_dma2 semaphore(%arg8 : memref<!tpu.dma_semaphore, #tpu.memory_space<semaphore_mem>>) src(%dma_wait3A_119 : memref<4096xi32, #tpu.memory_space<hbm>>) dst(%dma_wait3A_117 : memref<4096xi32, #tpu.memory_space<vmem>>)
      %add3A_120 = arith.constant 1 : i32
      %add3A_121 = arith.addi %scan3A_105, %add3A_120 : i32
      %lt3A_122 = arith.constant 50 : i32
      %lt3A_123 = arith.cmpi slt, %add3A_121, %lt3A_122 : i32
      %convert_element_type3A = arith.extui %lt3A_123 : i1 to i32
      %cond3A = arith.constant 0 : i32
      %cond3A_124 = arith.cmpi ne, %convert_element_type3A, %cond3A : i32
      scf.if %cond3A_124 {
        %add3A_259 = arith.constant 1 : i32
        %add3A_260 = arith.addi %scan3A_105, %add3A_259 : i32
        %mul3A_261 = arith.constant 4096 : i32
        %mul3A_262 = arith.muli %select_n3A_30, %mul3A_261 : i32
        %sub3A_263 = arith.constant 1 : i32
        %sub3A_264 = arith.subi %sub3A_263, %rem3A_107 : i32
        %dma_start3A_265 = arith.constant 0 : i32
        %dma_start3A_266 = tpu.memref_slice %arg6[%sub3A_264, %dma_start3A_265] : memref<2x4096xi32, #tpu.memory_space<vmem>> -> memref<1x4096xi32, #tpu.memory_space<vmem>>
        %dma_start3A_267 = tpu.memref_squeeze %dma_start3A_266 : memref<1x4096xi32, #tpu.memory_space<vmem>> -> memref<4096xi32, #tpu.memory_space<vmem>>
        %dma_start3A_268 = tpu.memref_slice %arg3[%add3A_260, %mul3A_262] : memref<50x16384xi32, #tpu.memory_space<hbm>> -> memref<1x4096xi32, #tpu.memory_space<hbm>>
        %dma_start3A_269 = tpu.memref_squeeze %dma_start3A_268 : memref<1x4096xi32, #tpu.memory_space<hbm>> -> memref<4096xi32, #tpu.memory_space<hbm>>
        %dma_start3A_270 = arith.constant 0 : i32
        %dma_start3A_271 = tpu.memref_slice %arg6[%sub3A_264, %dma_start3A_270] : memref<2x4096xi32, #tpu.memory_space<vmem>> -> memref<1x4096xi32, #tpu.memory_space<vmem>>
        %dma_start3A_272 = tpu.memref_squeeze %dma_start3A_271 : memref<1x4096xi32, #tpu.memory_space<vmem>> -> memref<4096xi32, #tpu.memory_space<vmem>>
        %dma_start3A_273 = tpu.memref_slice %arg3[%add3A_260, %mul3A_262] : memref<50x16384xi32, #tpu.memory_space<hbm>> -> memref<1x4096xi32, #tpu.memory_space<hbm>>
        %dma_start3A_274 = tpu.memref_squeeze %dma_start3A_273 : memref<1x4096xi32, #tpu.memory_space<hbm>> -> memref<4096xi32, #tpu.memory_space<hbm>>
        tpu.enqueue_dma source(%dma_start3A_274 : memref<4096xi32, #tpu.memory_space<hbm>>) target(%dma_start3A_272 : memref<4096xi32, #tpu.memory_space<vmem>>) target_semaphore(%arg8 : memref<!tpu.dma_semaphore, #tpu.memory_space<semaphore_mem>>)
      } else {
      }
      %ge3A = arith.constant 1 : i32
      %ge3A_125 = arith.cmpi sge, %scan3A_105, %ge3A : i32
      %convert_element_type3A_126 = arith.extui %ge3A_125 : i1 to i32
      %cond3A_127 = arith.constant 0 : i32
      %cond3A_128 = arith.cmpi ne, %convert_element_type3A_126, %cond3A_127 : i32
      scf.if %cond3A_128 {
        %dma_wait3A_259 = arith.constant 0 : i32
        %dma_wait3A_260 = arith.constant 0 : i32
        %dma_wait3A_261 = arith.constant 0 : i32
        %dma_wait3A_262 = arith.constant 0 : i32
        %dma_wait3A_263 = arith.constant 0 : i32
        %dma_wait3A_264 = tpu.memref_slice %arg7[%dma_wait3A_261, %dma_wait3A_262, %dma_wait3A_263] : memref<2x8x1024xf32, #tpu.memory_space<vmem>> -> memref<1x8x1024xf32, #tpu.memory_space<vmem>>
        %dma_wait3A_265 = tpu.memref_squeeze %dma_wait3A_264 : memref<1x8x1024xf32, #tpu.memory_space<vmem>> -> memref<8x1024xf32, #tpu.memory_space<vmem>>
        %dma_wait3A_266 = arith.constant 0 : i32
        %dma_wait3A_267 = arith.constant 0 : i32
        %dma_wait3A_268 = tpu.memref_slice %arg4[%dma_wait3A_259, %dma_wait3A_260, %dma_wait3A_266, %dma_wait3A_267] : memref<50x8x128x1024xf32, #tpu.memory_space<hbm>> -> memref<1x1x8x1024xf32, #tpu.memory_space<hbm>>
        %dma_wait3A_269 = tpu.memref_squeeze %dma_wait3A_268 : memref<1x1x8x1024xf32, #tpu.memory_space<hbm>> -> memref<8x1024xf32, #tpu.memory_space<hbm>>
        %dma_wait3A_270 = arith.constant 0 : i32
        %dma_wait3A_271 = arith.constant 0 : i32
        %dma_wait3A_272 = tpu.memref_slice %arg7[%dma_wait3A_261, %dma_wait3A_270, %dma_wait3A_271] : memref<2x8x1024xf32, #tpu.memory_space<vmem>> -> memref<1x8x1024xf32, #tpu.memory_space<vmem>>
        %dma_wait3A_273 = tpu.memref_squeeze %dma_wait3A_272 : memref<1x8x1024xf32, #tpu.memory_space<vmem>> -> memref<8x1024xf32, #tpu.memory_space<vmem>>
        %dma_wait3A_274 = arith.constant 0 : i32
        %dma_wait3A_275 = arith.constant 0 : i32
        %dma_wait3A_276 = tpu.memref_slice %arg4[%dma_wait3A_259, %dma_wait3A_260, %dma_wait3A_274, %dma_wait3A_275] : memref<50x8x128x1024xf32, #tpu.memory_space<hbm>> -> memref<1x1x8x1024xf32, #tpu.memory_space<hbm>>
        %dma_wait3A_277 = tpu.memref_squeeze %dma_wait3A_276 : memref<1x1x8x1024xf32, #tpu.memory_space<hbm>> -> memref<8x1024xf32, #tpu.memory_space<hbm>>
        tpu.wait_dma2 semaphore(%arg9 : memref<!tpu.dma_semaphore, #tpu.memory_space<semaphore_mem>>) src(%dma_wait3A_277 : memref<8x1024xf32, #tpu.memory_space<hbm>>) dst(%dma_wait3A_273 : memref<8x1024xf32, #tpu.memory_space<vmem>>)
      } else {
      }
      %parallel_loop3A = arith.constant 0 : i32
      %parallel_loop3A_129 = arith.constant 64 : i32
      %parallel_loop3A_130 = arith.constant 1 : i32
      scf.for %parallel_loop3A_259 = %parallel_loop3A to %parallel_loop3A_129 step %parallel_loop3A_130  : i32 {
        %parallel_loop3A_260 = arith.constant 16 : i32
        %parallel_loop3A_261 = arith.muli %parallel_loop3A_259, %parallel_loop3A_260 : i32
        %parallel_loop3A_262 = arith.constant 0 : i32
        %parallel_loop3A_263 = arith.addi %parallel_loop3A_262, %parallel_loop3A_261 : i32
        %parallel_loop3A_264 = arith.index_cast %rem3A_107 : i32 to index
        %parallel_loop3A_265 = arith.index_cast %parallel_loop3A_263 : i32 to index
        %parallel_loop3A_266 = tpu.vector_load %arg6[%parallel_loop3A_264, %parallel_loop3A_265] {strides = array<i32>} : memref<2x4096xi32, #tpu.memory_space<vmem>>, vector<16xi32>,
        %parallel_loop3A_267 = arith.constant 8 : i32
        %parallel_loop3A_268 = arith.constant 0 : i32
        %parallel_loop3A_269 = arith.cmpi eq, %parallel_loop3A_267, %parallel_loop3A_268 : i32
        %parallel_loop3A_270 = arith.constant 1 : i32
        %parallel_loop3A_271 = arith.select %parallel_loop3A_269, %parallel_loop3A_270, %parallel_loop3A_267 : i32
        %parallel_loop3A_272 = arith.remsi %parallel_loop3A_259, %parallel_loop3A_271 : i32
        %parallel_loop3A_273 = arith.constant 0 : i32
        %parallel_loop3A_274 = arith.cmpi ne, %parallel_loop3A_272, %parallel_loop3A_273 : i32
        %parallel_loop3A_275 = arith.constant 0 : i32
        %parallel_loop3A_276 = arith.cmpi slt, %parallel_loop3A_272, %parallel_loop3A_275 : i32
        %parallel_loop3A_277 = arith.constant 0 : i32
        %parallel_loop3A_278 = arith.cmpi slt, %parallel_loop3A_271, %parallel_loop3A_277 : i32
        %parallel_loop3A_279 = arith.xori %parallel_loop3A_276, %parallel_loop3A_278 : i1
        %parallel_loop3A_280 = arith.andi %parallel_loop3A_279, %parallel_loop3A_274 : i1
        %parallel_loop3A_281 = arith.addi %parallel_loop3A_272, %parallel_loop3A_271 : i32
        %parallel_loop3A_282 = arith.select %parallel_loop3A_280, %parallel_loop3A_281, %parallel_loop3A_272 : i32
        %parallel_loop3A_283 = arith.constant 16 : i32
        %parallel_loop3A_284 = arith.muli %parallel_loop3A_282, %parallel_loop3A_283 : i32
        %parallel_loop3A_285 = arith.constant 0 : i32
        %parallel_loop3A_286 = arith.constant 0 : i32
        %parallel_loop3A_287 = tpu.memref_slice %arg5[%parallel_loop3A_285, %parallel_loop3A_286] : memref<4x24840xi32, #tpu.memory_space<vmem>> -> memref<1x24840xi32, #tpu.memory_space<vmem>>
        %parallel_loop3A_288 = tpu.memref_squeeze %parallel_loop3A_287 : memref<1x24840xi32, #tpu.memory_space<vmem>> -> memref<24840xi32, #tpu.memory_space<vmem>>
        %parallel_loop3A_289 = tpu.vector_load_idx %parallel_loop3A_288[%parallel_loop3A_266] : memref<24840xi32, #tpu.memory_space<vmem>>[vector<16xi32>], vector<16xi32>,
        %parallel_loop3A_290 = vector.bitcast %parallel_loop3A_289 : vector<16xi32> to vector<32xbf16>
        %parallel_loop3A_291 = tpu.unpack_subelements %parallel_loop3A_290, 0 {pack_format = #tpu.pack_format<interleaved>} : vector<32xbf16> -> vector<16xf32>
        %parallel_loop3A_292 = tpu.unpack_subelements %parallel_loop3A_290, 1 {pack_format = #tpu.pack_format<interleaved>} : vector<32xbf16> -> vector<16xf32>
        %parallel_loop3A_293 = arith.constant 8 : i32
        %parallel_loop3A_294 = arith.divsi %parallel_loop3A_259, %parallel_loop3A_293 : i32
        %parallel_loop3A_295 = arith.constant 0 : i32
        %parallel_loop3A_296 = arith.cmpi sgt, %parallel_loop3A_259, %parallel_loop3A_295 : i32
        %parallel_loop3A_297 = arith.extui %parallel_loop3A_296 : i1 to i32
        %parallel_loop3A_298 = arith.constant 0 : i32
        %parallel_loop3A_299 = arith.cmpi slt, %parallel_loop3A_259, %parallel_loop3A_298 : i32
        %parallel_loop3A_300 = arith.extui %parallel_loop3A_299 : i1 to i32
        %parallel_loop3A_301 = arith.subi %parallel_loop3A_297, %parallel_loop3A_300 : i32
        %parallel_loop3A_302 = arith.constant 0 : i32
        %parallel_loop3A_303 = arith.cmpi sgt, %parallel_loop3A_293, %parallel_loop3A_302 : i32
        %parallel_loop3A_304 = arith.extui %parallel_loop3A_303 : i1 to i32
        %parallel_loop3A_305 = arith.constant 0 : i32
        %parallel_loop3A_306 = arith.cmpi slt, %parallel_loop3A_293, %parallel_loop3A_305 : i32
        %parallel_loop3A_307 = arith.extui %parallel_loop3A_306 : i1 to i32
        %parallel_loop3A_308 = arith.subi %parallel_loop3A_304, %parallel_loop3A_307 : i32
        %parallel_loop3A_309 = arith.cmpi ne, %parallel_loop3A_301, %parallel_loop3A_308 : i32
        %parallel_loop3A_310 = arith.remsi %parallel_loop3A_259, %parallel_loop3A_293 : i32
        %parallel_loop3A_311 = arith.constant 0 : i32
        %parallel_loop3A_312 = arith.cmpi ne, %parallel_loop3A_310, %parallel_loop3A_311 : i32
        %parallel_loop3A_313 = arith.andi %parallel_loop3A_309, %parallel_loop3A_312 : i1
        %parallel_loop3A_314 = arith.constant 1 : i32
        %parallel_loop3A_315 = arith.subi %parallel_loop3A_294, %parallel_loop3A_314 : i32
        %parallel_loop3A_316 = arith.select %parallel_loop3A_313, %parallel_loop3A_315, %parallel_loop3A_294 : i32
        %parallel_loop3A_317 = arith.constant 0 : i32
        %parallel_loop3A_318 = arith.addi %parallel_loop3A_317, %parallel_loop3A_284 : i32
        %parallel_loop3A_319 = arith.constant 0 : i32
        %parallel_loop3A_320 = arith.index_cast %parallel_loop3A_319 : i32 to index
        %parallel_loop3A_321 = arith.index_cast %parallel_loop3A_316 : i32 to index
        %parallel_loop3A_322 = arith.index_cast %parallel_loop3A_318 : i32 to index
        %parallel_loop3A_323 = tpu.vector_load %arg7[%parallel_loop3A_320, %parallel_loop3A_321, %parallel_loop3A_322] {strides = array<i32>} : memref<2x8x1024xf32, #tpu.memory_space<vmem>>, vector<16xf32>,
        tpu.vector_store %arg7[%parallel_loop3A_320, %parallel_loop3A_321, %parallel_loop3A_322], %parallel_loop3A_291 {strides = array<i32>} : memref<2x8x1024xf32, #tpu.memory_space<vmem>>, vector<16xf32>,
        %parallel_loop3A_324 = arith.constant 8 : i32
        %parallel_loop3A_325 = arith.divsi %parallel_loop3A_259, %parallel_loop3A_324 : i32
        %parallel_loop3A_326 = arith.constant 0 : i32
        %parallel_loop3A_327 = arith.cmpi sgt, %parallel_loop3A_259, %parallel_loop3A_326 : i32
        %parallel_loop3A_328 = arith.extui %parallel_loop3A_327 : i1 to i32
        %parallel_loop3A_329 = arith.constant 0 : i32
        %parallel_loop3A_330 = arith.cmpi slt, %parallel_loop3A_259, %parallel_loop3A_329 : i32
        %parallel_loop3A_331 = arith.extui %parallel_loop3A_330 : i1 to i32
        %parallel_loop3A_332 = arith.subi %parallel_loop3A_328, %parallel_loop3A_331 : i32
        %parallel_loop3A_333 = arith.constant 0 : i32
        %parallel_loop3A_334 = arith.cmpi sgt, %parallel_loop3A_324, %parallel_loop3A_333 : i32
        %parallel_loop3A_335 = arith.extui %parallel_loop3A_334 : i1 to i32
        %parallel_loop3A_336 = arith.constant 0 : i32
        %parallel_loop3A_337 = arith.cmpi slt, %parallel_loop3A_324, %parallel_loop3A_336 : i32
        %parallel_loop3A_338 = arith.extui %parallel_loop3A_337 : i1 to i32
        %parallel_loop3A_339 = arith.subi %parallel_loop3A_335, %parallel_loop3A_338 : i32
        %parallel_loop3A_340 = arith.cmpi ne, %parallel_loop3A_332, %parallel_loop3A_339 : i32
        %parallel_loop3A_341 = arith.remsi %parallel_loop3A_259, %parallel_loop3A_324 : i32
        %parallel_loop3A_342 = arith.constant 0 : i32
        %parallel_loop3A_343 = arith.cmpi ne, %parallel_loop3A_341, %parallel_loop3A_342 : i32
        %parallel_loop3A_344 = arith.andi %parallel_loop3A_340, %parallel_loop3A_343 : i1
        %parallel_loop3A_345 = arith.constant 1 : i32
        %parallel_loop3A_346 = arith.subi %parallel_loop3A_325, %parallel_loop3A_345 : i32
        %parallel_loop3A_347 = arith.select %parallel_loop3A_344, %parallel_loop3A_346, %parallel_loop3A_325 : i32
        %parallel_loop3A_348 = arith.constant 128 : i32
        %parallel_loop3A_349 = arith.addi %parallel_loop3A_348, %parallel_loop3A_284 : i32
        %parallel_loop3A_350 = arith.constant 0 : i32
        %parallel_loop3A_351 = arith.index_cast %parallel_loop3A_350 : i32 to index
        %parallel_loop3A_352 = arith.index_cast %parallel_loop3A_347 : i32 to index
        %parallel_loop3A_353 = arith.index_cast %parallel_loop3A_349 : i32 to index
        %parallel_loop3A_354 = tpu.vector_load %arg7[%parallel_loop3A_351, %parallel_loop3A_352, %parallel_loop3A_353] {strides = array<i32>} : memref<2x8x1024xf32, #tpu.memory_space<vmem>>, vector<16xf32>,
        tpu.vector_store %arg7[%parallel_loop3A_351, %parallel_loop3A_352, %parallel_loop3A_353], %parallel_loop3A_292 {strides = array<i32>} : memref<2x8x1024xf32, #tpu.memory_space<vmem>>, vector<16xf32>,
        %parallel_loop3A_355 = arith.constant 1 : i32
        %parallel_loop3A_356 = arith.constant 0 : i32
        %parallel_loop3A_357 = tpu.memref_slice %arg5[%parallel_loop3A_355, %parallel_loop3A_356] : memref<4x24840xi32, #tpu.memory_space<vmem>> -> memref<1x24840xi32, #tpu.memory_space<vmem>>
        %parallel_loop3A_358 = tpu.memref_squeeze %parallel_loop3A_357 : memref<1x24840xi32, #tpu.memory_space<vmem>> -> memref<24840xi32, #tpu.memory_space<vmem>>
        %parallel_loop3A_359 = tpu.vector_load_idx %parallel_loop3A_358[%parallel_loop3A_266] : memref<24840xi32, #tpu.memory_space<vmem>>[vector<16xi32>], vector<16xi32>,
        %parallel_loop3A_360 = vector.bitcast %parallel_loop3A_359 : vector<16xi32> to vector<32xbf16>
        %parallel_loop3A_361 = tpu.unpack_subelements %parallel_loop3A_360, 0 {pack_format = #tpu.pack_format<interleaved>} : vector<32xbf16> -> vector<16xf32>
        %parallel_loop3A_362 = tpu.unpack_subelements %parallel_loop3A_360, 1 {pack_format = #tpu.pack_format<interleaved>} : vector<32xbf16> -> vector<16xf32>
        %parallel_loop3A_363 = arith.constant 8 : i32
        %parallel_loop3A_364 = arith.divsi %parallel_loop3A_259, %parallel_loop3A_363 : i32
        %parallel_loop3A_365 = arith.constant 0 : i32
        %parallel_loop3A_366 = arith.cmpi sgt, %parallel_loop3A_259, %parallel_loop3A_365 : i32
        %parallel_loop3A_367 = arith.extui %parallel_loop3A_366 : i1 to i32
        %parallel_loop3A_368 = arith.constant 0 : i32
        %parallel_loop3A_369 = arith.cmpi slt, %parallel_loop3A_259, %parallel_loop3A_368 : i32
        %parallel_loop3A_370 = arith.extui %parallel_loop3A_369 : i1 to i32
        %parallel_loop3A_371 = arith.subi %parallel_loop3A_367, %parallel_loop3A_370 : i32
        %parallel_loop3A_372 = arith.constant 0 : i32
        %parallel_loop3A_373 = arith.cmpi sgt, %parallel_loop3A_363, %parallel_loop3A_372 : i32
        %parallel_loop3A_374 = arith.extui %parallel_loop3A_373 : i1 to i32
        %parallel_loop3A_375 = arith.constant 0 : i32
        %parallel_loop3A_376 = arith.cmpi slt, %parallel_loop3A_363, %parallel_loop3A_375 : i32
        %parallel_loop3A_377 = arith.extui %parallel_loop3A_376 : i1 to i32
        %parallel_loop3A_378 = arith.subi %parallel_loop3A_374, %parallel_loop3A_377 : i32
        %parallel_loop3A_379 = arith.cmpi ne, %parallel_loop3A_371, %parallel_loop3A_378 : i32
        %parallel_loop3A_380 = arith.remsi %parallel_loop3A_259, %parallel_loop3A_363 : i32
        %parallel_loop3A_381 = arith.constant 0 : i32
        %parallel_loop3A_382 = arith.cmpi ne, %parallel_loop3A_380, %parallel_loop3A_381 : i32
        %parallel_loop3A_383 = arith.andi %parallel_loop3A_379, %parallel_loop3A_382 : i1
        %parallel_loop3A_384 = arith.constant 1 : i32
        %parallel_loop3A_385 = arith.subi %parallel_loop3A_364, %parallel_loop3A_384 : i32
        %parallel_loop3A_386 = arith.select %parallel_loop3A_383, %parallel_loop3A_385, %parallel_loop3A_364 : i32
        %parallel_loop3A_387 = arith.constant 256 : i32
        %parallel_loop3A_388 = arith.addi %parallel_loop3A_387, %parallel_loop3A_284 : i32
        %parallel_loop3A_389 = arith.constant 0 : i32
        %parallel_loop3A_390 = arith.index_cast %parallel_loop3A_389 : i32 to index
        %parallel_loop3A_391 = arith.index_cast %parallel_loop3A_386 : i32 to index
        %parallel_loop3A_392 = arith.index_cast %parallel_loop3A_388 : i32 to index
        %parallel_loop3A_393 = tpu.vector_load %arg7[%parallel_loop3A_390, %parallel_loop3A_391, %parallel_loop3A_392] {strides = array<i32>} : memref<2x8x1024xf32, #tpu.memory_space<vmem>>, vector<16xf32>,
        tpu.vector_store %arg7[%parallel_loop3A_390, %parallel_loop3A_391, %parallel_loop3A_392], %parallel_loop3A_361 {strides = array<i32>} : memref<2x8x1024xf32, #tpu.memory_space<vmem>>, vector<16xf32>,
        %parallel_loop3A_394 = arith.constant 8 : i32
        %parallel_loop3A_395 = arith.divsi %parallel_loop3A_259, %parallel_loop3A_394 : i32
        %parallel_loop3A_396 = arith.constant 0 : i32
        %parallel_loop3A_397 = arith.cmpi sgt, %parallel_loop3A_259, %parallel_loop3A_396 : i32
        %parallel_loop3A_398 = arith.extui %parallel_loop3A_397 : i1 to i32
        %parallel_loop3A_399 = arith.constant 0 : i32
        %parallel_loop3A_400 = arith.cmpi slt, %parallel_loop3A_259, %parallel_loop3A_399 : i32
        %parallel_loop3A_401 = arith.extui %parallel_loop3A_400 : i1 to i32
        %parallel_loop3A_402 = arith.subi %parallel_loop3A_398, %parallel_loop3A_401 : i32
        %parallel_loop3A_403 = arith.constant 0 : i32
        %parallel_loop3A_404 = arith.cmpi sgt, %parallel_loop3A_394, %parallel_loop3A_403 : i32
        %parallel_loop3A_405 = arith.extui %parallel_loop3A_404 : i1 to i32
        %parallel_loop3A_406 = arith.constant 0 : i32
        %parallel_loop3A_407 = arith.cmpi slt, %parallel_loop3A_394, %parallel_loop3A_406 : i32
        %parallel_loop3A_408 = arith.extui %parallel_loop3A_407 : i1 to i32
        %parallel_loop3A_409 = arith.subi %parallel_loop3A_405, %parallel_loop3A_408 : i32
        %parallel_loop3A_410 = arith.cmpi ne, %parallel_loop3A_402, %parallel_loop3A_409 : i32
        %parallel_loop3A_411 = arith.remsi %parallel_loop3A_259, %parallel_loop3A_394 : i32
        %parallel_loop3A_412 = arith.constant 0 : i32
        %parallel_loop3A_413 = arith.cmpi ne, %parallel_loop3A_411, %parallel_loop3A_412 : i32
        %parallel_loop3A_414 = arith.andi %parallel_loop3A_410, %parallel_loop3A_413 : i1
        %parallel_loop3A_415 = arith.constant 1 : i32
        %parallel_loop3A_416 = arith.subi %parallel_loop3A_395, %parallel_loop3A_415 : i32
        %parallel_loop3A_417 = arith.select %parallel_loop3A_414, %parallel_loop3A_416, %parallel_loop3A_395 : i32
        %parallel_loop3A_418 = arith.constant 384 : i32
        %parallel_loop3A_419 = arith.addi %parallel_loop3A_418, %parallel_loop3A_284 : i32
        %parallel_loop3A_420 = arith.constant 0 : i32
        %parallel_loop3A_421 = arith.index_cast %parallel_loop3A_420 : i32 to index
        %parallel_loop3A_422 = arith.index_cast %parallel_loop3A_417 : i32 to index
        %parallel_loop3A_423 = arith.index_cast %parallel_loop3A_419 : i32 to index
        %parallel_loop3A_424 = tpu.vector_load %arg7[%parallel_loop3A_421, %parallel_loop3A_422, %parallel_loop3A_423] {strides = array<i32>} : memref<2x8x1024xf32, #tpu.memory_space<vmem>>, vector<16xf32>,
        tpu.vector_store %arg7[%parallel_loop3A_421, %parallel_loop3A_422, %parallel_loop3A_423], %parallel_loop3A_362 {strides = array<i32>} : memref<2x8x1024xf32, #tpu.memory_space<vmem>>, vector<16xf32>,
        %parallel_loop3A_425 = arith.constant 2 : i32
        %parallel_loop3A_426 = arith.constant 0 : i32
        %parallel_loop3A_427 = tpu.memref_slice %arg5[%parallel_loop3A_425, %parallel_loop3A_426] : memref<4x24840xi32, #tpu.memory_space<vmem>> -> memref<1x24840xi32, #tpu.memory_space<vmem>>
        %parallel_loop3A_428 = tpu.memref_squeeze %parallel_loop3A_427 : memref<1x24840xi32, #tpu.memory_space<vmem>> -> memref<24840xi32, #tpu.memory_space<vmem>>
        %parallel_loop3A_429 = tpu.vector_load_idx %parallel_loop3A_428[%parallel_loop3A_266] : memref<24840xi32, #tpu.memory_space<vmem>>[vector<16xi32>], vector<16xi32>,
        %parallel_loop3A_430 = vector.bitcast %parallel_loop3A_429 : vector<16xi32> to vector<32xbf16>
        %parallel_loop3A_431 = tpu.unpack_subelements %parallel_loop3A_430, 0 {pack_format = #tpu.pack_format<interleaved>} : vector<32xbf16> -> vector<16xf32>
        %parallel_loop3A_432 = tpu.unpack_subelements %parallel_loop3A_430, 1 {pack_format = #tpu.pack_format<interleaved>} : vector<32xbf16> -> vector<16xf32>
        %parallel_loop3A_433 = arith.constant 8 : i32
        %parallel_loop3A_434 = arith.divsi %parallel_loop3A_259, %parallel_loop3A_433 : i32
        %parallel_loop3A_435 = arith.constant 0 : i32
        %parallel_loop3A_436 = arith.cmpi sgt, %parallel_loop3A_259, %parallel_loop3A_435 : i32
        %parallel_loop3A_437 = arith.extui %parallel_loop3A_436 : i1 to i32
        %parallel_loop3A_438 = arith.constant 0 : i32
        %parallel_loop3A_439 = arith.cmpi slt, %parallel_loop3A_259, %parallel_loop3A_438 : i32
        %parallel_loop3A_440 = arith.extui %parallel_loop3A_439 : i1 to i32
        %parallel_loop3A_441 = arith.subi %parallel_loop3A_437, %parallel_loop3A_440 : i32
        %parallel_loop3A_442 = arith.constant 0 : i32
        %parallel_loop3A_443 = arith.cmpi sgt, %parallel_loop3A_433, %parallel_loop3A_442 : i32
        %parallel_loop3A_444 = arith.extui %parallel_loop3A_443 : i1 to i32
        %parallel_loop3A_445 = arith.constant 0 : i32
        %parallel_loop3A_446 = arith.cmpi slt, %parallel_loop3A_433, %parallel_loop3A_445 : i32
        %parallel_loop3A_447 = arith.extui %parallel_loop3A_446 : i1 to i32
        %parallel_loop3A_448 = arith.subi %parallel_loop3A_444, %parallel_loop3A_447 : i32
        %parallel_loop3A_449 = arith.cmpi ne, %parallel_loop3A_441, %parallel_loop3A_448 : i32
        %parallel_loop3A_450 = arith.remsi %parallel_loop3A_259, %parallel_loop3A_433 : i32
        %parallel_loop3A_451 = arith.constant 0 : i32
        %parallel_loop3A_452 = arith.cmpi ne, %parallel_loop3A_450, %parallel_loop3A_451 : i32
        %parallel_loop3A_453 = arith.andi %parallel_loop3A_449, %parallel_loop3A_452 : i1
        %parallel_loop3A_454 = arith.constant 1 : i32
        %parallel_loop3A_455 = arith.subi %parallel_loop3A_434, %parallel_loop3A_454 : i32
        %parallel_loop3A_456 = arith.select %parallel_loop3A_453, %parallel_loop3A_455, %parallel_loop3A_434 : i32
        %parallel_loop3A_457 = arith.constant 512 : i32
        %parallel_loop3A_458 = arith.addi %parallel_loop3A_457, %parallel_loop3A_284 : i32
        %parallel_loop3A_459 = arith.constant 0 : i32
        %parallel_loop3A_460 = arith.index_cast %parallel_loop3A_459 : i32 to index
        %parallel_loop3A_461 = arith.index_cast %parallel_loop3A_456 : i32 to index
        %parallel_loop3A_462 = arith.index_cast %parallel_loop3A_458 : i32 to index
        %parallel_loop3A_463 = tpu.vector_load %arg7[%parallel_loop3A_460, %parallel_loop3A_461, %parallel_loop3A_462] {strides = array<i32>} : memref<2x8x1024xf32, #tpu.memory_space<vmem>>, vector<16xf32>,
        tpu.vector_store %arg7[%parallel_loop3A_460, %parallel_loop3A_461, %parallel_loop3A_462], %parallel_loop3A_431 {strides = array<i32>} : memref<2x8x1024xf32, #tpu.memory_space<vmem>>, vector<16xf32>,
        %parallel_loop3A_464 = arith.constant 8 : i32
        %parallel_loop3A_465 = arith.divsi %parallel_loop3A_259, %parallel_loop3A_464 : i32
        %parallel_loop3A_466 = arith.constant 0 : i32
        %parallel_loop3A_467 = arith.cmpi sgt, %parallel_loop3A_259, %parallel_loop3A_466 : i32
        %parallel_loop3A_468 = arith.extui %parallel_loop3A_467 : i1 to i32
        %parallel_loop3A_469 = arith.constant 0 : i32
        %parallel_loop3A_470 = arith.cmpi slt, %parallel_loop3A_259, %parallel_loop3A_469 : i32
        %parallel_loop3A_471 = arith.extui %parallel_loop3A_470 : i1 to i32
        %parallel_loop3A_472 = arith.subi %parallel_loop3A_468, %parallel_loop3A_471 : i32
        %parallel_loop3A_473 = arith.constant 0 : i32
        %parallel_loop3A_474 = arith.cmpi sgt, %parallel_loop3A_464, %parallel_loop3A_473 : i32
        %parallel_loop3A_475 = arith.extui %parallel_loop3A_474 : i1 to i32
        %parallel_loop3A_476 = arith.constant 0 : i32
        %parallel_loop3A_477 = arith.cmpi slt, %parallel_loop3A_464, %parallel_loop3A_476 : i32
        %parallel_loop3A_478 = arith.extui %parallel_loop3A_477 : i1 to i32
        %parallel_loop3A_479 = arith.subi %parallel_loop3A_475, %parallel_loop3A_478 : i32
        %parallel_loop3A_480 = arith.cmpi ne, %parallel_loop3A_472, %parallel_loop3A_479 : i32
        %parallel_loop3A_481 = arith.remsi %parallel_loop3A_259, %parallel_loop3A_464 : i32
        %parallel_loop3A_482 = arith.constant 0 : i32
        %parallel_loop3A_483 = arith.cmpi ne, %parallel_loop3A_481, %parallel_loop3A_482 : i32
        %parallel_loop3A_484 = arith.andi %parallel_loop3A_480, %parallel_loop3A_483 : i1
        %parallel_loop3A_485 = arith.constant 1 : i32
        %parallel_loop3A_486 = arith.subi %parallel_loop3A_465, %parallel_loop3A_485 : i32
        %parallel_loop3A_487 = arith.select %parallel_loop3A_484, %parallel_loop3A_486, %parallel_loop3A_465 : i32
        %parallel_loop3A_488 = arith.constant 640 : i32
        %parallel_loop3A_489 = arith.addi %parallel_loop3A_488, %parallel_loop3A_284 : i32
        %parallel_loop3A_490 = arith.constant 0 : i32
        %parallel_loop3A_491 = arith.index_cast %parallel_loop3A_490 : i32 to index
        %parallel_loop3A_492 = arith.index_cast %parallel_loop3A_487 : i32 to index
        %parallel_loop3A_493 = arith.index_cast %parallel_loop3A_489 : i32 to index
        %parallel_loop3A_494 = tpu.vector_load %arg7[%parallel_loop3A_491, %parallel_loop3A_492, %parallel_loop3A_493] {strides = array<i32>} : memref<2x8x1024xf32, #tpu.memory_space<vmem>>, vector<16xf32>,
        tpu.vector_store %arg7[%parallel_loop3A_491, %parallel_loop3A_492, %parallel_loop3A_493], %parallel_loop3A_432 {strides = array<i32>} : memref<2x8x1024xf32, #tpu.memory_space<vmem>>, vector<16xf32>,
        %parallel_loop3A_495 = arith.constant 3 : i32
        %parallel_loop3A_496 = arith.constant 0 : i32
        %parallel_loop3A_497 = tpu.memref_slice %arg5[%parallel_loop3A_495, %parallel_loop3A_496] : memref<4x24840xi32, #tpu.memory_space<vmem>> -> memref<1x24840xi32, #tpu.memory_space<vmem>>
        %parallel_loop3A_498 = tpu.memref_squeeze %parallel_loop3A_497 : memref<1x24840xi32, #tpu.memory_space<vmem>> -> memref<24840xi32, #tpu.memory_space<vmem>>
        %parallel_loop3A_499 = tpu.vector_load_idx %parallel_loop3A_498[%parallel_loop3A_266] : memref<24840xi32, #tpu.memory_space<vmem>>[vector<16xi32>], vector<16xi32>,
        %parallel_loop3A_500 = vector.bitcast %parallel_loop3A_499 : vector<16xi32> to vector<32xbf16>
        %parallel_loop3A_501 = tpu.unpack_subelements %parallel_loop3A_500, 0 {pack_format = #tpu.pack_format<interleaved>} : vector<32xbf16> -> vector<16xf32>
        %parallel_loop3A_502 = tpu.unpack_subelements %parallel_loop3A_500, 1 {pack_format = #tpu.pack_format<interleaved>} : vector<32xbf16> -> vector<16xf32>
        %parallel_loop3A_503 = arith.constant 8 : i32
        %parallel_loop3A_504 = arith.divsi %parallel_loop3A_259, %parallel_loop3A_503 : i32
        %parallel_loop3A_505 = arith.constant 0 : i32
        %parallel_loop3A_506 = arith.cmpi sgt, %parallel_loop3A_259, %parallel_loop3A_505 : i32
        %parallel_loop3A_507 = arith.extui %parallel_loop3A_506 : i1 to i32
        %parallel_loop3A_508 = arith.constant 0 : i32
        %parallel_loop3A_509 = arith.cmpi slt, %parallel_loop3A_259, %parallel_loop3A_508 : i32
        %parallel_loop3A_510 = arith.extui %parallel_loop3A_509 : i1 to i32
        %parallel_loop3A_511 = arith.subi %parallel_loop3A_507, %parallel_loop3A_510 : i32
        %parallel_loop3A_512 = arith.constant 0 : i32
        %parallel_loop3A_513 = arith.cmpi sgt, %parallel_loop3A_503, %parallel_loop3A_512 : i32
        %parallel_loop3A_514 = arith.extui %parallel_loop3A_513 : i1 to i32
        %parallel_loop3A_515 = arith.constant 0 : i32
        %parallel_loop3A_516 = arith.cmpi slt, %parallel_loop3A_503, %parallel_loop3A_515 : i32
        %parallel_loop3A_517 = arith.extui %parallel_loop3A_516 : i1 to i32
        %parallel_loop3A_518 = arith.subi %parallel_loop3A_514, %parallel_loop3A_517 : i32
        %parallel_loop3A_519 = arith.cmpi ne, %parallel_loop3A_511, %parallel_loop3A_518 : i32
        %parallel_loop3A_520 = arith.remsi %parallel_loop3A_259, %parallel_loop3A_503 : i32
        %parallel_loop3A_521 = arith.constant 0 : i32
        %parallel_loop3A_522 = arith.cmpi ne, %parallel_loop3A_520, %parallel_loop3A_521 : i32
        %parallel_loop3A_523 = arith.andi %parallel_loop3A_519, %parallel_loop3A_522 : i1
        %parallel_loop3A_524 = arith.constant 1 : i32
        %parallel_loop3A_525 = arith.subi %parallel_loop3A_504, %parallel_loop3A_524 : i32
        %parallel_loop3A_526 = arith.select %parallel_loop3A_523, %parallel_loop3A_525, %parallel_loop3A_504 : i32
        %parallel_loop3A_527 = arith.constant 768 : i32
        %parallel_loop3A_528 = arith.addi %parallel_loop3A_527, %parallel_loop3A_284 : i32
        %parallel_loop3A_529 = arith.constant 0 : i32
        %parallel_loop3A_530 = arith.index_cast %parallel_loop3A_529 : i32 to index
        %parallel_loop3A_531 = arith.index_cast %parallel_loop3A_526 : i32 to index
        %parallel_loop3A_532 = arith.index_cast %parallel_loop3A_528 : i32 to index
        %parallel_loop3A_533 = tpu.vector_load %arg7[%parallel_loop3A_530, %parallel_loop3A_531, %parallel_loop3A_532] {strides = array<i32>} : memref<2x8x1024xf32, #tpu.memory_space<vmem>>, vector<16xf32>,
        tpu.vector_store %arg7[%parallel_loop3A_530, %parallel_loop3A_531, %parallel_loop3A_532], %parallel_loop3A_501 {strides = array<i32>} : memref<2x8x1024xf32, #tpu.memory_space<vmem>>, vector<16xf32>,
        %parallel_loop3A_534 = arith.constant 8 : i32
        %parallel_loop3A_535 = arith.divsi %parallel_loop3A_259, %parallel_loop3A_534 : i32
        %parallel_loop3A_536 = arith.constant 0 : i32
        %parallel_loop3A_537 = arith.cmpi sgt, %parallel_loop3A_259, %parallel_loop3A_536 : i32
        %parallel_loop3A_538 = arith.extui %parallel_loop3A_537 : i1 to i32
        %parallel_loop3A_539 = arith.constant 0 : i32
        %parallel_loop3A_540 = arith.cmpi slt, %parallel_loop3A_259, %parallel_loop3A_539 : i32
        %parallel_loop3A_541 = arith.extui %parallel_loop3A_540 : i1 to i32
        %parallel_loop3A_542 = arith.subi %parallel_loop3A_538, %parallel_loop3A_541 : i32
        %parallel_loop3A_543 = arith.constant 0 : i32
        %parallel_loop3A_544 = arith.cmpi sgt, %parallel_loop3A_534, %parallel_loop3A_543 : i32
        %parallel_loop3A_545 = arith.extui %parallel_loop3A_544 : i1 to i32
        %parallel_loop3A_546 = arith.constant 0 : i32
        %parallel_loop3A_547 = arith.cmpi slt, %parallel_loop3A_534, %parallel_loop3A_546 : i32
        %parallel_loop3A_548 = arith.extui %parallel_loop3A_547 : i1 to i32
        %parallel_loop3A_549 = arith.subi %parallel_loop3A_545, %parallel_loop3A_548 : i32
        %parallel_loop3A_550 = arith.cmpi ne, %parallel_loop3A_542, %parallel_loop3A_549 : i32
        %parallel_loop3A_551 = arith.remsi %parallel_loop3A_259, %parallel_loop3A_534 : i32
        %parallel_loop3A_552 = arith.constant 0 : i32
        %parallel_loop3A_553 = arith.cmpi ne, %parallel_loop3A_551, %parallel_loop3A_552 : i32
        %parallel_loop3A_554 = arith.andi %parallel_loop3A_550, %parallel_loop3A_553 : i1
        %parallel_loop3A_555 = arith.constant 1 : i32
        %parallel_loop3A_556 = arith.subi %parallel_loop3A_535, %parallel_loop3A_555 : i32
        %parallel_loop3A_557 = arith.select %parallel_loop3A_554, %parallel_loop3A_556, %parallel_loop3A_535 : i32
        %parallel_loop3A_558 = arith.constant 896 : i32
        %parallel_loop3A_559 = arith.addi %parallel_loop3A_558, %parallel_loop3A_284 : i32
        %parallel_loop3A_560 = arith.constant 0 : i32
        %parallel_loop3A_561 = arith.index_cast %parallel_loop3A_560 : i32 to index
        %parallel_loop3A_562 = arith.index_cast %parallel_loop3A_557 : i32 to index
        %parallel_loop3A_563 = arith.index_cast %parallel_loop3A_559 : i32 to index
        %parallel_loop3A_564 = tpu.vector_load %arg7[%parallel_loop3A_561, %parallel_loop3A_562, %parallel_loop3A_563] {strides = array<i32>} : memref<2x8x1024xf32, #tpu.memory_space<vmem>>, vector<16xf32>,
        tpu.vector_store %arg7[%parallel_loop3A_561, %parallel_loop3A_562, %parallel_loop3A_563], %parallel_loop3A_502 {strides = array<i32>} : memref<2x8x1024xf32, #tpu.memory_space<vmem>>, vector<16xf32>,
      } {sc.loop_unroll_factor = 8 : i64, sc.parallel_access}
      %mul3A_131 = arith.constant 32 : i32
      %mul3A_132 = arith.muli %select_n3A_30, %mul3A_131 : i32
      %add3A_133 = arith.constant 0 : i32
      %add3A_134 = arith.addi %mul3A_132, %add3A_133 : i32
      %dma_start3A_135 = arith.constant 0 : i32
      %dma_start3A_136 = arith.constant 0 : i32
      %dma_start3A_137 = arith.constant 0 : i32
      %dma_start3A_138 = tpu.memref_slice %arg7[%dma_start3A_135, %dma_start3A_136, %dma_start3A_137] : memref<2x8x1024xf32, #tpu.memory_space<vmem>> -> memref<1x8x1024xf32, #tpu.memory_space<vmem>>
      %dma_start3A_139 = tpu.memref_squeeze %dma_start3A_138 : memref<1x8x1024xf32, #tpu.memory_space<vmem>> -> memref<8x1024xf32, #tpu.memory_space<vmem>>
      %dma_start3A_140 = arith.constant 0 : i32
      %dma_start3A_141 = tpu.memref_slice %arg4[%scan3A_105, %select_n3A, %add3A_134, %dma_start3A_140] : memref<50x8x128x1024xf32, #tpu.memory_space<hbm>> -> memref<1x1x8x1024xf32, #tpu.memory_space<hbm>>
      %dma_start3A_142 = tpu.memref_squeeze %dma_start3A_141 : memref<1x1x8x1024xf32, #tpu.memory_space<hbm>> -> memref<8x1024xf32, #tpu.memory_space<hbm>>
      %dma_start3A_143 = arith.constant 0 : i32
      %dma_start3A_144 = tpu.memref_slice %arg4[%scan3A_105, %select_n3A, %add3A_134, %dma_start3A_143] : memref<50x8x128x1024xf32, #tpu.memory_space<hbm>> -> memref<1x1x8x1024xf32, #tpu.memory_space<hbm>>
      %dma_start3A_145 = tpu.memref_squeeze %dma_start3A_144 : memref<1x1x8x1024xf32, #tpu.memory_space<hbm>> -> memref<8x1024xf32, #tpu.memory_space<hbm>>
      %dma_start3A_146 = arith.constant 0 : i32
      %dma_start3A_147 = arith.constant 0 : i32
      %dma_start3A_148 = tpu.memref_slice %arg7[%dma_start3A_135, %dma_start3A_146, %dma_start3A_147] : memref<2x8x1024xf32, #tpu.memory_space<vmem>> -> memref<1x8x1024xf32, #tpu.memory_space<vmem>>
      %dma_start3A_149 = tpu.memref_squeeze %dma_start3A_148 : memref<1x8x1024xf32, #tpu.memory_space<vmem>> -> memref<8x1024xf32, #tpu.memory_space<vmem>>
      tpu.enqueue_dma source(%dma_start3A_149 : memref<8x1024xf32, #tpu.memory_space<vmem>>) target(%dma_start3A_145 : memref<8x1024xf32, #tpu.memory_space<hbm>>) target_semaphore(%arg9 : memref<!tpu.dma_semaphore, #tpu.memory_space<semaphore_mem>>)
      %ge3A_150 = arith.constant 1 : i32
      %ge3A_151 = arith.cmpi sge, %scan3A_105, %ge3A_150 : i32
      %convert_element_type3A_152 = arith.extui %ge3A_151 : i1 to i32
      %cond3A_153 = arith.constant 0 : i32
      %cond3A_154 = arith.cmpi ne, %convert_element_type3A_152, %cond3A_153 : i32
      scf.if %cond3A_154 {
        %dma_wait3A_259 = arith.constant 0 : i32
        %dma_wait3A_260 = arith.constant 0 : i32
        %dma_wait3A_261 = arith.constant 1 : i32
        %dma_wait3A_262 = arith.constant 0 : i32
        %dma_wait3A_263 = arith.constant 0 : i32
        %dma_wait3A_264 = tpu.memref_slice %arg7[%dma_wait3A_261, %dma_wait3A_262, %dma_wait3A_263] : memref<2x8x1024xf32, #tpu.memory_space<vmem>> -> memref<1x8x1024xf32, #tpu.memory_space<vmem>>
        %dma_wait3A_265 = tpu.memref_squeeze %dma_wait3A_264 : memref<1x8x1024xf32, #tpu.memory_space<vmem>> -> memref<8x1024xf32, #tpu.memory_space<vmem>>
        %dma_wait3A_266 = arith.constant 0 : i32
        %dma_wait3A_267 = arith.constant 0 : i32
        %dma_wait3A_268 = tpu.memref_slice %arg4[%dma_wait3A_259, %dma_wait3A_260, %dma_wait3A_266, %dma_wait3A_267] : memref<50x8x128x1024xf32, #tpu.memory_space<hbm>> -> memref<1x1x8x1024xf32, #tpu.memory_space<hbm>>
        %dma_wait3A_269 = tpu.memref_squeeze %dma_wait3A_268 : memref<1x1x8x1024xf32, #tpu.memory_space<hbm>> -> memref<8x1024xf32, #tpu.memory_space<hbm>>
        %dma_wait3A_270 = arith.constant 0 : i32
        %dma_wait3A_271 = arith.constant 0 : i32
        %dma_wait3A_272 = tpu.memref_slice %arg7[%dma_wait3A_261, %dma_wait3A_270, %dma_wait3A_271] : memref<2x8x1024xf32, #tpu.memory_space<vmem>> -> memref<1x8x1024xf32, #tpu.memory_space<vmem>>
        %dma_wait3A_273 = tpu.memref_squeeze %dma_wait3A_272 : memref<1x8x1024xf32, #tpu.memory_space<vmem>> -> memref<8x1024xf32, #tpu.memory_space<vmem>>
        %dma_wait3A_274 = arith.constant 0 : i32
        %dma_wait3A_275 = arith.constant 0 : i32
        %dma_wait3A_276 = tpu.memref_slice %arg4[%dma_wait3A_259, %dma_wait3A_260, %dma_wait3A_274, %dma_wait3A_275] : memref<50x8x128x1024xf32, #tpu.memory_space<hbm>> -> memref<1x1x8x1024xf32, #tpu.memory_space<hbm>>
        %dma_wait3A_277 = tpu.memref_squeeze %dma_wait3A_276 : memref<1x1x8x1024xf32, #tpu.memory_space<hbm>> -> memref<8x1024xf32, #tpu.memory_space<hbm>>
        tpu.wait_dma2 semaphore(%arg10 : memref<!tpu.dma_semaphore, #tpu.memory_space<semaphore_mem>>) src(%dma_wait3A_277 : memref<8x1024xf32, #tpu.memory_space<hbm>>) dst(%dma_wait3A_273 : memref<8x1024xf32, #tpu.memory_space<vmem>>)
      } else {
      }
      %parallel_loop3A_155 = arith.constant 0 : i32
      %parallel_loop3A_156 = arith.constant 64 : i32
      %parallel_loop3A_157 = arith.constant 1 : i32
      scf.for %parallel_loop3A_259 = %parallel_loop3A_155 to %parallel_loop3A_156 step %parallel_loop3A_157  : i32 {
        %parallel_loop3A_260 = arith.constant 16 : i32
        %parallel_loop3A_261 = arith.muli %parallel_loop3A_259, %parallel_loop3A_260 : i32
        %parallel_loop3A_262 = arith.constant 1024 : i32
        %parallel_loop3A_263 = arith.addi %parallel_loop3A_262, %parallel_loop3A_261 : i32
        %parallel_loop3A_264 = arith.index_cast %rem3A_107 : i32 to index
        %parallel_loop3A_265 = arith.index_cast %parallel_loop3A_263 : i32 to index
        %parallel_loop3A_266 = tpu.vector_load %arg6[%parallel_loop3A_264, %parallel_loop3A_265] {strides = array<i32>} : memref<2x4096xi32, #tpu.memory_space<vmem>>, vector<16xi32>,
        %parallel_loop3A_267 = arith.constant 8 : i32
        %parallel_loop3A_268 = arith.constant 0 : i32
        %parallel_loop3A_269 = arith.cmpi eq, %parallel_loop3A_267, %parallel_loop3A_268 : i32
        %parallel_loop3A_270 = arith.constant 1 : i32
        %parallel_loop3A_271 = arith.select %parallel_loop3A_269, %parallel_loop3A_270, %parallel_loop3A_267 : i32
        %parallel_loop3A_272 = arith.remsi %parallel_loop3A_259, %parallel_loop3A_271 : i32
        %parallel_loop3A_273 = arith.constant 0 : i32
        %parallel_loop3A_274 = arith.cmpi ne, %parallel_loop3A_272, %parallel_loop3A_273 : i32
        %parallel_loop3A_275 = arith.constant 0 : i32
        %parallel_loop3A_276 = arith.cmpi slt, %parallel_loop3A_272, %parallel_loop3A_275 : i32
        %parallel_loop3A_277 = arith.constant 0 : i32
        %parallel_loop3A_278 = arith.cmpi slt, %parallel_loop3A_271, %parallel_loop3A_277 : i32
        %parallel_loop3A_279 = arith.xori %parallel_loop3A_276, %parallel_loop3A_278 : i1
        %parallel_loop3A_280 = arith.andi %parallel_loop3A_279, %parallel_loop3A_274 : i1
        %parallel_loop3A_281 = arith.addi %parallel_loop3A_272, %parallel_loop3A_271 : i32
        %parallel_loop3A_282 = arith.select %parallel_loop3A_280, %parallel_loop3A_281, %parallel_loop3A_272 : i32
        %parallel_loop3A_283 = arith.constant 16 : i32
        %parallel_loop3A_284 = arith.muli %parallel_loop3A_282, %parallel_loop3A_283 : i32
        %parallel_loop3A_285 = arith.constant 0 : i32
        %parallel_loop3A_286 = arith.constant 0 : i32
        %parallel_loop3A_287 = tpu.memref_slice %arg5[%parallel_loop3A_285, %parallel_loop3A_286] : memref<4x24840xi32, #tpu.memory_space<vmem>> -> memref<1x24840xi32, #tpu.memory_space<vmem>>
        %parallel_loop3A_288 = tpu.memref_squeeze %parallel_loop3A_287 : memref<1x24840xi32, #tpu.memory_space<vmem>> -> memref<24840xi32, #tpu.memory_space<vmem>>
        %parallel_loop3A_289 = tpu.vector_load_idx %parallel_loop3A_288[%parallel_loop3A_266] : memref<24840xi32, #tpu.memory_space<vmem>>[vector<16xi32>], vector<16xi32>,
        %parallel_loop3A_290 = vector.bitcast %parallel_loop3A_289 : vector<16xi32> to vector<32xbf16>
        %parallel_loop3A_291 = tpu.unpack_subelements %parallel_loop3A_290, 0 {pack_format = #tpu.pack_format<interleaved>} : vector<32xbf16> -> vector<16xf32>
        %parallel_loop3A_292 = tpu.unpack_subelements %parallel_loop3A_290, 1 {pack_format = #tpu.pack_format<interleaved>} : vector<32xbf16> -> vector<16xf32>
        %parallel_loop3A_293 = arith.constant 8 : i32
        %parallel_loop3A_294 = arith.divsi %parallel_loop3A_259, %parallel_loop3A_293 : i32
        %parallel_loop3A_295 = arith.constant 0 : i32
        %parallel_loop3A_296 = arith.cmpi sgt, %parallel_loop3A_259, %parallel_loop3A_295 : i32
        %parallel_loop3A_297 = arith.extui %parallel_loop3A_296 : i1 to i32
        %parallel_loop3A_298 = arith.constant 0 : i32
        %parallel_loop3A_299 = arith.cmpi slt, %parallel_loop3A_259, %parallel_loop3A_298 : i32
        %parallel_loop3A_300 = arith.extui %parallel_loop3A_299 : i1 to i32
        %parallel_loop3A_301 = arith.subi %parallel_loop3A_297, %parallel_loop3A_300 : i32
        %parallel_loop3A_302 = arith.constant 0 : i32
        %parallel_loop3A_303 = arith.cmpi sgt, %parallel_loop3A_293, %parallel_loop3A_302 : i32
        %parallel_loop3A_304 = arith.extui %parallel_loop3A_303 : i1 to i32
        %parallel_loop3A_305 = arith.constant 0 : i32
        %parallel_loop3A_306 = arith.cmpi slt, %parallel_loop3A_293, %parallel_loop3A_305 : i32
        %parallel_loop3A_307 = arith.extui %parallel_loop3A_306 : i1 to i32
        %parallel_loop3A_308 = arith.subi %parallel_loop3A_304, %parallel_loop3A_307 : i32
        %parallel_loop3A_309 = arith.cmpi ne, %parallel_loop3A_301, %parallel_loop3A_308 : i32
        %parallel_loop3A_310 = arith.remsi %parallel_loop3A_259, %parallel_loop3A_293 : i32
        %parallel_loop3A_311 = arith.constant 0 : i32
        %parallel_loop3A_312 = arith.cmpi ne, %parallel_loop3A_310, %parallel_loop3A_311 : i32
        %parallel_loop3A_313 = arith.andi %parallel_loop3A_309, %parallel_loop3A_312 : i1
        %parallel_loop3A_314 = arith.constant 1 : i32
        %parallel_loop3A_315 = arith.subi %parallel_loop3A_294, %parallel_loop3A_314 : i32
        %parallel_loop3A_316 = arith.select %parallel_loop3A_313, %parallel_loop3A_315, %parallel_loop3A_294 : i32
        %parallel_loop3A_317 = arith.constant 0 : i32
        %parallel_loop3A_318 = arith.addi %parallel_loop3A_317, %parallel_loop3A_284 : i32
        %parallel_loop3A_319 = arith.constant 1 : i32
        %parallel_loop3A_320 = arith.index_cast %parallel_loop3A_319 : i32 to index
        %parallel_loop3A_321 = arith.index_cast %parallel_loop3A_316 : i32 to index
        %parallel_loop3A_322 = arith.index_cast %parallel_loop3A_318 : i32 to index
        %parallel_loop3A_323 = tpu.vector_load %arg7[%parallel_loop3A_320, %parallel_loop3A_321, %parallel_loop3A_322] {strides = array<i32>} : memref<2x8x1024xf32, #tpu.memory_space<vmem>>, vector<16xf32>,
        tpu.vector_store %arg7[%parallel_loop3A_320, %parallel_loop3A_321, %parallel_loop3A_322], %parallel_loop3A_291 {strides = array<i32>} : memref<2x8x1024xf32, #tpu.memory_space<vmem>>, vector<16xf32>,
        %parallel_loop3A_324 = arith.constant 8 : i32
        %parallel_loop3A_325 = arith.divsi %parallel_loop3A_259, %parallel_loop3A_324 : i32
        %parallel_loop3A_326 = arith.constant 0 : i32
        %parallel_loop3A_327 = arith.cmpi sgt, %parallel_loop3A_259, %parallel_loop3A_326 : i32
        %parallel_loop3A_328 = arith.extui %parallel_loop3A_327 : i1 to i32
        %parallel_loop3A_329 = arith.constant 0 : i32
        %parallel_loop3A_330 = arith.cmpi slt, %parallel_loop3A_259, %parallel_loop3A_329 : i32
        %parallel_loop3A_331 = arith.extui %parallel_loop3A_330 : i1 to i32
        %parallel_loop3A_332 = arith.subi %parallel_loop3A_328, %parallel_loop3A_331 : i32
        %parallel_loop3A_333 = arith.constant 0 : i32
        %parallel_loop3A_334 = arith.cmpi sgt, %parallel_loop3A_324, %parallel_loop3A_333 : i32
        %parallel_loop3A_335 = arith.extui %parallel_loop3A_334 : i1 to i32
        %parallel_loop3A_336 = arith.constant 0 : i32
        %parallel_loop3A_337 = arith.cmpi slt, %parallel_loop3A_324, %parallel_loop3A_336 : i32
        %parallel_loop3A_338 = arith.extui %parallel_loop3A_337 : i1 to i32
        %parallel_loop3A_339 = arith.subi %parallel_loop3A_335, %parallel_loop3A_338 : i32
        %parallel_loop3A_340 = arith.cmpi ne, %parallel_loop3A_332, %parallel_loop3A_339 : i32
        %parallel_loop3A_341 = arith.remsi %parallel_loop3A_259, %parallel_loop3A_324 : i32
        %parallel_loop3A_342 = arith.constant 0 : i32
        %parallel_loop3A_343 = arith.cmpi ne, %parallel_loop3A_341, %parallel_loop3A_342 : i32
        %parallel_loop3A_344 = arith.andi %parallel_loop3A_340, %parallel_loop3A_343 : i1
        %parallel_loop3A_345 = arith.constant 1 : i32
        %parallel_loop3A_346 = arith.subi %parallel_loop3A_325, %parallel_loop3A_345 : i32
        %parallel_loop3A_347 = arith.select %parallel_loop3A_344, %parallel_loop3A_346, %parallel_loop3A_325 : i32
        %parallel_loop3A_348 = arith.constant 128 : i32
        %parallel_loop3A_349 = arith.addi %parallel_loop3A_348, %parallel_loop3A_284 : i32
        %parallel_loop3A_350 = arith.constant 1 : i32
        %parallel_loop3A_351 = arith.index_cast %parallel_loop3A_350 : i32 to index
        %parallel_loop3A_352 = arith.index_cast %parallel_loop3A_347 : i32 to index
        %parallel_loop3A_353 = arith.index_cast %parallel_loop3A_349 : i32 to index
        %parallel_loop3A_354 = tpu.vector_load %arg7[%parallel_loop3A_351, %parallel_loop3A_352, %parallel_loop3A_353] {strides = array<i32>} : memref<2x8x1024xf32, #tpu.memory_space<vmem>>, vector<16xf32>,
        tpu.vector_store %arg7[%parallel_loop3A_351, %parallel_loop3A_352, %parallel_loop3A_353], %parallel_loop3A_292 {strides = array<i32>} : memref<2x8x1024xf32, #tpu.memory_space<vmem>>, vector<16xf32>,
        %parallel_loop3A_355 = arith.constant 1 : i32
        %parallel_loop3A_356 = arith.constant 0 : i32
        %parallel_loop3A_357 = tpu.memref_slice %arg5[%parallel_loop3A_355, %parallel_loop3A_356] : memref<4x24840xi32, #tpu.memory_space<vmem>> -> memref<1x24840xi32, #tpu.memory_space<vmem>>
        %parallel_loop3A_358 = tpu.memref_squeeze %parallel_loop3A_357 : memref<1x24840xi32, #tpu.memory_space<vmem>> -> memref<24840xi32, #tpu.memory_space<vmem>>
        %parallel_loop3A_359 = tpu.vector_load_idx %parallel_loop3A_358[%parallel_loop3A_266] : memref<24840xi32, #tpu.memory_space<vmem>>[vector<16xi32>], vector<16xi32>,
        %parallel_loop3A_360 = vector.bitcast %parallel_loop3A_359 : vector<16xi32> to vector<32xbf16>
        %parallel_loop3A_361 = tpu.unpack_subelements %parallel_loop3A_360, 0 {pack_format = #tpu.pack_format<interleaved>} : vector<32xbf16> -> vector<16xf32>
        %parallel_loop3A_362 = tpu.unpack_subelements %parallel_loop3A_360, 1 {pack_format = #tpu.pack_format<interleaved>} : vector<32xbf16> -> vector<16xf32>
        %parallel_loop3A_363 = arith.constant 8 : i32
        %parallel_loop3A_364 = arith.divsi %parallel_loop3A_259, %parallel_loop3A_363 : i32
        %parallel_loop3A_365 = arith.constant 0 : i32
        %parallel_loop3A_366 = arith.cmpi sgt, %parallel_loop3A_259, %parallel_loop3A_365 : i32
        %parallel_loop3A_367 = arith.extui %parallel_loop3A_366 : i1 to i32
        %parallel_loop3A_368 = arith.constant 0 : i32
        %parallel_loop3A_369 = arith.cmpi slt, %parallel_loop3A_259, %parallel_loop3A_368 : i32
        %parallel_loop3A_370 = arith.extui %parallel_loop3A_369 : i1 to i32
        %parallel_loop3A_371 = arith.subi %parallel_loop3A_367, %parallel_loop3A_370 : i32
        %parallel_loop3A_372 = arith.constant 0 : i32
        %parallel_loop3A_373 = arith.cmpi sgt, %parallel_loop3A_363, %parallel_loop3A_372 : i32
        %parallel_loop3A_374 = arith.extui %parallel_loop3A_373 : i1 to i32
        %parallel_loop3A_375 = arith.constant 0 : i32
        %parallel_loop3A_376 = arith.cmpi slt, %parallel_loop3A_363, %parallel_loop3A_375 : i32
        %parallel_loop3A_377 = arith.extui %parallel_loop3A_376 : i1 to i32
        %parallel_loop3A_378 = arith.subi %parallel_loop3A_374, %parallel_loop3A_377 : i32
        %parallel_loop3A_379 = arith.cmpi ne, %parallel_loop3A_371, %parallel_loop3A_378 : i32
        %parallel_loop3A_380 = arith.remsi %parallel_loop3A_259, %parallel_loop3A_363 : i32
        %parallel_loop3A_381 = arith.constant 0 : i32
        %parallel_loop3A_382 = arith.cmpi ne, %parallel_loop3A_380, %parallel_loop3A_381 : i32
        %parallel_loop3A_383 = arith.andi %parallel_loop3A_379, %parallel_loop3A_382 : i1
        %parallel_loop3A_384 = arith.constant 1 : i32
        %parallel_loop3A_385 = arith.subi %parallel_loop3A_364, %parallel_loop3A_384 : i32
        %parallel_loop3A_386 = arith.select %parallel_loop3A_383, %parallel_loop3A_385, %parallel_loop3A_364 : i32
        %parallel_loop3A_387 = arith.constant 256 : i32
        %parallel_loop3A_388 = arith.addi %parallel_loop3A_387, %parallel_loop3A_284 : i32
        %parallel_loop3A_389 = arith.constant 1 : i32
        %parallel_loop3A_390 = arith.index_cast %parallel_loop3A_389 : i32 to index
        %parallel_loop3A_391 = arith.index_cast %parallel_loop3A_386 : i32 to index
        %parallel_loop3A_392 = arith.index_cast %parallel_loop3A_388 : i32 to index
        %parallel_loop3A_393 = tpu.vector_load %arg7[%parallel_loop3A_390, %parallel_loop3A_391, %parallel_loop3A_392] {strides = array<i32>} : memref<2x8x1024xf32, #tpu.memory_space<vmem>>, vector<16xf32>,
        tpu.vector_store %arg7[%parallel_loop3A_390, %parallel_loop3A_391, %parallel_loop3A_392], %parallel_loop3A_361 {strides = array<i32>} : memref<2x8x1024xf32, #tpu.memory_space<vmem>>, vector<16xf32>,
        %parallel_loop3A_394 = arith.constant 8 : i32
        %parallel_loop3A_395 = arith.divsi %parallel_loop3A_259, %parallel_loop3A_394 : i32
        %parallel_loop3A_396 = arith.constant 0 : i32
        %parallel_loop3A_397 = arith.cmpi sgt, %parallel_loop3A_259, %parallel_loop3A_396 : i32
        %parallel_loop3A_398 = arith.extui %parallel_loop3A_397 : i1 to i32
        %parallel_loop3A_399 = arith.constant 0 : i32
        %parallel_loop3A_400 = arith.cmpi slt, %parallel_loop3A_259, %parallel_loop3A_399 : i32
        %parallel_loop3A_401 = arith.extui %parallel_loop3A_400 : i1 to i32
        %parallel_loop3A_402 = arith.subi %parallel_loop3A_398, %parallel_loop3A_401 : i32
        %parallel_loop3A_403 = arith.constant 0 : i32
        %parallel_loop3A_404 = arith.cmpi sgt, %parallel_loop3A_394, %parallel_loop3A_403 : i32
        %parallel_loop3A_405 = arith.extui %parallel_loop3A_404 : i1 to i32
        %parallel_loop3A_406 = arith.constant 0 : i32
        %parallel_loop3A_407 = arith.cmpi slt, %parallel_loop3A_394, %parallel_loop3A_406 : i32
        %parallel_loop3A_408 = arith.extui %parallel_loop3A_407 : i1 to i32
        %parallel_loop3A_409 = arith.subi %parallel_loop3A_405, %parallel_loop3A_408 : i32
        %parallel_loop3A_410 = arith.cmpi ne, %parallel_loop3A_402, %parallel_loop3A_409 : i32
        %parallel_loop3A_411 = arith.remsi %parallel_loop3A_259, %parallel_loop3A_394 : i32
        %parallel_loop3A_412 = arith.constant 0 : i32
        %parallel_loop3A_413 = arith.cmpi ne, %parallel_loop3A_411, %parallel_loop3A_412 : i32
        %parallel_loop3A_414 = arith.andi %parallel_loop3A_410, %parallel_loop3A_413 : i1
        %parallel_loop3A_415 = arith.constant 1 : i32
        %parallel_loop3A_416 = arith.subi %parallel_loop3A_395, %parallel_loop3A_415 : i32
        %parallel_loop3A_417 = arith.select %parallel_loop3A_414, %parallel_loop3A_416, %parallel_loop3A_395 : i32
        %parallel_loop3A_418 = arith.constant 384 : i32
        %parallel_loop3A_419 = arith.addi %parallel_loop3A_418, %parallel_loop3A_284 : i32
        %parallel_loop3A_420 = arith.constant 1 : i32
        %parallel_loop3A_421 = arith.index_cast %parallel_loop3A_420 : i32 to index
        %parallel_loop3A_422 = arith.index_cast %parallel_loop3A_417 : i32 to index
        %parallel_loop3A_423 = arith.index_cast %parallel_loop3A_419 : i32 to index
        %parallel_loop3A_424 = tpu.vector_load %arg7[%parallel_loop3A_421, %parallel_loop3A_422, %parallel_loop3A_423] {strides = array<i32>} : memref<2x8x1024xf32, #tpu.memory_space<vmem>>, vector<16xf32>,
        tpu.vector_store %arg7[%parallel_loop3A_421, %parallel_loop3A_422, %parallel_loop3A_423], %parallel_loop3A_362 {strides = array<i32>} : memref<2x8x1024xf32, #tpu.memory_space<vmem>>, vector<16xf32>,
        %parallel_loop3A_425 = arith.constant 2 : i32
        %parallel_loop3A_426 = arith.constant 0 : i32
        %parallel_loop3A_427 = tpu.memref_slice %arg5[%parallel_loop3A_425, %parallel_loop3A_426] : memref<4x24840xi32, #tpu.memory_space<vmem>> -> memref<1x24840xi32, #tpu.memory_space<vmem>>
        %parallel_loop3A_428 = tpu.memref_squeeze %parallel_loop3A_427 : memref<1x24840xi32, #tpu.memory_space<vmem>> -> memref<24840xi32, #tpu.memory_space<vmem>>
        %parallel_loop3A_429 = tpu.vector_load_idx %parallel_loop3A_428[%parallel_loop3A_266] : memref<24840xi32, #tpu.memory_space<vmem>>[vector<16xi32>], vector<16xi32>,
        %parallel_loop3A_430 = vector.bitcast %parallel_loop3A_429 : vector<16xi32> to vector<32xbf16>
        %parallel_loop3A_431 = tpu.unpack_subelements %parallel_loop3A_430, 0 {pack_format = #tpu.pack_format<interleaved>} : vector<32xbf16> -> vector<16xf32>
        %parallel_loop3A_432 = tpu.unpack_subelements %parallel_loop3A_430, 1 {pack_format = #tpu.pack_format<interleaved>} : vector<32xbf16> -> vector<16xf32>
        %parallel_loop3A_433 = arith.constant 8 : i32
        %parallel_loop3A_434 = arith.divsi %parallel_loop3A_259, %parallel_loop3A_433 : i32
        %parallel_loop3A_435 = arith.constant 0 : i32
        %parallel_loop3A_436 = arith.cmpi sgt, %parallel_loop3A_259, %parallel_loop3A_435 : i32
        %parallel_loop3A_437 = arith.extui %parallel_loop3A_436 : i1 to i32
        %parallel_loop3A_438 = arith.constant 0 : i32
        %parallel_loop3A_439 = arith.cmpi slt, %parallel_loop3A_259, %parallel_loop3A_438 : i32
        %parallel_loop3A_440 = arith.extui %parallel_loop3A_439 : i1 to i32
        %parallel_loop3A_441 = arith.subi %parallel_loop3A_437, %parallel_loop3A_440 : i32
        %parallel_loop3A_442 = arith.constant 0 : i32
        %parallel_loop3A_443 = arith.cmpi sgt, %parallel_loop3A_433, %parallel_loop3A_442 : i32
        %parallel_loop3A_444 = arith.extui %parallel_loop3A_443 : i1 to i32
        %parallel_loop3A_445 = arith.constant 0 : i32
        %parallel_loop3A_446 = arith.cmpi slt, %parallel_loop3A_433, %parallel_loop3A_445 : i32
        %parallel_loop3A_447 = arith.extui %parallel_loop3A_446 : i1 to i32
        %parallel_loop3A_448 = arith.subi %parallel_loop3A_444, %parallel_loop3A_447 : i32
        %parallel_loop3A_449 = arith.cmpi ne, %parallel_loop3A_441, %parallel_loop3A_448 : i32
        %parallel_loop3A_450 = arith.remsi %parallel_loop3A_259, %parallel_loop3A_433 : i32
        %parallel_loop3A_451 = arith.constant 0 : i32
        %parallel_loop3A_452 = arith.cmpi ne, %parallel_loop3A_450, %parallel_loop3A_451 : i32
        %parallel_loop3A_453 = arith.andi %parallel_loop3A_449, %parallel_loop3A_452 : i1
        %parallel_loop3A_454 = arith.constant 1 : i32
        %parallel_loop3A_455 = arith.subi %parallel_loop3A_434, %parallel_loop3A_454 : i32
        %parallel_loop3A_456 = arith.select %parallel_loop3A_453, %parallel_loop3A_455, %parallel_loop3A_434 : i32
        %parallel_loop3A_457 = arith.constant 512 : i32
        %parallel_loop3A_458 = arith.addi %parallel_loop3A_457, %parallel_loop3A_284 : i32
        %parallel_loop3A_459 = arith.constant 1 : i32
        %parallel_loop3A_460 = arith.index_cast %parallel_loop3A_459 : i32 to index
        %parallel_loop3A_461 = arith.index_cast %parallel_loop3A_456 : i32 to index
        %parallel_loop3A_462 = arith.index_cast %parallel_loop3A_458 : i32 to index
        %parallel_loop3A_463 = tpu.vector_load %arg7[%parallel_loop3A_460, %parallel_loop3A_461, %parallel_loop3A_462] {strides = array<i32>} : memref<2x8x1024xf32, #tpu.memory_space<vmem>>, vector<16xf32>,
        tpu.vector_store %arg7[%parallel_loop3A_460, %parallel_loop3A_461, %parallel_loop3A_462], %parallel_loop3A_431 {strides = array<i32>} : memref<2x8x1024xf32, #tpu.memory_space<vmem>>, vector<16xf32>,
        %parallel_loop3A_464 = arith.constant 8 : i32
        %parallel_loop3A_465 = arith.divsi %parallel_loop3A_259, %parallel_loop3A_464 : i32
        %parallel_loop3A_466 = arith.constant 0 : i32
        %parallel_loop3A_467 = arith.cmpi sgt, %parallel_loop3A_259, %parallel_loop3A_466 : i32
        %parallel_loop3A_468 = arith.extui %parallel_loop3A_467 : i1 to i32
        %parallel_loop3A_469 = arith.constant 0 : i32
        %parallel_loop3A_470 = arith.cmpi slt, %parallel_loop3A_259, %parallel_loop3A_469 : i32
        %parallel_loop3A_471 = arith.extui %parallel_loop3A_470 : i1 to i32
        %parallel_loop3A_472 = arith.subi %parallel_loop3A_468, %parallel_loop3A_471 : i32
        %parallel_loop3A_473 = arith.constant 0 : i32
        %parallel_loop3A_474 = arith.cmpi sgt, %parallel_loop3A_464, %parallel_loop3A_473 : i32
        %parallel_loop3A_475 = arith.extui %parallel_loop3A_474 : i1 to i32
        %parallel_loop3A_476 = arith.constant 0 : i32
        %parallel_loop3A_477 = arith.cmpi slt, %parallel_loop3A_464, %parallel_loop3A_476 : i32
        %parallel_loop3A_478 = arith.extui %parallel_loop3A_477 : i1 to i32
        %parallel_loop3A_479 = arith.subi %parallel_loop3A_475, %parallel_loop3A_478 : i32
        %parallel_loop3A_480 = arith.cmpi ne, %parallel_loop3A_472, %parallel_loop3A_479 : i32
        %parallel_loop3A_481 = arith.remsi %parallel_loop3A_259, %parallel_loop3A_464 : i32
        %parallel_loop3A_482 = arith.constant 0 : i32
        %parallel_loop3A_483 = arith.cmpi ne, %parallel_loop3A_481, %parallel_loop3A_482 : i32
        %parallel_loop3A_484 = arith.andi %parallel_loop3A_480, %parallel_loop3A_483 : i1
        %parallel_loop3A_485 = arith.constant 1 : i32
        %parallel_loop3A_486 = arith.subi %parallel_loop3A_465, %parallel_loop3A_485 : i32
        %parallel_loop3A_487 = arith.select %parallel_loop3A_484, %parallel_loop3A_486, %parallel_loop3A_465 : i32
        %parallel_loop3A_488 = arith.constant 640 : i32
        %parallel_loop3A_489 = arith.addi %parallel_loop3A_488, %parallel_loop3A_284 : i32
        %parallel_loop3A_490 = arith.constant 1 : i32
        %parallel_loop3A_491 = arith.index_cast %parallel_loop3A_490 : i32 to index
        %parallel_loop3A_492 = arith.index_cast %parallel_loop3A_487 : i32 to index
        %parallel_loop3A_493 = arith.index_cast %parallel_loop3A_489 : i32 to index
        %parallel_loop3A_494 = tpu.vector_load %arg7[%parallel_loop3A_491, %parallel_loop3A_492, %parallel_loop3A_493] {strides = array<i32>} : memref<2x8x1024xf32, #tpu.memory_space<vmem>>, vector<16xf32>,
        tpu.vector_store %arg7[%parallel_loop3A_491, %parallel_loop3A_492, %parallel_loop3A_493], %parallel_loop3A_432 {strides = array<i32>} : memref<2x8x1024xf32, #tpu.memory_space<vmem>>, vector<16xf32>,
        %parallel_loop3A_495 = arith.constant 3 : i32
        %parallel_loop3A_496 = arith.constant 0 : i32
        %parallel_loop3A_497 = tpu.memref_slice %arg5[%parallel_loop3A_495, %parallel_loop3A_496] : memref<4x24840xi32, #tpu.memory_space<vmem>> -> memref<1x24840xi32, #tpu.memory_space<vmem>>
        %parallel_loop3A_498 = tpu.memref_squeeze %parallel_loop3A_497 : memref<1x24840xi32, #tpu.memory_space<vmem>> -> memref<24840xi32, #tpu.memory_space<vmem>>
        %parallel_loop3A_499 = tpu.vector_load_idx %parallel_loop3A_498[%parallel_loop3A_266] : memref<24840xi32, #tpu.memory_space<vmem>>[vector<16xi32>], vector<16xi32>,
        %parallel_loop3A_500 = vector.bitcast %parallel_loop3A_499 : vector<16xi32> to vector<32xbf16>
        %parallel_loop3A_501 = tpu.unpack_subelements %parallel_loop3A_500, 0 {pack_format = #tpu.pack_format<interleaved>} : vector<32xbf16> -> vector<16xf32>
        %parallel_loop3A_502 = tpu.unpack_subelements %parallel_loop3A_500, 1 {pack_format = #tpu.pack_format<interleaved>} : vector<32xbf16> -> vector<16xf32>
        %parallel_loop3A_503 = arith.constant 8 : i32
        %parallel_loop3A_504 = arith.divsi %parallel_loop3A_259, %parallel_loop3A_503 : i32
        %parallel_loop3A_505 = arith.constant 0 : i32
        %parallel_loop3A_506 = arith.cmpi sgt, %parallel_loop3A_259, %parallel_loop3A_505 : i32
        %parallel_loop3A_507 = arith.extui %parallel_loop3A_506 : i1 to i32
        %parallel_loop3A_508 = arith.constant 0 : i32
        %parallel_loop3A_509 = arith.cmpi slt, %parallel_loop3A_259, %parallel_loop3A_508 : i32
        %parallel_loop3A_510 = arith.extui %parallel_loop3A_509 : i1 to i32
        %parallel_loop3A_511 = arith.subi %parallel_loop3A_507, %parallel_loop3A_510 : i32
        %parallel_loop3A_512 = arith.constant 0 : i32
        %parallel_loop3A_513 = arith.cmpi sgt, %parallel_loop3A_503, %parallel_loop3A_512 : i32
        %parallel_loop3A_514 = arith.extui %parallel_loop3A_513 : i1 to i32
        %parallel_loop3A_515 = arith.constant 0 : i32
        %parallel_loop3A_516 = arith.cmpi slt, %parallel_loop3A_503, %parallel_loop3A_515 : i32
        %parallel_loop3A_517 = arith.extui %parallel_loop3A_516 : i1 to i32
        %parallel_loop3A_518 = arith.subi %parallel_loop3A_514, %parallel_loop3A_517 : i32
        %parallel_loop3A_519 = arith.cmpi ne, %parallel_loop3A_511, %parallel_loop3A_518 : i32
        %parallel_loop3A_520 = arith.remsi %parallel_loop3A_259, %parallel_loop3A_503 : i32
        %parallel_loop3A_521 = arith.constant 0 : i32
        %parallel_loop3A_522 = arith.cmpi ne, %parallel_loop3A_520, %parallel_loop3A_521 : i32
        %parallel_loop3A_523 = arith.andi %parallel_loop3A_519, %parallel_loop3A_522 : i1
        %parallel_loop3A_524 = arith.constant 1 : i32
        %parallel_loop3A_525 = arith.subi %parallel_loop3A_504, %parallel_loop3A_524 : i32
        %parallel_loop3A_526 = arith.select %parallel_loop3A_523, %parallel_loop3A_525, %parallel_loop3A_504 : i32
        %parallel_loop3A_527 = arith.constant 768 : i32
        %parallel_loop3A_528 = arith.addi %parallel_loop3A_527, %parallel_loop3A_284 : i32
        %parallel_loop3A_529 = arith.constant 1 : i32
        %parallel_loop3A_530 = arith.index_cast %parallel_loop3A_529 : i32 to index
        %parallel_loop3A_531 = arith.index_cast %parallel_loop3A_526 : i32 to index
        %parallel_loop3A_532 = arith.index_cast %parallel_loop3A_528 : i32 to index
        %parallel_loop3A_533 = tpu.vector_load %arg7[%parallel_loop3A_530, %parallel_loop3A_531, %parallel_loop3A_532] {strides = array<i32>} : memref<2x8x1024xf32, #tpu.memory_space<vmem>>, vector<16xf32>,
        tpu.vector_store %arg7[%parallel_loop3A_530, %parallel_loop3A_531, %parallel_loop3A_532], %parallel_loop3A_501 {strides = array<i32>} : memref<2x8x1024xf32, #tpu.memory_space<vmem>>, vector<16xf32>,
        %parallel_loop3A_534 = arith.constant 8 : i32
        %parallel_loop3A_535 = arith.divsi %parallel_loop3A_259, %parallel_loop3A_534 : i32
        %parallel_loop3A_536 = arith.constant 0 : i32
        %parallel_loop3A_537 = arith.cmpi sgt, %parallel_loop3A_259, %parallel_loop3A_536 : i32
        %parallel_loop3A_538 = arith.extui %parallel_loop3A_537 : i1 to i32
        %parallel_loop3A_539 = arith.constant 0 : i32
        %parallel_loop3A_540 = arith.cmpi slt, %parallel_loop3A_259, %parallel_loop3A_539 : i32
        %parallel_loop3A_541 = arith.extui %parallel_loop3A_540 : i1 to i32
        %parallel_loop3A_542 = arith.subi %parallel_loop3A_538, %parallel_loop3A_541 : i32
        %parallel_loop3A_543 = arith.constant 0 : i32
        %parallel_loop3A_544 = arith.cmpi sgt, %parallel_loop3A_534, %parallel_loop3A_543 : i32
        %parallel_loop3A_545 = arith.extui %parallel_loop3A_544 : i1 to i32
        %parallel_loop3A_546 = arith.constant 0 : i32
        %parallel_loop3A_547 = arith.cmpi slt, %parallel_loop3A_534, %parallel_loop3A_546 : i32
        %parallel_loop3A_548 = arith.extui %parallel_loop3A_547 : i1 to i32
        %parallel_loop3A_549 = arith.subi %parallel_loop3A_545, %parallel_loop3A_548 : i32
        %parallel_loop3A_550 = arith.cmpi ne, %parallel_loop3A_542, %parallel_loop3A_549 : i32
        %parallel_loop3A_551 = arith.remsi %parallel_loop3A_259, %parallel_loop3A_534 : i32
        %parallel_loop3A_552 = arith.constant 0 : i32
        %parallel_loop3A_553 = arith.cmpi ne, %parallel_loop3A_551, %parallel_loop3A_552 : i32
        %parallel_loop3A_554 = arith.andi %parallel_loop3A_550, %parallel_loop3A_553 : i1
        %parallel_loop3A_555 = arith.constant 1 : i32
        %parallel_loop3A_556 = arith.subi %parallel_loop3A_535, %parallel_loop3A_555 : i32
        %parallel_loop3A_557 = arith.select %parallel_loop3A_554, %parallel_loop3A_556, %parallel_loop3A_535 : i32
        %parallel_loop3A_558 = arith.constant 896 : i32
        %parallel_loop3A_559 = arith.addi %parallel_loop3A_558, %parallel_loop3A_284 : i32
        %parallel_loop3A_560 = arith.constant 1 : i32
        %parallel_loop3A_561 = arith.index_cast %parallel_loop3A_560 : i32 to index
        %parallel_loop3A_562 = arith.index_cast %parallel_loop3A_557 : i32 to index
        %parallel_loop3A_563 = arith.index_cast %parallel_loop3A_559 : i32 to index
        %parallel_loop3A_564 = tpu.vector_load %arg7[%parallel_loop3A_561, %parallel_loop3A_562, %parallel_loop3A_563] {strides = array<i32>} : memref<2x8x1024xf32, #tpu.memory_space<vmem>>, vector<16xf32>,
        tpu.vector_store %arg7[%parallel_loop3A_561, %parallel_loop3A_562, %parallel_loop3A_563], %parallel_loop3A_502 {strides = array<i32>} : memref<2x8x1024xf32, #tpu.memory_space<vmem>>, vector<16xf32>,
      } {sc.loop_unroll_factor = 8 : i64, sc.parallel_access}
      %mul3A_158 = arith.constant 32 : i32
      %mul3A_159 = arith.muli %select_n3A_30, %mul3A_158 : i32
      %add3A_160 = arith.constant 8 : i32
      %add3A_161 = arith.addi %mul3A_159, %add3A_160 : i32
      %dma_start3A_162 = arith.constant 1 : i32
      %dma_start3A_163 = arith.constant 0 : i32
      %dma_start3A_164 = arith.constant 0 : i32
      %dma_start3A_165 = tpu.memref_slice %arg7[%dma_start3A_162, %dma_start3A_163, %dma_start3A_164] : memref<2x8x1024xf32, #tpu.memory_space<vmem>> -> memref<1x8x1024xf32, #tpu.memory_space<vmem>>
      %dma_start3A_166 = tpu.memref_squeeze %dma_start3A_165 : memref<1x8x1024xf32, #tpu.memory_space<vmem>> -> memref<8x1024xf32, #tpu.memory_space<vmem>>
      %dma_start3A_167 = arith.constant 0 : i32
      %dma_start3A_168 = tpu.memref_slice %arg4[%scan3A_105, %select_n3A, %add3A_161, %dma_start3A_167] : memref<50x8x128x1024xf32, #tpu.memory_space<hbm>> -> memref<1x1x8x1024xf32, #tpu.memory_space<hbm>>
      %dma_start3A_169 = tpu.memref_squeeze %dma_start3A_168 : memref<1x1x8x1024xf32, #tpu.memory_space<hbm>> -> memref<8x1024xf32, #tpu.memory_space<hbm>>
      %dma_start3A_170 = arith.constant 0 : i32
      %dma_start3A_171 = tpu.memref_slice %arg4[%scan3A_105, %select_n3A, %add3A_161, %dma_start3A_170] : memref<50x8x128x1024xf32, #tpu.memory_space<hbm>> -> memref<1x1x8x1024xf32, #tpu.memory_space<hbm>>
      %dma_start3A_172 = tpu.memref_squeeze %dma_start3A_171 : memref<1x1x8x1024xf32, #tpu.memory_space<hbm>> -> memref<8x1024xf32, #tpu.memory_space<hbm>>
      %dma_start3A_173 = arith.constant 0 : i32
      %dma_start3A_174 = arith.constant 0 : i32
      %dma_start3A_175 = tpu.memref_slice %arg7[%dma_start3A_162, %dma_start3A_173, %dma_start3A_174] : memref<2x8x1024xf32, #tpu.memory_space<vmem>> -> memref<1x8x1024xf32, #tpu.memory_space<vmem>>
      %dma_start3A_176 = tpu.memref_squeeze %dma_start3A_175 : memref<1x8x1024xf32, #tpu.memory_space<vmem>> -> memref<8x1024xf32, #tpu.memory_space<vmem>>
      tpu.enqueue_dma source(%dma_start3A_176 : memref<8x1024xf32, #tpu.memory_space<vmem>>) target(%dma_start3A_172 : memref<8x1024xf32, #tpu.memory_space<hbm>>) target_semaphore(%arg10 : memref<!tpu.dma_semaphore, #tpu.memory_space<semaphore_mem>>)
      %dma_wait3A_177 = arith.constant 0 : i32
      %dma_wait3A_178 = arith.constant 0 : i32
      %dma_wait3A_179 = arith.constant 0 : i32
      %dma_wait3A_180 = arith.constant 0 : i32
      %dma_wait3A_181 = arith.constant 0 : i32
      %dma_wait3A_182 = tpu.memref_slice %arg7[%dma_wait3A_179, %dma_wait3A_180, %dma_wait3A_181] : memref<2x8x1024xf32, #tpu.memory_space<vmem>> -> memref<1x8x1024xf32, #tpu.memory_space<vmem>>
      %dma_wait3A_183 = tpu.memref_squeeze %dma_wait3A_182 : memref<1x8x1024xf32, #tpu.memory_space<vmem>> -> memref<8x1024xf32, #tpu.memory_space<vmem>>
      %dma_wait3A_184 = arith.constant 0 : i32
      %dma_wait3A_185 = arith.constant 0 : i32
      %dma_wait3A_186 = tpu.memref_slice %arg4[%dma_wait3A_177, %dma_wait3A_178, %dma_wait3A_184, %dma_wait3A_185] : memref<50x8x128x1024xf32, #tpu.memory_space<hbm>> -> memref<1x1x8x1024xf32, #tpu.memory_space<hbm>>
      %dma_wait3A_187 = tpu.memref_squeeze %dma_wait3A_186 : memref<1x1x8x1024xf32, #tpu.memory_space<hbm>> -> memref<8x1024xf32, #tpu.memory_space<hbm>>
      %dma_wait3A_188 = arith.constant 0 : i32
      %dma_wait3A_189 = arith.constant 0 : i32
      %dma_wait3A_190 = tpu.memref_slice %arg7[%dma_wait3A_179, %dma_wait3A_188, %dma_wait3A_189] : memref<2x8x1024xf32, #tpu.memory_space<vmem>> -> memref<1x8x1024xf32, #tpu.memory_space<vmem>>
      %dma_wait3A_191 = tpu.memref_squeeze %dma_wait3A_190 : memref<1x8x1024xf32, #tpu.memory_space<vmem>> -> memref<8x1024xf32, #tpu.memory_space<vmem>>
      %dma_wait3A_192 = arith.constant 0 : i32
      %dma_wait3A_193 = arith.constant 0 : i32
      %dma_wait3A_194 = tpu.memref_slice %arg4[%dma_wait3A_177, %dma_wait3A_178, %dma_wait3A_192, %dma_wait3A_193] : memref<50x8x128x1024xf32, #tpu.memory_space<hbm>> -> memref<1x1x8x1024xf32, #tpu.memory_space<hbm>>
      %dma_wait3A_195 = tpu.memref_squeeze %dma_wait3A_194 : memref<1x1x8x1024xf32, #tpu.memory_space<hbm>> -> memref<8x1024xf32, #tpu.memory_space<hbm>>
      tpu.wait_dma2 semaphore(%arg9 : memref<!tpu.dma_semaphore, #tpu.memory_space<semaphore_mem>>) src(%dma_wait3A_195 : memref<8x1024xf32, #tpu.memory_space<hbm>>) dst(%dma_wait3A_191 : memref<8x1024xf32, #tpu.memory_space<vmem>>)
      %parallel_loop3A_196 = arith.constant 0 : i32
      %parallel_loop3A_197 = arith.constant 64 : i32
      %parallel_loop3A_198 = arith.constant 1 : i32
      scf.for %parallel_loop3A_259 = %parallel_loop3A_196 to %parallel_loop3A_197 step %parallel_loop3A_198  : i32 {
        %parallel_loop3A_260 = arith.constant 16 : i32
        %parallel_loop3A_261 = arith.muli %parallel_loop3A_259, %parallel_loop3A_260 : i32
        %parallel_loop3A_262 = arith.constant 2048 : i32
        %parallel_loop3A_263 = arith.addi %parallel_loop3A_262, %parallel_loop3A_261 : i32
        %parallel_loop3A_264 = arith.index_cast %rem3A_107 : i32 to index
        %parallel_loop3A_265 = arith.index_cast %parallel_loop3A_263 : i32 to index
        %parallel_loop3A_266 = tpu.vector_load %arg6[%parallel_loop3A_264, %parallel_loop3A_265] {strides = array<i32>} : memref<2x4096xi32, #tpu.memory_space<vmem>>, vector<16xi32>,
        %parallel_loop3A_267 = arith.constant 8 : i32
        %parallel_loop3A_268 = arith.constant 0 : i32
        %parallel_loop3A_269 = arith.cmpi eq, %parallel_loop3A_267, %parallel_loop3A_268 : i32
        %parallel_loop3A_270 = arith.constant 1 : i32
        %parallel_loop3A_271 = arith.select %parallel_loop3A_269, %parallel_loop3A_270, %parallel_loop3A_267 : i32
        %parallel_loop3A_272 = arith.remsi %parallel_loop3A_259, %parallel_loop3A_271 : i32
        %parallel_loop3A_273 = arith.constant 0 : i32
        %parallel_loop3A_274 = arith.cmpi ne, %parallel_loop3A_272, %parallel_loop3A_273 : i32
        %parallel_loop3A_275 = arith.constant 0 : i32
        %parallel_loop3A_276 = arith.cmpi slt, %parallel_loop3A_272, %parallel_loop3A_275 : i32
        %parallel_loop3A_277 = arith.constant 0 : i32
        %parallel_loop3A_278 = arith.cmpi slt, %parallel_loop3A_271, %parallel_loop3A_277 : i32
        %parallel_loop3A_279 = arith.xori %parallel_loop3A_276, %parallel_loop3A_278 : i1
        %parallel_loop3A_280 = arith.andi %parallel_loop3A_279, %parallel_loop3A_274 : i1
        %parallel_loop3A_281 = arith.addi %parallel_loop3A_272, %parallel_loop3A_271 : i32
        %parallel_loop3A_282 = arith.select %parallel_loop3A_280, %parallel_loop3A_281, %parallel_loop3A_272 : i32
        %parallel_loop3A_283 = arith.constant 16 : i32
        %parallel_loop3A_284 = arith.muli %parallel_loop3A_282, %parallel_loop3A_283 : i32
        %parallel_loop3A_285 = arith.constant 0 : i32
        %parallel_loop3A_286 = arith.constant 0 : i32
        %parallel_loop3A_287 = tpu.memref_slice %arg5[%parallel_loop3A_285, %parallel_loop3A_286] : memref<4x24840xi32, #tpu.memory_space<vmem>> -> memref<1x24840xi32, #tpu.memory_space<vmem>>
        %parallel_loop3A_288 = tpu.memref_squeeze %parallel_loop3A_287 : memref<1x24840xi32, #tpu.memory_space<vmem>> -> memref<24840xi32, #tpu.memory_space<vmem>>
        %parallel_loop3A_289 = tpu.vector_load_idx %parallel_loop3A_288[%parallel_loop3A_266] : memref<24840xi32, #tpu.memory_space<vmem>>[vector<16xi32>], vector<16xi32>,
        %parallel_loop3A_290 = vector.bitcast %parallel_loop3A_289 : vector<16xi32> to vector<32xbf16>
        %parallel_loop3A_291 = tpu.unpack_subelements %parallel_loop3A_290, 0 {pack_format = #tpu.pack_format<interleaved>} : vector<32xbf16> -> vector<16xf32>
        %parallel_loop3A_292 = tpu.unpack_subelements %parallel_loop3A_290, 1 {pack_format = #tpu.pack_format<interleaved>} : vector<32xbf16> -> vector<16xf32>
        %parallel_loop3A_293 = arith.constant 8 : i32
        %parallel_loop3A_294 = arith.divsi %parallel_loop3A_259, %parallel_loop3A_293 : i32
        %parallel_loop3A_295 = arith.constant 0 : i32
        %parallel_loop3A_296 = arith.cmpi sgt, %parallel_loop3A_259, %parallel_loop3A_295 : i32
        %parallel_loop3A_297 = arith.extui %parallel_loop3A_296 : i1 to i32
        %parallel_loop3A_298 = arith.constant 0 : i32
        %parallel_loop3A_299 = arith.cmpi slt, %parallel_loop3A_259, %parallel_loop3A_298 : i32
        %parallel_loop3A_300 = arith.extui %parallel_loop3A_299 : i1 to i32
        %parallel_loop3A_301 = arith.subi %parallel_loop3A_297, %parallel_loop3A_300 : i32
        %parallel_loop3A_302 = arith.constant 0 : i32
        %parallel_loop3A_303 = arith.cmpi sgt, %parallel_loop3A_293, %parallel_loop3A_302 : i32
        %parallel_loop3A_304 = arith.extui %parallel_loop3A_303 : i1 to i32
        %parallel_loop3A_305 = arith.constant 0 : i32
        %parallel_loop3A_306 = arith.cmpi slt, %parallel_loop3A_293, %parallel_loop3A_305 : i32
        %parallel_loop3A_307 = arith.extui %parallel_loop3A_306 : i1 to i32
        %parallel_loop3A_308 = arith.subi %parallel_loop3A_304, %parallel_loop3A_307 : i32
        %parallel_loop3A_309 = arith.cmpi ne, %parallel_loop3A_301, %parallel_loop3A_308 : i32
        %parallel_loop3A_310 = arith.remsi %parallel_loop3A_259, %parallel_loop3A_293 : i32
        %parallel_loop3A_311 = arith.constant 0 : i32
        %parallel_loop3A_312 = arith.cmpi ne, %parallel_loop3A_310, %parallel_loop3A_311 : i32
        %parallel_loop3A_313 = arith.andi %parallel_loop3A_309, %parallel_loop3A_312 : i1
        %parallel_loop3A_314 = arith.constant 1 : i32
        %parallel_loop3A_315 = arith.subi %parallel_loop3A_294, %parallel_loop3A_314 : i32
        %parallel_loop3A_316 = arith.select %parallel_loop3A_313, %parallel_loop3A_315, %parallel_loop3A_294 : i32
        %parallel_loop3A_317 = arith.constant 0 : i32
        %parallel_loop3A_318 = arith.addi %parallel_loop3A_317, %parallel_loop3A_284 : i32
        %parallel_loop3A_319 = arith.constant 0 : i32
        %parallel_loop3A_320 = arith.index_cast %parallel_loop3A_319 : i32 to index
        %parallel_loop3A_321 = arith.index_cast %parallel_loop3A_316 : i32 to index
        %parallel_loop3A_322 = arith.index_cast %parallel_loop3A_318 : i32 to index
        %parallel_loop3A_323 = tpu.vector_load %arg7[%parallel_loop3A_320, %parallel_loop3A_321, %parallel_loop3A_322] {strides = array<i32>} : memref<2x8x1024xf32, #tpu.memory_space<vmem>>, vector<16xf32>,
        tpu.vector_store %arg7[%parallel_loop3A_320, %parallel_loop3A_321, %parallel_loop3A_322], %parallel_loop3A_291 {strides = array<i32>} : memref<2x8x1024xf32, #tpu.memory_space<vmem>>, vector<16xf32>,
        %parallel_loop3A_324 = arith.constant 8 : i32
        %parallel_loop3A_325 = arith.divsi %parallel_loop3A_259, %parallel_loop3A_324 : i32
        %parallel_loop3A_326 = arith.constant 0 : i32
        %parallel_loop3A_327 = arith.cmpi sgt, %parallel_loop3A_259, %parallel_loop3A_326 : i32
        %parallel_loop3A_328 = arith.extui %parallel_loop3A_327 : i1 to i32
        %parallel_loop3A_329 = arith.constant 0 : i32
        %parallel_loop3A_330 = arith.cmpi slt, %parallel_loop3A_259, %parallel_loop3A_329 : i32
        %parallel_loop3A_331 = arith.extui %parallel_loop3A_330 : i1 to i32
        %parallel_loop3A_332 = arith.subi %parallel_loop3A_328, %parallel_loop3A_331 : i32
        %parallel_loop3A_333 = arith.constant 0 : i32
        %parallel_loop3A_334 = arith.cmpi sgt, %parallel_loop3A_324, %parallel_loop3A_333 : i32
        %parallel_loop3A_335 = arith.extui %parallel_loop3A_334 : i1 to i32
        %parallel_loop3A_336 = arith.constant 0 : i32
        %parallel_loop3A_337 = arith.cmpi slt, %parallel_loop3A_324, %parallel_loop3A_336 : i32
        %parallel_loop3A_338 = arith.extui %parallel_loop3A_337 : i1 to i32
        %parallel_loop3A_339 = arith.subi %parallel_loop3A_335, %parallel_loop3A_338 : i32
        %parallel_loop3A_340 = arith.cmpi ne, %parallel_loop3A_332, %parallel_loop3A_339 : i32
        %parallel_loop3A_341 = arith.remsi %parallel_loop3A_259, %parallel_loop3A_324 : i32
        %parallel_loop3A_342 = arith.constant 0 : i32
        %parallel_loop3A_343 = arith.cmpi ne, %parallel_loop3A_341, %parallel_loop3A_342 : i32
        %parallel_loop3A_344 = arith.andi %parallel_loop3A_340, %parallel_loop3A_343 : i1
        %parallel_loop3A_345 = arith.constant 1 : i32
        %parallel_loop3A_346 = arith.subi %parallel_loop3A_325, %parallel_loop3A_345 : i32
        %parallel_loop3A_347 = arith.select %parallel_loop3A_344, %parallel_loop3A_346, %parallel_loop3A_325 : i32
        %parallel_loop3A_348 = arith.constant 128 : i32
        %parallel_loop3A_349 = arith.addi %parallel_loop3A_348, %parallel_loop3A_284 : i32
        %parallel_loop3A_350 = arith.constant 0 : i32
        %parallel_loop3A_351 = arith.index_cast %parallel_loop3A_350 : i32 to index
        %parallel_loop3A_352 = arith.index_cast %parallel_loop3A_347 : i32 to index
        %parallel_loop3A_353 = arith.index_cast %parallel_loop3A_349 : i32 to index
        %parallel_loop3A_354 = tpu.vector_load %arg7[%parallel_loop3A_351, %parallel_loop3A_352, %parallel_loop3A_353] {strides = array<i32>} : memref<2x8x1024xf32, #tpu.memory_space<vmem>>, vector<16xf32>,
        tpu.vector_store %arg7[%parallel_loop3A_351, %parallel_loop3A_352, %parallel_loop3A_353], %parallel_loop3A_292 {strides = array<i32>} : memref<2x8x1024xf32, #tpu.memory_space<vmem>>, vector<16xf32>,
        %parallel_loop3A_355 = arith.constant 1 : i32
        %parallel_loop3A_356 = arith.constant 0 : i32
        %parallel_loop3A_357 = tpu.memref_slice %arg5[%parallel_loop3A_355, %parallel_loop3A_356] : memref<4x24840xi32, #tpu.memory_space<vmem>> -> memref<1x24840xi32, #tpu.memory_space<vmem>>
        %parallel_loop3A_358 = tpu.memref_squeeze %parallel_loop3A_357 : memref<1x24840xi32, #tpu.memory_space<vmem>> -> memref<24840xi32, #tpu.memory_space<vmem>>
        %parallel_loop3A_359 = tpu.vector_load_idx %parallel_loop3A_358[%parallel_loop3A_266] : memref<24840xi32, #tpu.memory_space<vmem>>[vector<16xi32>], vector<16xi32>,
        %parallel_loop3A_360 = vector.bitcast %parallel_loop3A_359 : vector<16xi32> to vector<32xbf16>
        %parallel_loop3A_361 = tpu.unpack_subelements %parallel_loop3A_360, 0 {pack_format = #tpu.pack_format<interleaved>} : vector<32xbf16> -> vector<16xf32>
        %parallel_loop3A_362 = tpu.unpack_subelements %parallel_loop3A_360, 1 {pack_format = #tpu.pack_format<interleaved>} : vector<32xbf16> -> vector<16xf32>
        %parallel_loop3A_363 = arith.constant 8 : i32
        %parallel_loop3A_364 = arith.divsi %parallel_loop3A_259, %parallel_loop3A_363 : i32
        %parallel_loop3A_365 = arith.constant 0 : i32
        %parallel_loop3A_366 = arith.cmpi sgt, %parallel_loop3A_259, %parallel_loop3A_365 : i32
        %parallel_loop3A_367 = arith.extui %parallel_loop3A_366 : i1 to i32
        %parallel_loop3A_368 = arith.constant 0 : i32
        %parallel_loop3A_369 = arith.cmpi slt, %parallel_loop3A_259, %parallel_loop3A_368 : i32
        %parallel_loop3A_370 = arith.extui %parallel_loop3A_369 : i1 to i32
        %parallel_loop3A_371 = arith.subi %parallel_loop3A_367, %parallel_loop3A_370 : i32
        %parallel_loop3A_372 = arith.constant 0 : i32
        %parallel_loop3A_373 = arith.cmpi sgt, %parallel_loop3A_363, %parallel_loop3A_372 : i32
        %parallel_loop3A_374 = arith.extui %parallel_loop3A_373 : i1 to i32
        %parallel_loop3A_375 = arith.constant 0 : i32
        %parallel_loop3A_376 = arith.cmpi slt, %parallel_loop3A_363, %parallel_loop3A_375 : i32
        %parallel_loop3A_377 = arith.extui %parallel_loop3A_376 : i1 to i32
        %parallel_loop3A_378 = arith.subi %parallel_loop3A_374, %parallel_loop3A_377 : i32
        %parallel_loop3A_379 = arith.cmpi ne, %parallel_loop3A_371, %parallel_loop3A_378 : i32
        %parallel_loop3A_380 = arith.remsi %parallel_loop3A_259, %parallel_loop3A_363 : i32
        %parallel_loop3A_381 = arith.constant 0 : i32
        %parallel_loop3A_382 = arith.cmpi ne, %parallel_loop3A_380, %parallel_loop3A_381 : i32
        %parallel_loop3A_383 = arith.andi %parallel_loop3A_379, %parallel_loop3A_382 : i1
        %parallel_loop3A_384 = arith.constant 1 : i32
        %parallel_loop3A_385 = arith.subi %parallel_loop3A_364, %parallel_loop3A_384 : i32
        %parallel_loop3A_386 = arith.select %parallel_loop3A_383, %parallel_loop3A_385, %parallel_loop3A_364 : i32
        %parallel_loop3A_387 = arith.constant 256 : i32
        %parallel_loop3A_388 = arith.addi %parallel_loop3A_387, %parallel_loop3A_284 : i32
        %parallel_loop3A_389 = arith.constant 0 : i32
        %parallel_loop3A_390 = arith.index_cast %parallel_loop3A_389 : i32 to index
        %parallel_loop3A_391 = arith.index_cast %parallel_loop3A_386 : i32 to index
        %parallel_loop3A_392 = arith.index_cast %parallel_loop3A_388 : i32 to index
        %parallel_loop3A_393 = tpu.vector_load %arg7[%parallel_loop3A_390, %parallel_loop3A_391, %parallel_loop3A_392] {strides = array<i32>} : memref<2x8x1024xf32, #tpu.memory_space<vmem>>, vector<16xf32>,
        tpu.vector_store %arg7[%parallel_loop3A_390, %parallel_loop3A_391, %parallel_loop3A_392], %parallel_loop3A_361 {strides = array<i32>} : memref<2x8x1024xf32, #tpu.memory_space<vmem>>, vector<16xf32>,
        %parallel_loop3A_394 = arith.constant 8 : i32
        %parallel_loop3A_395 = arith.divsi %parallel_loop3A_259, %parallel_loop3A_394 : i32
        %parallel_loop3A_396 = arith.constant 0 : i32
        %parallel_loop3A_397 = arith.cmpi sgt, %parallel_loop3A_259, %parallel_loop3A_396 : i32
        %parallel_loop3A_398 = arith.extui %parallel_loop3A_397 : i1 to i32
        %parallel_loop3A_399 = arith.constant 0 : i32
        %parallel_loop3A_400 = arith.cmpi slt, %parallel_loop3A_259, %parallel_loop3A_399 : i32
        %parallel_loop3A_401 = arith.extui %parallel_loop3A_400 : i1 to i32
        %parallel_loop3A_402 = arith.subi %parallel_loop3A_398, %parallel_loop3A_401 : i32
        %parallel_loop3A_403 = arith.constant 0 : i32
        %parallel_loop3A_404 = arith.cmpi sgt, %parallel_loop3A_394, %parallel_loop3A_403 : i32
        %parallel_loop3A_405 = arith.extui %parallel_loop3A_404 : i1 to i32
        %parallel_loop3A_406 = arith.constant 0 : i32
        %parallel_loop3A_407 = arith.cmpi slt, %parallel_loop3A_394, %parallel_loop3A_406 : i32
        %parallel_loop3A_408 = arith.extui %parallel_loop3A_407 : i1 to i32
        %parallel_loop3A_409 = arith.subi %parallel_loop3A_405, %parallel_loop3A_408 : i32
        %parallel_loop3A_410 = arith.cmpi ne, %parallel_loop3A_402, %parallel_loop3A_409 : i32
        %parallel_loop3A_411 = arith.remsi %parallel_loop3A_259, %parallel_loop3A_394 : i32
        %parallel_loop3A_412 = arith.constant 0 : i32
        %parallel_loop3A_413 = arith.cmpi ne, %parallel_loop3A_411, %parallel_loop3A_412 : i32
        %parallel_loop3A_414 = arith.andi %parallel_loop3A_410, %parallel_loop3A_413 : i1
        %parallel_loop3A_415 = arith.constant 1 : i32
        %parallel_loop3A_416 = arith.subi %parallel_loop3A_395, %parallel_loop3A_415 : i32
        %parallel_loop3A_417 = arith.select %parallel_loop3A_414, %parallel_loop3A_416, %parallel_loop3A_395 : i32
        %parallel_loop3A_418 = arith.constant 384 : i32
        %parallel_loop3A_419 = arith.addi %parallel_loop3A_418, %parallel_loop3A_284 : i32
        %parallel_loop3A_420 = arith.constant 0 : i32
        %parallel_loop3A_421 = arith.index_cast %parallel_loop3A_420 : i32 to index
        %parallel_loop3A_422 = arith.index_cast %parallel_loop3A_417 : i32 to index
        %parallel_loop3A_423 = arith.index_cast %parallel_loop3A_419 : i32 to index
        %parallel_loop3A_424 = tpu.vector_load %arg7[%parallel_loop3A_421, %parallel_loop3A_422, %parallel_loop3A_423] {strides = array<i32>} : memref<2x8x1024xf32, #tpu.memory_space<vmem>>, vector<16xf32>,
        tpu.vector_store %arg7[%parallel_loop3A_421, %parallel_loop3A_422, %parallel_loop3A_423], %parallel_loop3A_362 {strides = array<i32>} : memref<2x8x1024xf32, #tpu.memory_space<vmem>>, vector<16xf32>,
        %parallel_loop3A_425 = arith.constant 2 : i32
        %parallel_loop3A_426 = arith.constant 0 : i32
        %parallel_loop3A_427 = tpu.memref_slice %arg5[%parallel_loop3A_425, %parallel_loop3A_426] : memref<4x24840xi32, #tpu.memory_space<vmem>> -> memref<1x24840xi32, #tpu.memory_space<vmem>>
        %parallel_loop3A_428 = tpu.memref_squeeze %parallel_loop3A_427 : memref<1x24840xi32, #tpu.memory_space<vmem>> -> memref<24840xi32, #tpu.memory_space<vmem>>
        %parallel_loop3A_429 = tpu.vector_load_idx %parallel_loop3A_428[%parallel_loop3A_266] : memref<24840xi32, #tpu.memory_space<vmem>>[vector<16xi32>], vector<16xi32>,
        %parallel_loop3A_430 = vector.bitcast %parallel_loop3A_429 : vector<16xi32> to vector<32xbf16>
        %parallel_loop3A_431 = tpu.unpack_subelements %parallel_loop3A_430, 0 {pack_format = #tpu.pack_format<interleaved>} : vector<32xbf16> -> vector<16xf32>
        %parallel_loop3A_432 = tpu.unpack_subelements %parallel_loop3A_430, 1 {pack_format = #tpu.pack_format<interleaved>} : vector<32xbf16> -> vector<16xf32>
        %parallel_loop3A_433 = arith.constant 8 : i32
        %parallel_loop3A_434 = arith.divsi %parallel_loop3A_259, %parallel_loop3A_433 : i32
        %parallel_loop3A_435 = arith.constant 0 : i32
        %parallel_loop3A_436 = arith.cmpi sgt, %parallel_loop3A_259, %parallel_loop3A_435 : i32
        %parallel_loop3A_437 = arith.extui %parallel_loop3A_436 : i1 to i32
        %parallel_loop3A_438 = arith.constant 0 : i32
        %parallel_loop3A_439 = arith.cmpi slt, %parallel_loop3A_259, %parallel_loop3A_438 : i32
        %parallel_loop3A_440 = arith.extui %parallel_loop3A_439 : i1 to i32
        %parallel_loop3A_441 = arith.subi %parallel_loop3A_437, %parallel_loop3A_440 : i32
        %parallel_loop3A_442 = arith.constant 0 : i32
        %parallel_loop3A_443 = arith.cmpi sgt, %parallel_loop3A_433, %parallel_loop3A_442 : i32
        %parallel_loop3A_444 = arith.extui %parallel_loop3A_443 : i1 to i32
        %parallel_loop3A_445 = arith.constant 0 : i32
        %parallel_loop3A_446 = arith.cmpi slt, %parallel_loop3A_433, %parallel_loop3A_445 : i32
        %parallel_loop3A_447 = arith.extui %parallel_loop3A_446 : i1 to i32
        %parallel_loop3A_448 = arith.subi %parallel_loop3A_444, %parallel_loop3A_447 : i32
        %parallel_loop3A_449 = arith.cmpi ne, %parallel_loop3A_441, %parallel_loop3A_448 : i32
        %parallel_loop3A_450 = arith.remsi %parallel_loop3A_259, %parallel_loop3A_433 : i32
        %parallel_loop3A_451 = arith.constant 0 : i32
        %parallel_loop3A_452 = arith.cmpi ne, %parallel_loop3A_450, %parallel_loop3A_451 : i32
        %parallel_loop3A_453 = arith.andi %parallel_loop3A_449, %parallel_loop3A_452 : i1
        %parallel_loop3A_454 = arith.constant 1 : i32
        %parallel_loop3A_455 = arith.subi %parallel_loop3A_434, %parallel_loop3A_454 : i32
        %parallel_loop3A_456 = arith.select %parallel_loop3A_453, %parallel_loop3A_455, %parallel_loop3A_434 : i32
        %parallel_loop3A_457 = arith.constant 512 : i32
        %parallel_loop3A_458 = arith.addi %parallel_loop3A_457, %parallel_loop3A_284 : i32
        %parallel_loop3A_459 = arith.constant 0 : i32
        %parallel_loop3A_460 = arith.index_cast %parallel_loop3A_459 : i32 to index
        %parallel_loop3A_461 = arith.index_cast %parallel_loop3A_456 : i32 to index
        %parallel_loop3A_462 = arith.index_cast %parallel_loop3A_458 : i32 to index
        %parallel_loop3A_463 = tpu.vector_load %arg7[%parallel_loop3A_460, %parallel_loop3A_461, %parallel_loop3A_462] {strides = array<i32>} : memref<2x8x1024xf32, #tpu.memory_space<vmem>>, vector<16xf32>,
        tpu.vector_store %arg7[%parallel_loop3A_460, %parallel_loop3A_461, %parallel_loop3A_462], %parallel_loop3A_431 {strides = array<i32>} : memref<2x8x1024xf32, #tpu.memory_space<vmem>>, vector<16xf32>,
        %parallel_loop3A_464 = arith.constant 8 : i32
        %parallel_loop3A_465 = arith.divsi %parallel_loop3A_259, %parallel_loop3A_464 : i32
        %parallel_loop3A_466 = arith.constant 0 : i32
        %parallel_loop3A_467 = arith.cmpi sgt, %parallel_loop3A_259, %parallel_loop3A_466 : i32
        %parallel_loop3A_468 = arith.extui %parallel_loop3A_467 : i1 to i32
        %parallel_loop3A_469 = arith.constant 0 : i32
        %parallel_loop3A_470 = arith.cmpi slt, %parallel_loop3A_259, %parallel_loop3A_469 : i32
        %parallel_loop3A_471 = arith.extui %parallel_loop3A_470 : i1 to i32
        %parallel_loop3A_472 = arith.subi %parallel_loop3A_468, %parallel_loop3A_471 : i32
        %parallel_loop3A_473 = arith.constant 0 : i32
        %parallel_loop3A_474 = arith.cmpi sgt, %parallel_loop3A_464, %parallel_loop3A_473 : i32
        %parallel_loop3A_475 = arith.extui %parallel_loop3A_474 : i1 to i32
        %parallel_loop3A_476 = arith.constant 0 : i32
        %parallel_loop3A_477 = arith.cmpi slt, %parallel_loop3A_464, %parallel_loop3A_476 : i32
        %parallel_loop3A_478 = arith.extui %parallel_loop3A_477 : i1 to i32
        %parallel_loop3A_479 = arith.subi %parallel_loop3A_475, %parallel_loop3A_478 : i32
        %parallel_loop3A_480 = arith.cmpi ne, %parallel_loop3A_472, %parallel_loop3A_479 : i32
        %parallel_loop3A_481 = arith.remsi %parallel_loop3A_259, %parallel_loop3A_464 : i32
        %parallel_loop3A_482 = arith.constant 0 : i32
        %parallel_loop3A_483 = arith.cmpi ne, %parallel_loop3A_481, %parallel_loop3A_482 : i32
        %parallel_loop3A_484 = arith.andi %parallel_loop3A_480, %parallel_loop3A_483 : i1
        %parallel_loop3A_485 = arith.constant 1 : i32
        %parallel_loop3A_486 = arith.subi %parallel_loop3A_465, %parallel_loop3A_485 : i32
        %parallel_loop3A_487 = arith.select %parallel_loop3A_484, %parallel_loop3A_486, %parallel_loop3A_465 : i32
        %parallel_loop3A_488 = arith.constant 640 : i32
        %parallel_loop3A_489 = arith.addi %parallel_loop3A_488, %parallel_loop3A_284 : i32
        %parallel_loop3A_490 = arith.constant 0 : i32
        %parallel_loop3A_491 = arith.index_cast %parallel_loop3A_490 : i32 to index
        %parallel_loop3A_492 = arith.index_cast %parallel_loop3A_487 : i32 to index
        %parallel_loop3A_493 = arith.index_cast %parallel_loop3A_489 : i32 to index
        %parallel_loop3A_494 = tpu.vector_load %arg7[%parallel_loop3A_491, %parallel_loop3A_492, %parallel_loop3A_493] {strides = array<i32>} : memref<2x8x1024xf32, #tpu.memory_space<vmem>>, vector<16xf32>,
        tpu.vector_store %arg7[%parallel_loop3A_491, %parallel_loop3A_492, %parallel_loop3A_493], %parallel_loop3A_432 {strides = array<i32>} : memref<2x8x1024xf32, #tpu.memory_space<vmem>>, vector<16xf32>,
        %parallel_loop3A_495 = arith.constant 3 : i32
        %parallel_loop3A_496 = arith.constant 0 : i32
        %parallel_loop3A_497 = tpu.memref_slice %arg5[%parallel_loop3A_495, %parallel_loop3A_496] : memref<4x24840xi32, #tpu.memory_space<vmem>> -> memref<1x24840xi32, #tpu.memory_space<vmem>>
        %parallel_loop3A_498 = tpu.memref_squeeze %parallel_loop3A_497 : memref<1x24840xi32, #tpu.memory_space<vmem>> -> memref<24840xi32, #tpu.memory_space<vmem>>
        %parallel_loop3A_499 = tpu.vector_load_idx %parallel_loop3A_498[%parallel_loop3A_266] : memref<24840xi32, #tpu.memory_space<vmem>>[vector<16xi32>], vector<16xi32>,
        %parallel_loop3A_500 = vector.bitcast %parallel_loop3A_499 : vector<16xi32> to vector<32xbf16>
        %parallel_loop3A_501 = tpu.unpack_subelements %parallel_loop3A_500, 0 {pack_format = #tpu.pack_format<interleaved>} : vector<32xbf16> -> vector<16xf32>
        %parallel_loop3A_502 = tpu.unpack_subelements %parallel_loop3A_500, 1 {pack_format = #tpu.pack_format<interleaved>} : vector<32xbf16> -> vector<16xf32>
        %parallel_loop3A_503 = arith.constant 8 : i32
        %parallel_loop3A_504 = arith.divsi %parallel_loop3A_259, %parallel_loop3A_503 : i32
        %parallel_loop3A_505 = arith.constant 0 : i32
        %parallel_loop3A_506 = arith.cmpi sgt, %parallel_loop3A_259, %parallel_loop3A_505 : i32
        %parallel_loop3A_507 = arith.extui %parallel_loop3A_506 : i1 to i32
        %parallel_loop3A_508 = arith.constant 0 : i32
        %parallel_loop3A_509 = arith.cmpi slt, %parallel_loop3A_259, %parallel_loop3A_508 : i32
        %parallel_loop3A_510 = arith.extui %parallel_loop3A_509 : i1 to i32
        %parallel_loop3A_511 = arith.subi %parallel_loop3A_507, %parallel_loop3A_510 : i32
        %parallel_loop3A_512 = arith.constant 0 : i32
        %parallel_loop3A_513 = arith.cmpi sgt, %parallel_loop3A_503, %parallel_loop3A_512 : i32
        %parallel_loop3A_514 = arith.extui %parallel_loop3A_513 : i1 to i32
        %parallel_loop3A_515 = arith.constant 0 : i32
        %parallel_loop3A_516 = arith.cmpi slt, %parallel_loop3A_503, %parallel_loop3A_515 : i32
        %parallel_loop3A_517 = arith.extui %parallel_loop3A_516 : i1 to i32
        %parallel_loop3A_518 = arith.subi %parallel_loop3A_514, %parallel_loop3A_517 : i32
        %parallel_loop3A_519 = arith.cmpi ne, %parallel_loop3A_511, %parallel_loop3A_518 : i32
        %parallel_loop3A_520 = arith.remsi %parallel_loop3A_259, %parallel_loop3A_503 : i32
        %parallel_loop3A_521 = arith.constant 0 : i32
        %parallel_loop3A_522 = arith.cmpi ne, %parallel_loop3A_520, %parallel_loop3A_521 : i32
        %parallel_loop3A_523 = arith.andi %parallel_loop3A_519, %parallel_loop3A_522 : i1
        %parallel_loop3A_524 = arith.constant 1 : i32
        %parallel_loop3A_525 = arith.subi %parallel_loop3A_504, %parallel_loop3A_524 : i32
        %parallel_loop3A_526 = arith.select %parallel_loop3A_523, %parallel_loop3A_525, %parallel_loop3A_504 : i32
        %parallel_loop3A_527 = arith.constant 768 : i32
        %parallel_loop3A_528 = arith.addi %parallel_loop3A_527, %parallel_loop3A_284 : i32
        %parallel_loop3A_529 = arith.constant 0 : i32
        %parallel_loop3A_530 = arith.index_cast %parallel_loop3A_529 : i32 to index
        %parallel_loop3A_531 = arith.index_cast %parallel_loop3A_526 : i32 to index
        %parallel_loop3A_532 = arith.index_cast %parallel_loop3A_528 : i32 to index
        %parallel_loop3A_533 = tpu.vector_load %arg7[%parallel_loop3A_530, %parallel_loop3A_531, %parallel_loop3A_532] {strides = array<i32>} : memref<2x8x1024xf32, #tpu.memory_space<vmem>>, vector<16xf32>,
        tpu.vector_store %arg7[%parallel_loop3A_530, %parallel_loop3A_531, %parallel_loop3A_532], %parallel_loop3A_501 {strides = array<i32>} : memref<2x8x1024xf32, #tpu.memory_space<vmem>>, vector<16xf32>,
        %parallel_loop3A_534 = arith.constant 8 : i32
        %parallel_loop3A_535 = arith.divsi %parallel_loop3A_259, %parallel_loop3A_534 : i32
        %parallel_loop3A_536 = arith.constant 0 : i32
        %parallel_loop3A_537 = arith.cmpi sgt, %parallel_loop3A_259, %parallel_loop3A_536 : i32
        %parallel_loop3A_538 = arith.extui %parallel_loop3A_537 : i1 to i32
        %parallel_loop3A_539 = arith.constant 0 : i32
        %parallel_loop3A_540 = arith.cmpi slt, %parallel_loop3A_259, %parallel_loop3A_539 : i32
        %parallel_loop3A_541 = arith.extui %parallel_loop3A_540 : i1 to i32
        %parallel_loop3A_542 = arith.subi %parallel_loop3A_538, %parallel_loop3A_541 : i32
        %parallel_loop3A_543 = arith.constant 0 : i32
        %parallel_loop3A_544 = arith.cmpi sgt, %parallel_loop3A_534, %parallel_loop3A_543 : i32
        %parallel_loop3A_545 = arith.extui %parallel_loop3A_544 : i1 to i32
        %parallel_loop3A_546 = arith.constant 0 : i32
        %parallel_loop3A_547 = arith.cmpi slt, %parallel_loop3A_534, %parallel_loop3A_546 : i32
        %parallel_loop3A_548 = arith.extui %parallel_loop3A_547 : i1 to i32
        %parallel_loop3A_549 = arith.subi %parallel_loop3A_545, %parallel_loop3A_548 : i32
        %parallel_loop3A_550 = arith.cmpi ne, %parallel_loop3A_542, %parallel_loop3A_549 : i32
        %parallel_loop3A_551 = arith.remsi %parallel_loop3A_259, %parallel_loop3A_534 : i32
        %parallel_loop3A_552 = arith.constant 0 : i32
        %parallel_loop3A_553 = arith.cmpi ne, %parallel_loop3A_551, %parallel_loop3A_552 : i32
        %parallel_loop3A_554 = arith.andi %parallel_loop3A_550, %parallel_loop3A_553 : i1
        %parallel_loop3A_555 = arith.constant 1 : i32
        %parallel_loop3A_556 = arith.subi %parallel_loop3A_535, %parallel_loop3A_555 : i32
        %parallel_loop3A_557 = arith.select %parallel_loop3A_554, %parallel_loop3A_556, %parallel_loop3A_535 : i32
        %parallel_loop3A_558 = arith.constant 896 : i32
        %parallel_loop3A_559 = arith.addi %parallel_loop3A_558, %parallel_loop3A_284 : i32
        %parallel_loop3A_560 = arith.constant 0 : i32
        %parallel_loop3A_561 = arith.index_cast %parallel_loop3A_560 : i32 to index
        %parallel_loop3A_562 = arith.index_cast %parallel_loop3A_557 : i32 to index
        %parallel_loop3A_563 = arith.index_cast %parallel_loop3A_559 : i32 to index
        %parallel_loop3A_564 = tpu.vector_load %arg7[%parallel_loop3A_561, %parallel_loop3A_562, %parallel_loop3A_563] {strides = array<i32>} : memref<2x8x1024xf32, #tpu.memory_space<vmem>>, vector<16xf32>,
        tpu.vector_store %arg7[%parallel_loop3A_561, %parallel_loop3A_562, %parallel_loop3A_563], %parallel_loop3A_502 {strides = array<i32>} : memref<2x8x1024xf32, #tpu.memory_space<vmem>>, vector<16xf32>,
      } {sc.loop_unroll_factor = 8 : i64, sc.parallel_access}
      %mul3A_199 = arith.constant 32 : i32
      %mul3A_200 = arith.muli %select_n3A_30, %mul3A_199 : i32
      %add3A_201 = arith.constant 16 : i32
      %add3A_202 = arith.addi %mul3A_200, %add3A_201 : i32
      %dma_start3A_203 = arith.constant 0 : i32
      %dma_start3A_204 = arith.constant 0 : i32
      %dma_start3A_205 = arith.constant 0 : i32
      %dma_start3A_206 = tpu.memref_slice %arg7[%dma_start3A_203, %dma_start3A_204, %dma_start3A_205] : memref<2x8x1024xf32, #tpu.memory_space<vmem>> -> memref<1x8x1024xf32, #tpu.memory_space<vmem>>
      %dma_start3A_207 = tpu.memref_squeeze %dma_start3A_206 : memref<1x8x1024xf32, #tpu.memory_space<vmem>> -> memref<8x1024xf32, #tpu.memory_space<vmem>>
      %dma_start3A_208 = arith.constant 0 : i32
      %dma_start3A_209 = tpu.memref_slice %arg4[%scan3A_105, %select_n3A, %add3A_202, %dma_start3A_208] : memref<50x8x128x1024xf32, #tpu.memory_space<hbm>> -> memref<1x1x8x1024xf32, #tpu.memory_space<hbm>>
      %dma_start3A_210 = tpu.memref_squeeze %dma_start3A_209 : memref<1x1x8x1024xf32, #tpu.memory_space<hbm>> -> memref<8x1024xf32, #tpu.memory_space<hbm>>
      %dma_start3A_211 = arith.constant 0 : i32
      %dma_start3A_212 = tpu.memref_slice %arg4[%scan3A_105, %select_n3A, %add3A_202, %dma_start3A_211] : memref<50x8x128x1024xf32, #tpu.memory_space<hbm>> -> memref<1x1x8x1024xf32, #tpu.memory_space<hbm>>
      %dma_start3A_213 = tpu.memref_squeeze %dma_start3A_212 : memref<1x1x8x1024xf32, #tpu.memory_space<hbm>> -> memref<8x1024xf32, #tpu.memory_space<hbm>>
      %dma_start3A_214 = arith.constant 0 : i32
      %dma_start3A_215 = arith.constant 0 : i32
      %dma_start3A_216 = tpu.memref_slice %arg7[%dma_start3A_203, %dma_start3A_214, %dma_start3A_215] : memref<2x8x1024xf32, #tpu.memory_space<vmem>> -> memref<1x8x1024xf32, #tpu.memory_space<vmem>>
      %dma_start3A_217 = tpu.memref_squeeze %dma_start3A_216 : memref<1x8x1024xf32, #tpu.memory_space<vmem>> -> memref<8x1024xf32, #tpu.memory_space<vmem>>
      tpu.enqueue_dma source(%dma_start3A_217 : memref<8x1024xf32, #tpu.memory_space<vmem>>) target(%dma_start3A_213 : memref<8x1024xf32, #tpu.memory_space<hbm>>) target_semaphore(%arg9 : memref<!tpu.dma_semaphore, #tpu.memory_space<semaphore_mem>>)
      %dma_wait3A_218 = arith.constant 0 : i32
      %dma_wait3A_219 = arith.constant 0 : i32
      %dma_wait3A_220 = arith.constant 1 : i32
      %dma_wait3A_221 = arith.constant 0 : i32
      %dma_wait3A_222 = arith.constant 0 : i32
      %dma_wait3A_223 = tpu.memref_slice %arg7[%dma_wait3A_220, %dma_wait3A_221, %dma_wait3A_222] : memref<2x8x1024xf32, #tpu.memory_space<vmem>> -> memref<1x8x1024xf32, #tpu.memory_space<vmem>>
      %dma_wait3A_224 = tpu.memref_squeeze %dma_wait3A_223 : memref<1x8x1024xf32, #tpu.memory_space<vmem>> -> memref<8x1024xf32, #tpu.memory_space<vmem>>
      %dma_wait3A_225 = arith.constant 0 : i32
      %dma_wait3A_226 = arith.constant 0 : i32
      %dma_wait3A_227 = tpu.memref_slice %arg4[%dma_wait3A_218, %dma_wait3A_219, %dma_wait3A_225, %dma_wait3A_226] : memref<50x8x128x1024xf32, #tpu.memory_space<hbm>> -> memref<1x1x8x1024xf32, #tpu.memory_space<hbm>>
      %dma_wait3A_228 = tpu.memref_squeeze %dma_wait3A_227 : memref<1x1x8x1024xf32, #tpu.memory_space<hbm>> -> memref<8x1024xf32, #tpu.memory_space<hbm>>
      %dma_wait3A_229 = arith.constant 0 : i32
      %dma_wait3A_230 = arith.constant 0 : i32
      %dma_wait3A_231 = tpu.memref_slice %arg7[%dma_wait3A_220, %dma_wait3A_229, %dma_wait3A_230] : memref<2x8x1024xf32, #tpu.memory_space<vmem>> -> memref<1x8x1024xf32, #tpu.memory_space<vmem>>
      %dma_wait3A_232 = tpu.memref_squeeze %dma_wait3A_231 : memref<1x8x1024xf32, #tpu.memory_space<vmem>> -> memref<8x1024xf32, #tpu.memory_space<vmem>>
      %dma_wait3A_233 = arith.constant 0 : i32
      %dma_wait3A_234 = arith.constant 0 : i32
      %dma_wait3A_235 = tpu.memref_slice %arg4[%dma_wait3A_218, %dma_wait3A_219, %dma_wait3A_233, %dma_wait3A_234] : memref<50x8x128x1024xf32, #tpu.memory_space<hbm>> -> memref<1x1x8x1024xf32, #tpu.memory_space<hbm>>
      %dma_wait3A_236 = tpu.memref_squeeze %dma_wait3A_235 : memref<1x1x8x1024xf32, #tpu.memory_space<hbm>> -> memref<8x1024xf32, #tpu.memory_space<hbm>>
      tpu.wait_dma2 semaphore(%arg10 : memref<!tpu.dma_semaphore, #tpu.memory_space<semaphore_mem>>) src(%dma_wait3A_236 : memref<8x1024xf32, #tpu.memory_space<hbm>>) dst(%dma_wait3A_232 : memref<8x1024xf32, #tpu.memory_space<vmem>>)
      %parallel_loop3A_237 = arith.constant 0 : i32
      %parallel_loop3A_238 = arith.constant 64 : i32
      %parallel_loop3A_239 = arith.constant 1 : i32
      scf.for %parallel_loop3A_259 = %parallel_loop3A_237 to %parallel_loop3A_238 step %parallel_loop3A_239  : i32 {
        %parallel_loop3A_260 = arith.constant 16 : i32
        %parallel_loop3A_261 = arith.muli %parallel_loop3A_259, %parallel_loop3A_260 : i32
        %parallel_loop3A_262 = arith.constant 3072 : i32
        %parallel_loop3A_263 = arith.addi %parallel_loop3A_262, %parallel_loop3A_261 : i32
        %parallel_loop3A_264 = arith.index_cast %rem3A_107 : i32 to index
        %parallel_loop3A_265 = arith.index_cast %parallel_loop3A_263 : i32 to index
        %parallel_loop3A_266 = tpu.vector_load %arg6[%parallel_loop3A_264, %parallel_loop3A_265] {strides = array<i32>} : memref<2x4096xi32, #tpu.memory_space<vmem>>, vector<16xi32>,
        %parallel_loop3A_267 = arith.constant 8 : i32
        %parallel_loop3A_268 = arith.constant 0 : i32
        %parallel_loop3A_269 = arith.cmpi eq, %parallel_loop3A_267, %parallel_loop3A_268 : i32
        %parallel_loop3A_270 = arith.constant 1 : i32
        %parallel_loop3A_271 = arith.select %parallel_loop3A_269, %parallel_loop3A_270, %parallel_loop3A_267 : i32
        %parallel_loop3A_272 = arith.remsi %parallel_loop3A_259, %parallel_loop3A_271 : i32
        %parallel_loop3A_273 = arith.constant 0 : i32
        %parallel_loop3A_274 = arith.cmpi ne, %parallel_loop3A_272, %parallel_loop3A_273 : i32
        %parallel_loop3A_275 = arith.constant 0 : i32
        %parallel_loop3A_276 = arith.cmpi slt, %parallel_loop3A_272, %parallel_loop3A_275 : i32
        %parallel_loop3A_277 = arith.constant 0 : i32
        %parallel_loop3A_278 = arith.cmpi slt, %parallel_loop3A_271, %parallel_loop3A_277 : i32
        %parallel_loop3A_279 = arith.xori %parallel_loop3A_276, %parallel_loop3A_278 : i1
        %parallel_loop3A_280 = arith.andi %parallel_loop3A_279, %parallel_loop3A_274 : i1
        %parallel_loop3A_281 = arith.addi %parallel_loop3A_272, %parallel_loop3A_271 : i32
        %parallel_loop3A_282 = arith.select %parallel_loop3A_280, %parallel_loop3A_281, %parallel_loop3A_272 : i32
        %parallel_loop3A_283 = arith.constant 16 : i32
        %parallel_loop3A_284 = arith.muli %parallel_loop3A_282, %parallel_loop3A_283 : i32
        %parallel_loop3A_285 = arith.constant 0 : i32
        %parallel_loop3A_286 = arith.constant 0 : i32
        %parallel_loop3A_287 = tpu.memref_slice %arg5[%parallel_loop3A_285, %parallel_loop3A_286] : memref<4x24840xi32, #tpu.memory_space<vmem>> -> memref<1x24840xi32, #tpu.memory_space<vmem>>
        %parallel_loop3A_288 = tpu.memref_squeeze %parallel_loop3A_287 : memref<1x24840xi32, #tpu.memory_space<vmem>> -> memref<24840xi32, #tpu.memory_space<vmem>>
        %parallel_loop3A_289 = tpu.vector_load_idx %parallel_loop3A_288[%parallel_loop3A_266] : memref<24840xi32, #tpu.memory_space<vmem>>[vector<16xi32>], vector<16xi32>,
        %parallel_loop3A_290 = vector.bitcast %parallel_loop3A_289 : vector<16xi32> to vector<32xbf16>
        %parallel_loop3A_291 = tpu.unpack_subelements %parallel_loop3A_290, 0 {pack_format = #tpu.pack_format<interleaved>} : vector<32xbf16> -> vector<16xf32>
        %parallel_loop3A_292 = tpu.unpack_subelements %parallel_loop3A_290, 1 {pack_format = #tpu.pack_format<interleaved>} : vector<32xbf16> -> vector<16xf32>
        %parallel_loop3A_293 = arith.constant 8 : i32
        %parallel_loop3A_294 = arith.divsi %parallel_loop3A_259, %parallel_loop3A_293 : i32
        %parallel_loop3A_295 = arith.constant 0 : i32
        %parallel_loop3A_296 = arith.cmpi sgt, %parallel_loop3A_259, %parallel_loop3A_295 : i32
        %parallel_loop3A_297 = arith.extui %parallel_loop3A_296 : i1 to i32
        %parallel_loop3A_298 = arith.constant 0 : i32
        %parallel_loop3A_299 = arith.cmpi slt, %parallel_loop3A_259, %parallel_loop3A_298 : i32
        %parallel_loop3A_300 = arith.extui %parallel_loop3A_299 : i1 to i32
        %parallel_loop3A_301 = arith.subi %parallel_loop3A_297, %parallel_loop3A_300 : i32
        %parallel_loop3A_302 = arith.constant 0 : i32
        %parallel_loop3A_303 = arith.cmpi sgt, %parallel_loop3A_293, %parallel_loop3A_302 : i32
        %parallel_loop3A_304 = arith.extui %parallel_loop3A_303 : i1 to i32
        %parallel_loop3A_305 = arith.constant 0 : i32
        %parallel_loop3A_306 = arith.cmpi slt, %parallel_loop3A_293, %parallel_loop3A_305 : i32
        %parallel_loop3A_307 = arith.extui %parallel_loop3A_306 : i1 to i32
        %parallel_loop3A_308 = arith.subi %parallel_loop3A_304, %parallel_loop3A_307 : i32
        %parallel_loop3A_309 = arith.cmpi ne, %parallel_loop3A_301, %parallel_loop3A_308 : i32
        %parallel_loop3A_310 = arith.remsi %parallel_loop3A_259, %parallel_loop3A_293 : i32
        %parallel_loop3A_311 = arith.constant 0 : i32
        %parallel_loop3A_312 = arith.cmpi ne, %parallel_loop3A_310, %parallel_loop3A_311 : i32
        %parallel_loop3A_313 = arith.andi %parallel_loop3A_309, %parallel_loop3A_312 : i1
        %parallel_loop3A_314 = arith.constant 1 : i32
        %parallel_loop3A_315 = arith.subi %parallel_loop3A_294, %parallel_loop3A_314 : i32
        %parallel_loop3A_316 = arith.select %parallel_loop3A_313, %parallel_loop3A_315, %parallel_loop3A_294 : i32
        %parallel_loop3A_317 = arith.constant 0 : i32
        %parallel_loop3A_318 = arith.addi %parallel_loop3A_317, %parallel_loop3A_284 : i32
        %parallel_loop3A_319 = arith.constant 1 : i32
        %parallel_loop3A_320 = arith.index_cast %parallel_loop3A_319 : i32 to index
        %parallel_loop3A_321 = arith.index_cast %parallel_loop3A_316 : i32 to index
        %parallel_loop3A_322 = arith.index_cast %parallel_loop3A_318 : i32 to index
        %parallel_loop3A_323 = tpu.vector_load %arg7[%parallel_loop3A_320, %parallel_loop3A_321, %parallel_loop3A_322] {strides = array<i32>} : memref<2x8x1024xf32, #tpu.memory_space<vmem>>, vector<16xf32>,
        tpu.vector_store %arg7[%parallel_loop3A_320, %parallel_loop3A_321, %parallel_loop3A_322], %parallel_loop3A_291 {strides = array<i32>} : memref<2x8x1024xf32, #tpu.memory_space<vmem>>, vector<16xf32>,
        %parallel_loop3A_324 = arith.constant 8 : i32
        %parallel_loop3A_325 = arith.divsi %parallel_loop3A_259, %parallel_loop3A_324 : i32
        %parallel_loop3A_326 = arith.constant 0 : i32
        %parallel_loop3A_327 = arith.cmpi sgt, %parallel_loop3A_259, %parallel_loop3A_326 : i32
        %parallel_loop3A_328 = arith.extui %parallel_loop3A_327 : i1 to i32
        %parallel_loop3A_329 = arith.constant 0 : i32
        %parallel_loop3A_330 = arith.cmpi slt, %parallel_loop3A_259, %parallel_loop3A_329 : i32
        %parallel_loop3A_331 = arith.extui %parallel_loop3A_330 : i1 to i32
        %parallel_loop3A_332 = arith.subi %parallel_loop3A_328, %parallel_loop3A_331 : i32
        %parallel_loop3A_333 = arith.constant 0 : i32
        %parallel_loop3A_334 = arith.cmpi sgt, %parallel_loop3A_324, %parallel_loop3A_333 : i32
        %parallel_loop3A_335 = arith.extui %parallel_loop3A_334 : i1 to i32
        %parallel_loop3A_336 = arith.constant 0 : i32
        %parallel_loop3A_337 = arith.cmpi slt, %parallel_loop3A_324, %parallel_loop3A_336 : i32
        %parallel_loop3A_338 = arith.extui %parallel_loop3A_337 : i1 to i32
        %parallel_loop3A_339 = arith.subi %parallel_loop3A_335, %parallel_loop3A_338 : i32
        %parallel_loop3A_340 = arith.cmpi ne, %parallel_loop3A_332, %parallel_loop3A_339 : i32
        %parallel_loop3A_341 = arith.remsi %parallel_loop3A_259, %parallel_loop3A_324 : i32
        %parallel_loop3A_342 = arith.constant 0 : i32
        %parallel_loop3A_343 = arith.cmpi ne, %parallel_loop3A_341, %parallel_loop3A_342 : i32
        %parallel_loop3A_344 = arith.andi %parallel_loop3A_340, %parallel_loop3A_343 : i1
        %parallel_loop3A_345 = arith.constant 1 : i32
        %parallel_loop3A_346 = arith.subi %parallel_loop3A_325, %parallel_loop3A_345 : i32
        %parallel_loop3A_347 = arith.select %parallel_loop3A_344, %parallel_loop3A_346, %parallel_loop3A_325 : i32
        %parallel_loop3A_348 = arith.constant 128 : i32
        %parallel_loop3A_349 = arith.addi %parallel_loop3A_348, %parallel_loop3A_284 : i32
        %parallel_loop3A_350 = arith.constant 1 : i32
        %parallel_loop3A_351 = arith.index_cast %parallel_loop3A_350 : i32 to index
        %parallel_loop3A_352 = arith.index_cast %parallel_loop3A_347 : i32 to index
        %parallel_loop3A_353 = arith.index_cast %parallel_loop3A_349 : i32 to index
        %parallel_loop3A_354 = tpu.vector_load %arg7[%parallel_loop3A_351, %parallel_loop3A_352, %parallel_loop3A_353] {strides = array<i32>} : memref<2x8x1024xf32, #tpu.memory_space<vmem>>, vector<16xf32>,
        tpu.vector_store %arg7[%parallel_loop3A_351, %parallel_loop3A_352, %parallel_loop3A_353], %parallel_loop3A_292 {strides = array<i32>} : memref<2x8x1024xf32, #tpu.memory_space<vmem>>, vector<16xf32>,
        %parallel_loop3A_355 = arith.constant 1 : i32
        %parallel_loop3A_356 = arith.constant 0 : i32
        %parallel_loop3A_357 = tpu.memref_slice %arg5[%parallel_loop3A_355, %parallel_loop3A_356] : memref<4x24840xi32, #tpu.memory_space<vmem>> -> memref<1x24840xi32, #tpu.memory_space<vmem>>
        %parallel_loop3A_358 = tpu.memref_squeeze %parallel_loop3A_357 : memref<1x24840xi32, #tpu.memory_space<vmem>> -> memref<24840xi32, #tpu.memory_space<vmem>>
        %parallel_loop3A_359 = tpu.vector_load_idx %parallel_loop3A_358[%parallel_loop3A_266] : memref<24840xi32, #tpu.memory_space<vmem>>[vector<16xi32>], vector<16xi32>,
        %parallel_loop3A_360 = vector.bitcast %parallel_loop3A_359 : vector<16xi32> to vector<32xbf16>
        %parallel_loop3A_361 = tpu.unpack_subelements %parallel_loop3A_360, 0 {pack_format = #tpu.pack_format<interleaved>} : vector<32xbf16> -> vector<16xf32>
        %parallel_loop3A_362 = tpu.unpack_subelements %parallel_loop3A_360, 1 {pack_format = #tpu.pack_format<interleaved>} : vector<32xbf16> -> vector<16xf32>
        %parallel_loop3A_363 = arith.constant 8 : i32
        %parallel_loop3A_364 = arith.divsi %parallel_loop3A_259, %parallel_loop3A_363 : i32
        %parallel_loop3A_365 = arith.constant 0 : i32
        %parallel_loop3A_366 = arith.cmpi sgt, %parallel_loop3A_259, %parallel_loop3A_365 : i32
        %parallel_loop3A_367 = arith.extui %parallel_loop3A_366 : i1 to i32
        %parallel_loop3A_368 = arith.constant 0 : i32
        %parallel_loop3A_369 = arith.cmpi slt, %parallel_loop3A_259, %parallel_loop3A_368 : i32
        %parallel_loop3A_370 = arith.extui %parallel_loop3A_369 : i1 to i32
        %parallel_loop3A_371 = arith.subi %parallel_loop3A_367, %parallel_loop3A_370 : i32
        %parallel_loop3A_372 = arith.constant 0 : i32
        %parallel_loop3A_373 = arith.cmpi sgt, %parallel_loop3A_363, %parallel_loop3A_372 : i32
        %parallel_loop3A_374 = arith.extui %parallel_loop3A_373 : i1 to i32
        %parallel_loop3A_375 = arith.constant 0 : i32
        %parallel_loop3A_376 = arith.cmpi slt, %parallel_loop3A_363, %parallel_loop3A_375 : i32
        %parallel_loop3A_377 = arith.extui %parallel_loop3A_376 : i1 to i32
        %parallel_loop3A_378 = arith.subi %parallel_loop3A_374, %parallel_loop3A_377 : i32
        %parallel_loop3A_379 = arith.cmpi ne, %parallel_loop3A_371, %parallel_loop3A_378 : i32
        %parallel_loop3A_380 = arith.remsi %parallel_loop3A_259, %parallel_loop3A_363 : i32
        %parallel_loop3A_381 = arith.constant 0 : i32
        %parallel_loop3A_382 = arith.cmpi ne, %parallel_loop3A_380, %parallel_loop3A_381 : i32
        %parallel_loop3A_383 = arith.andi %parallel_loop3A_379, %parallel_loop3A_382 : i1
        %parallel_loop3A_384 = arith.constant 1 : i32
        %parallel_loop3A_385 = arith.subi %parallel_loop3A_364, %parallel_loop3A_384 : i32
        %parallel_loop3A_386 = arith.select %parallel_loop3A_383, %parallel_loop3A_385, %parallel_loop3A_364 : i32
        %parallel_loop3A_387 = arith.constant 256 : i32
        %parallel_loop3A_388 = arith.addi %parallel_loop3A_387, %parallel_loop3A_284 : i32
        %parallel_loop3A_389 = arith.constant 1 : i32
        %parallel_loop3A_390 = arith.index_cast %parallel_loop3A_389 : i32 to index
        %parallel_loop3A_391 = arith.index_cast %parallel_loop3A_386 : i32 to index
        %parallel_loop3A_392 = arith.index_cast %parallel_loop3A_388 : i32 to index
        %parallel_loop3A_393 = tpu.vector_load %arg7[%parallel_loop3A_390, %parallel_loop3A_391, %parallel_loop3A_392] {strides = array<i32>} : memref<2x8x1024xf32, #tpu.memory_space<vmem>>, vector<16xf32>,
        tpu.vector_store %arg7[%parallel_loop3A_390, %parallel_loop3A_391, %parallel_loop3A_392], %parallel_loop3A_361 {strides = array<i32>} : memref<2x8x1024xf32, #tpu.memory_space<vmem>>, vector<16xf32>,
        %parallel_loop3A_394 = arith.constant 8 : i32
        %parallel_loop3A_395 = arith.divsi %parallel_loop3A_259, %parallel_loop3A_394 : i32
        %parallel_loop3A_396 = arith.constant 0 : i32
        %parallel_loop3A_397 = arith.cmpi sgt, %parallel_loop3A_259, %parallel_loop3A_396 : i32
        %parallel_loop3A_398 = arith.extui %parallel_loop3A_397 : i1 to i32
        %parallel_loop3A_399 = arith.constant 0 : i32
        %parallel_loop3A_400 = arith.cmpi slt, %parallel_loop3A_259, %parallel_loop3A_399 : i32
        %parallel_loop3A_401 = arith.extui %parallel_loop3A_400 : i1 to i32
        %parallel_loop3A_402 = arith.subi %parallel_loop3A_398, %parallel_loop3A_401 : i32
        %parallel_loop3A_403 = arith.constant 0 : i32
        %parallel_loop3A_404 = arith.cmpi sgt, %parallel_loop3A_394, %parallel_loop3A_403 : i32
        %parallel_loop3A_405 = arith.extui %parallel_loop3A_404 : i1 to i32
        %parallel_loop3A_406 = arith.constant 0 : i32
        %parallel_loop3A_407 = arith.cmpi slt, %parallel_loop3A_394, %parallel_loop3A_406 : i32
        %parallel_loop3A_408 = arith.extui %parallel_loop3A_407 : i1 to i32
        %parallel_loop3A_409 = arith.subi %parallel_loop3A_405, %parallel_loop3A_408 : i32
        %parallel_loop3A_410 = arith.cmpi ne, %parallel_loop3A_402, %parallel_loop3A_409 : i32
        %parallel_loop3A_411 = arith.remsi %parallel_loop3A_259, %parallel_loop3A_394 : i32
        %parallel_loop3A_412 = arith.constant 0 : i32
        %parallel_loop3A_413 = arith.cmpi ne, %parallel_loop3A_411, %parallel_loop3A_412 : i32
        %parallel_loop3A_414 = arith.andi %parallel_loop3A_410, %parallel_loop3A_413 : i1
        %parallel_loop3A_415 = arith.constant 1 : i32
        %parallel_loop3A_416 = arith.subi %parallel_loop3A_395, %parallel_loop3A_415 : i32
        %parallel_loop3A_417 = arith.select %parallel_loop3A_414, %parallel_loop3A_416, %parallel_loop3A_395 : i32
        %parallel_loop3A_418 = arith.constant 384 : i32
        %parallel_loop3A_419 = arith.addi %parallel_loop3A_418, %parallel_loop3A_284 : i32
        %parallel_loop3A_420 = arith.constant 1 : i32
        %parallel_loop3A_421 = arith.index_cast %parallel_loop3A_420 : i32 to index
        %parallel_loop3A_422 = arith.index_cast %parallel_loop3A_417 : i32 to index
        %parallel_loop3A_423 = arith.index_cast %parallel_loop3A_419 : i32 to index
        %parallel_loop3A_424 = tpu.vector_load %arg7[%parallel_loop3A_421, %parallel_loop3A_422, %parallel_loop3A_423] {strides = array<i32>} : memref<2x8x1024xf32, #tpu.memory_space<vmem>>, vector<16xf32>,
        tpu.vector_store %arg7[%parallel_loop3A_421, %parallel_loop3A_422, %parallel_loop3A_423], %parallel_loop3A_362 {strides = array<i32>} : memref<2x8x1024xf32, #tpu.memory_space<vmem>>, vector<16xf32>,
        %parallel_loop3A_425 = arith.constant 2 : i32
        %parallel_loop3A_426 = arith.constant 0 : i32
        %parallel_loop3A_427 = tpu.memref_slice %arg5[%parallel_loop3A_425, %parallel_loop3A_426] : memref<4x24840xi32, #tpu.memory_space<vmem>> -> memref<1x24840xi32, #tpu.memory_space<vmem>>
        %parallel_loop3A_428 = tpu.memref_squeeze %parallel_loop3A_427 : memref<1x24840xi32, #tpu.memory_space<vmem>> -> memref<24840xi32, #tpu.memory_space<vmem>>
        %parallel_loop3A_429 = tpu.vector_load_idx %parallel_loop3A_428[%parallel_loop3A_266] : memref<24840xi32, #tpu.memory_space<vmem>>[vector<16xi32>], vector<16xi32>,
        %parallel_loop3A_430 = vector.bitcast %parallel_loop3A_429 : vector<16xi32> to vector<32xbf16>
        %parallel_loop3A_431 = tpu.unpack_subelements %parallel_loop3A_430, 0 {pack_format = #tpu.pack_format<interleaved>} : vector<32xbf16> -> vector<16xf32>
        %parallel_loop3A_432 = tpu.unpack_subelements %parallel_loop3A_430, 1 {pack_format = #tpu.pack_format<interleaved>} : vector<32xbf16> -> vector<16xf32>
        %parallel_loop3A_433 = arith.constant 8 : i32
        %parallel_loop3A_434 = arith.divsi %parallel_loop3A_259, %parallel_loop3A_433 : i32
        %parallel_loop3A_435 = arith.constant 0 : i32
        %parallel_loop3A_436 = arith.cmpi sgt, %parallel_loop3A_259, %parallel_loop3A_435 : i32
        %parallel_loop3A_437 = arith.extui %parallel_loop3A_436 : i1 to i32
        %parallel_loop3A_438 = arith.constant 0 : i32
        %parallel_loop3A_439 = arith.cmpi slt, %parallel_loop3A_259, %parallel_loop3A_438 : i32
        %parallel_loop3A_440 = arith.extui %parallel_loop3A_439 : i1 to i32
        %parallel_loop3A_441 = arith.subi %parallel_loop3A_437, %parallel_loop3A_440 : i32
        %parallel_loop3A_442 = arith.constant 0 : i32
        %parallel_loop3A_443 = arith.cmpi sgt, %parallel_loop3A_433, %parallel_loop3A_442 : i32
        %parallel_loop3A_444 = arith.extui %parallel_loop3A_443 : i1 to i32
        %parallel_loop3A_445 = arith.constant 0 : i32
        %parallel_loop3A_446 = arith.cmpi slt, %parallel_loop3A_433, %parallel_loop3A_445 : i32
        %parallel_loop3A_447 = arith.extui %parallel_loop3A_446 : i1 to i32
        %parallel_loop3A_448 = arith.subi %parallel_loop3A_444, %parallel_loop3A_447 : i32
        %parallel_loop3A_449 = arith.cmpi ne, %parallel_loop3A_441, %parallel_loop3A_448 : i32
        %parallel_loop3A_450 = arith.remsi %parallel_loop3A_259, %parallel_loop3A_433 : i32
        %parallel_loop3A_451 = arith.constant 0 : i32
        %parallel_loop3A_452 = arith.cmpi ne, %parallel_loop3A_450, %parallel_loop3A_451 : i32
        %parallel_loop3A_453 = arith.andi %parallel_loop3A_449, %parallel_loop3A_452 : i1
        %parallel_loop3A_454 = arith.constant 1 : i32
        %parallel_loop3A_455 = arith.subi %parallel_loop3A_434, %parallel_loop3A_454 : i32
        %parallel_loop3A_456 = arith.select %parallel_loop3A_453, %parallel_loop3A_455, %parallel_loop3A_434 : i32
        %parallel_loop3A_457 = arith.constant 512 : i32
        %parallel_loop3A_458 = arith.addi %parallel_loop3A_457, %parallel_loop3A_284 : i32
        %parallel_loop3A_459 = arith.constant 1 : i32
        %parallel_loop3A_460 = arith.index_cast %parallel_loop3A_459 : i32 to index
        %parallel_loop3A_461 = arith.index_cast %parallel_loop3A_456 : i32 to index
        %parallel_loop3A_462 = arith.index_cast %parallel_loop3A_458 : i32 to index
        %parallel_loop3A_463 = tpu.vector_load %arg7[%parallel_loop3A_460, %parallel_loop3A_461, %parallel_loop3A_462] {strides = array<i32>} : memref<2x8x1024xf32, #tpu.memory_space<vmem>>, vector<16xf32>,
        tpu.vector_store %arg7[%parallel_loop3A_460, %parallel_loop3A_461, %parallel_loop3A_462], %parallel_loop3A_431 {strides = array<i32>} : memref<2x8x1024xf32, #tpu.memory_space<vmem>>, vector<16xf32>,
        %parallel_loop3A_464 = arith.constant 8 : i32
        %parallel_loop3A_465 = arith.divsi %parallel_loop3A_259, %parallel_loop3A_464 : i32
        %parallel_loop3A_466 = arith.constant 0 : i32
        %parallel_loop3A_467 = arith.cmpi sgt, %parallel_loop3A_259, %parallel_loop3A_466 : i32
        %parallel_loop3A_468 = arith.extui %parallel_loop3A_467 : i1 to i32
        %parallel_loop3A_469 = arith.constant 0 : i32
        %parallel_loop3A_470 = arith.cmpi slt, %parallel_loop3A_259, %parallel_loop3A_469 : i32
        %parallel_loop3A_471 = arith.extui %parallel_loop3A_470 : i1 to i32
        %parallel_loop3A_472 = arith.subi %parallel_loop3A_468, %parallel_loop3A_471 : i32
        %parallel_loop3A_473 = arith.constant 0 : i32
        %parallel_loop3A_474 = arith.cmpi sgt, %parallel_loop3A_464, %parallel_loop3A_473 : i32
        %parallel_loop3A_475 = arith.extui %parallel_loop3A_474 : i1 to i32
        %parallel_loop3A_476 = arith.constant 0 : i32
        %parallel_loop3A_477 = arith.cmpi slt, %parallel_loop3A_464, %parallel_loop3A_476 : i32
        %parallel_loop3A_478 = arith.extui %parallel_loop3A_477 : i1 to i32
        %parallel_loop3A_479 = arith.subi %parallel_loop3A_475, %parallel_loop3A_478 : i32
        %parallel_loop3A_480 = arith.cmpi ne, %parallel_loop3A_472, %parallel_loop3A_479 : i32
        %parallel_loop3A_481 = arith.remsi %parallel_loop3A_259, %parallel_loop3A_464 : i32
        %parallel_loop3A_482 = arith.constant 0 : i32
        %parallel_loop3A_483 = arith.cmpi ne, %parallel_loop3A_481, %parallel_loop3A_482 : i32
        %parallel_loop3A_484 = arith.andi %parallel_loop3A_480, %parallel_loop3A_483 : i1
        %parallel_loop3A_485 = arith.constant 1 : i32
        %parallel_loop3A_486 = arith.subi %parallel_loop3A_465, %parallel_loop3A_485 : i32
        %parallel_loop3A_487 = arith.select %parallel_loop3A_484, %parallel_loop3A_486, %parallel_loop3A_465 : i32
        %parallel_loop3A_488 = arith.constant 640 : i32
        %parallel_loop3A_489 = arith.addi %parallel_loop3A_488, %parallel_loop3A_284 : i32
        %parallel_loop3A_490 = arith.constant 1 : i32
        %parallel_loop3A_491 = arith.index_cast %parallel_loop3A_490 : i32 to index
        %parallel_loop3A_492 = arith.index_cast %parallel_loop3A_487 : i32 to index
        %parallel_loop3A_493 = arith.index_cast %parallel_loop3A_489 : i32 to index
        %parallel_loop3A_494 = tpu.vector_load %arg7[%parallel_loop3A_491, %parallel_loop3A_492, %parallel_loop3A_493] {strides = array<i32>} : memref<2x8x1024xf32, #tpu.memory_space<vmem>>, vector<16xf32>,
        tpu.vector_store %arg7[%parallel_loop3A_491, %parallel_loop3A_492, %parallel_loop3A_493], %parallel_loop3A_432 {strides = array<i32>} : memref<2x8x1024xf32, #tpu.memory_space<vmem>>, vector<16xf32>,
        %parallel_loop3A_495 = arith.constant 3 : i32
        %parallel_loop3A_496 = arith.constant 0 : i32
        %parallel_loop3A_497 = tpu.memref_slice %arg5[%parallel_loop3A_495, %parallel_loop3A_496] : memref<4x24840xi32, #tpu.memory_space<vmem>> -> memref<1x24840xi32, #tpu.memory_space<vmem>>
        %parallel_loop3A_498 = tpu.memref_squeeze %parallel_loop3A_497 : memref<1x24840xi32, #tpu.memory_space<vmem>> -> memref<24840xi32, #tpu.memory_space<vmem>>
        %parallel_loop3A_499 = tpu.vector_load_idx %parallel_loop3A_498[%parallel_loop3A_266] : memref<24840xi32, #tpu.memory_space<vmem>>[vector<16xi32>], vector<16xi32>,
        %parallel_loop3A_500 = vector.bitcast %parallel_loop3A_499 : vector<16xi32> to vector<32xbf16>
        %parallel_loop3A_501 = tpu.unpack_subelements %parallel_loop3A_500, 0 {pack_format = #tpu.pack_format<interleaved>} : vector<32xbf16> -> vector<16xf32>
        %parallel_loop3A_502 = tpu.unpack_subelements %parallel_loop3A_500, 1 {pack_format = #tpu.pack_format<interleaved>} : vector<32xbf16> -> vector<16xf32>
        %parallel_loop3A_503 = arith.constant 8 : i32
        %parallel_loop3A_504 = arith.divsi %parallel_loop3A_259, %parallel_loop3A_503 : i32
        %parallel_loop3A_505 = arith.constant 0 : i32
        %parallel_loop3A_506 = arith.cmpi sgt, %parallel_loop3A_259, %parallel_loop3A_505 : i32
        %parallel_loop3A_507 = arith.extui %parallel_loop3A_506 : i1 to i32
        %parallel_loop3A_508 = arith.constant 0 : i32
        %parallel_loop3A_509 = arith.cmpi slt, %parallel_loop3A_259, %parallel_loop3A_508 : i32
        %parallel_loop3A_510 = arith.extui %parallel_loop3A_509 : i1 to i32
        %parallel_loop3A_511 = arith.subi %parallel_loop3A_507, %parallel_loop3A_510 : i32
        %parallel_loop3A_512 = arith.constant 0 : i32
        %parallel_loop3A_513 = arith.cmpi sgt, %parallel_loop3A_503, %parallel_loop3A_512 : i32
        %parallel_loop3A_514 = arith.extui %parallel_loop3A_513 : i1 to i32
        %parallel_loop3A_515 = arith.constant 0 : i32
        %parallel_loop3A_516 = arith.cmpi slt, %parallel_loop3A_503, %parallel_loop3A_515 : i32
        %parallel_loop3A_517 = arith.extui %parallel_loop3A_516 : i1 to i32
        %parallel_loop3A_518 = arith.subi %parallel_loop3A_514, %parallel_loop3A_517 : i32
        %parallel_loop3A_519 = arith.cmpi ne, %parallel_loop3A_511, %parallel_loop3A_518 : i32
        %parallel_loop3A_520 = arith.remsi %parallel_loop3A_259, %parallel_loop3A_503 : i32
        %parallel_loop3A_521 = arith.constant 0 : i32
        %parallel_loop3A_522 = arith.cmpi ne, %parallel_loop3A_520, %parallel_loop3A_521 : i32
        %parallel_loop3A_523 = arith.andi %parallel_loop3A_519, %parallel_loop3A_522 : i1
        %parallel_loop3A_524 = arith.constant 1 : i32
        %parallel_loop3A_525 = arith.subi %parallel_loop3A_504, %parallel_loop3A_524 : i32
        %parallel_loop3A_526 = arith.select %parallel_loop3A_523, %parallel_loop3A_525, %parallel_loop3A_504 : i32
        %parallel_loop3A_527 = arith.constant 768 : i32
        %parallel_loop3A_528 = arith.addi %parallel_loop3A_527, %parallel_loop3A_284 : i32
        %parallel_loop3A_529 = arith.constant 1 : i32
        %parallel_loop3A_530 = arith.index_cast %parallel_loop3A_529 : i32 to index
        %parallel_loop3A_531 = arith.index_cast %parallel_loop3A_526 : i32 to index
        %parallel_loop3A_532 = arith.index_cast %parallel_loop3A_528 : i32 to index
        %parallel_loop3A_533 = tpu.vector_load %arg7[%parallel_loop3A_530, %parallel_loop3A_531, %parallel_loop3A_532] {strides = array<i32>} : memref<2x8x1024xf32, #tpu.memory_space<vmem>>, vector<16xf32>,
        tpu.vector_store %arg7[%parallel_loop3A_530, %parallel_loop3A_531, %parallel_loop3A_532], %parallel_loop3A_501 {strides = array<i32>} : memref<2x8x1024xf32, #tpu.memory_space<vmem>>, vector<16xf32>,
        %parallel_loop3A_534 = arith.constant 8 : i32
        %parallel_loop3A_535 = arith.divsi %parallel_loop3A_259, %parallel_loop3A_534 : i32
        %parallel_loop3A_536 = arith.constant 0 : i32
        %parallel_loop3A_537 = arith.cmpi sgt, %parallel_loop3A_259, %parallel_loop3A_536 : i32
        %parallel_loop3A_538 = arith.extui %parallel_loop3A_537 : i1 to i32
        %parallel_loop3A_539 = arith.constant 0 : i32
        %parallel_loop3A_540 = arith.cmpi slt, %parallel_loop3A_259, %parallel_loop3A_539 : i32
        %parallel_loop3A_541 = arith.extui %parallel_loop3A_540 : i1 to i32
        %parallel_loop3A_542 = arith.subi %parallel_loop3A_538, %parallel_loop3A_541 : i32
        %parallel_loop3A_543 = arith.constant 0 : i32
        %parallel_loop3A_544 = arith.cmpi sgt, %parallel_loop3A_534, %parallel_loop3A_543 : i32
        %parallel_loop3A_545 = arith.extui %parallel_loop3A_544 : i1 to i32
        %parallel_loop3A_546 = arith.constant 0 : i32
        %parallel_loop3A_547 = arith.cmpi slt, %parallel_loop3A_534, %parallel_loop3A_546 : i32
        %parallel_loop3A_548 = arith.extui %parallel_loop3A_547 : i1 to i32
        %parallel_loop3A_549 = arith.subi %parallel_loop3A_545, %parallel_loop3A_548 : i32
        %parallel_loop3A_550 = arith.cmpi ne, %parallel_loop3A_542, %parallel_loop3A_549 : i32
        %parallel_loop3A_551 = arith.remsi %parallel_loop3A_259, %parallel_loop3A_534 : i32
        %parallel_loop3A_552 = arith.constant 0 : i32
        %parallel_loop3A_553 = arith.cmpi ne, %parallel_loop3A_551, %parallel_loop3A_552 : i32
        %parallel_loop3A_554 = arith.andi %parallel_loop3A_550, %parallel_loop3A_553 : i1
        %parallel_loop3A_555 = arith.constant 1 : i32
        %parallel_loop3A_556 = arith.subi %parallel_loop3A_535, %parallel_loop3A_555 : i32
        %parallel_loop3A_557 = arith.select %parallel_loop3A_554, %parallel_loop3A_556, %parallel_loop3A_535 : i32
        %parallel_loop3A_558 = arith.constant 896 : i32
        %parallel_loop3A_559 = arith.addi %parallel_loop3A_558, %parallel_loop3A_284 : i32
        %parallel_loop3A_560 = arith.constant 1 : i32
        %parallel_loop3A_561 = arith.index_cast %parallel_loop3A_560 : i32 to index
        %parallel_loop3A_562 = arith.index_cast %parallel_loop3A_557 : i32 to index
        %parallel_loop3A_563 = arith.index_cast %parallel_loop3A_559 : i32 to index
        %parallel_loop3A_564 = tpu.vector_load %arg7[%parallel_loop3A_561, %parallel_loop3A_562, %parallel_loop3A_563] {strides = array<i32>} : memref<2x8x1024xf32, #tpu.memory_space<vmem>>, vector<16xf32>,
        tpu.vector_store %arg7[%parallel_loop3A_561, %parallel_loop3A_562, %parallel_loop3A_563], %parallel_loop3A_502 {strides = array<i32>} : memref<2x8x1024xf32, #tpu.memory_space<vmem>>, vector<16xf32>,
      } {sc.loop_unroll_factor = 8 : i64, sc.parallel_access}
      %mul3A_240 = arith.constant 32 : i32
      %mul3A_241 = arith.muli %select_n3A_30, %mul3A_240 : i32
      %add3A_242 = arith.constant 24 : i32
      %add3A_243 = arith.addi %mul3A_241, %add3A_242 : i32
      %dma_start3A_244 = arith.constant 1 : i32
      %dma_start3A_245 = arith.constant 0 : i32
      %dma_start3A_246 = arith.constant 0 : i32
      %dma_start3A_247 = tpu.memref_slice %arg7[%dma_start3A_244, %dma_start3A_245, %dma_start3A_246] : memref<2x8x1024xf32, #tpu.memory_space<vmem>> -> memref<1x8x1024xf32, #tpu.memory_space<vmem>>
      %dma_start3A_248 = tpu.memref_squeeze %dma_start3A_247 : memref<1x8x1024xf32, #tpu.memory_space<vmem>> -> memref<8x1024xf32, #tpu.memory_space<vmem>>
      %dma_start3A_249 = arith.constant 0 : i32
      %dma_start3A_250 = tpu.memref_slice %arg4[%scan3A_105, %select_n3A, %add3A_243, %dma_start3A_249] : memref<50x8x128x1024xf32, #tpu.memory_space<hbm>> -> memref<1x1x8x1024xf32, #tpu.memory_space<hbm>>
      %dma_start3A_251 = tpu.memref_squeeze %dma_start3A_250 : memref<1x1x8x1024xf32, #tpu.memory_space<hbm>> -> memref<8x1024xf32, #tpu.memory_space<hbm>>
      %dma_start3A_252 = arith.constant 0 : i32
      %dma_start3A_253 = tpu.memref_slice %arg4[%scan3A_105, %select_n3A, %add3A_243, %dma_start3A_252] : memref<50x8x128x1024xf32, #tpu.memory_space<hbm>> -> memref<1x1x8x1024xf32, #tpu.memory_space<hbm>>
      %dma_start3A_254 = tpu.memref_squeeze %dma_start3A_253 : memref<1x1x8x1024xf32, #tpu.memory_space<hbm>> -> memref<8x1024xf32, #tpu.memory_space<hbm>>
      %dma_start3A_255 = arith.constant 0 : i32
      %dma_start3A_256 = arith.constant 0 : i32
      %dma_start3A_257 = tpu.memref_slice %arg7[%dma_start3A_244, %dma_start3A_255, %dma_start3A_256] : memref<2x8x1024xf32, #tpu.memory_space<vmem>> -> memref<1x8x1024xf32, #tpu.memory_space<vmem>>
      %dma_start3A_258 = tpu.memref_squeeze %dma_start3A_257 : memref<1x8x1024xf32, #tpu.memory_space<vmem>> -> memref<8x1024xf32, #tpu.memory_space<vmem>>
      tpu.enqueue_dma source(%dma_start3A_258 : memref<8x1024xf32, #tpu.memory_space<vmem>>) target(%dma_start3A_254 : memref<8x1024xf32, #tpu.memory_space<hbm>>) target_semaphore(%arg10 : memref<!tpu.dma_semaphore, #tpu.memory_space<semaphore_mem>>)
    }
    %scan3A_67 = arith.constant 50 : i32
    %dma_wait3A = arith.constant 0 : i32
    %dma_wait3A_68 = arith.constant 0 : i32
    %dma_wait3A_69 = arith.constant 0 : i32
    %dma_wait3A_70 = arith.constant 0 : i32
    %dma_wait3A_71 = arith.constant 0 : i32
    %dma_wait3A_72 = tpu.memref_slice %arg7[%dma_wait3A_69, %dma_wait3A_70, %dma_wait3A_71] : memref<2x8x1024xf32, #tpu.memory_space<vmem>> -> memref<1x8x1024xf32, #tpu.memory_space<vmem>>
    %dma_wait3A_73 = tpu.memref_squeeze %dma_wait3A_72 : memref<1x8x1024xf32, #tpu.memory_space<vmem>> -> memref<8x1024xf32, #tpu.memory_space<vmem>>
    %dma_wait3A_74 = arith.constant 0 : i32
    %dma_wait3A_75 = arith.constant 0 : i32
    %dma_wait3A_76 = tpu.memref_slice %arg4[%dma_wait3A, %dma_wait3A_68, %dma_wait3A_74, %dma_wait3A_75] : memref<50x8x128x1024xf32, #tpu.memory_space<hbm>> -> memref<1x1x8x1024xf32, #tpu.memory_space<hbm>>
    %dma_wait3A_77 = tpu.memref_squeeze %dma_wait3A_76 : memref<1x1x8x1024xf32, #tpu.memory_space<hbm>> -> memref<8x1024xf32, #tpu.memory_space<hbm>>
    %dma_wait3A_78 = arith.constant 0 : i32
    %dma_wait3A_79 = arith.constant 0 : i32
    %dma_wait3A_80 = tpu.memref_slice %arg7[%dma_wait3A_69, %dma_wait3A_78, %dma_wait3A_79] : memref<2x8x1024xf32, #tpu.memory_space<vmem>> -> memref<1x8x1024xf32, #tpu.memory_space<vmem>>
    %dma_wait3A_81 = tpu.memref_squeeze %dma_wait3A_80 : memref<1x8x1024xf32, #tpu.memory_space<vmem>> -> memref<8x1024xf32, #tpu.memory_space<vmem>>
    %dma_wait3A_82 = arith.constant 0 : i32
    %dma_wait3A_83 = arith.constant 0 : i32
    %dma_wait3A_84 = tpu.memref_slice %arg4[%dma_wait3A, %dma_wait3A_68, %dma_wait3A_82, %dma_wait3A_83] : memref<50x8x128x1024xf32, #tpu.memory_space<hbm>> -> memref<1x1x8x1024xf32, #tpu.memory_space<hbm>>
    %dma_wait3A_85 = tpu.memref_squeeze %dma_wait3A_84 : memref<1x1x8x1024xf32, #tpu.memory_space<hbm>> -> memref<8x1024xf32, #tpu.memory_space<hbm>>
    tpu.wait_dma2 semaphore(%arg9 : memref<!tpu.dma_semaphore, #tpu.memory_space<semaphore_mem>>) src(%dma_wait3A_85 : memref<8x1024xf32, #tpu.memory_space<hbm>>) dst(%dma_wait3A_81 : memref<8x1024xf32, #tpu.memory_space<vmem>>)
    %dma_wait3A_86 = arith.constant 0 : i32
    %dma_wait3A_87 = arith.constant 0 : i32
    %dma_wait3A_88 = arith.constant 1 : i32
    %dma_wait3A_89 = arith.constant 0 : i32
    %dma_wait3A_90 = arith.constant 0 : i32
    %dma_wait3A_91 = tpu.memref_slice %arg7[%dma_wait3A_88, %dma_wait3A_89, %dma_wait3A_90] : memref<2x8x1024xf32, #tpu.memory_space<vmem>> -> memref<1x8x1024xf32, #tpu.memory_space<vmem>>
    %dma_wait3A_92 = tpu.memref_squeeze %dma_wait3A_91 : memref<1x8x1024xf32, #tpu.memory_space<vmem>> -> memref<8x1024xf32, #tpu.memory_space<vmem>>
    %dma_wait3A_93 = arith.constant 0 : i32
    %dma_wait3A_94 = arith.constant 0 : i32
    %dma_wait3A_95 = tpu.memref_slice %arg4[%dma_wait3A_86, %dma_wait3A_87, %dma_wait3A_93, %dma_wait3A_94] : memref<50x8x128x1024xf32, #tpu.memory_space<hbm>> -> memref<1x1x8x1024xf32, #tpu.memory_space<hbm>>
    %dma_wait3A_96 = tpu.memref_squeeze %dma_wait3A_95 : memref<1x1x8x1024xf32, #tpu.memory_space<hbm>> -> memref<8x1024xf32, #tpu.memory_space<hbm>>
    %dma_wait3A_97 = arith.constant 0 : i32
    %dma_wait3A_98 = arith.constant 0 : i32
    %dma_wait3A_99 = tpu.memref_slice %arg7[%dma_wait3A_88, %dma_wait3A_97, %dma_wait3A_98] : memref<2x8x1024xf32, #tpu.memory_space<vmem>> -> memref<1x8x1024xf32, #tpu.memory_space<vmem>>
    %dma_wait3A_100 = tpu.memref_squeeze %dma_wait3A_99 : memref<1x8x1024xf32, #tpu.memory_space<vmem>> -> memref<8x1024xf32, #tpu.memory_space<vmem>>
    %dma_wait3A_101 = arith.constant 0 : i32
    %dma_wait3A_102 = arith.constant 0 : i32
    %dma_wait3A_103 = tpu.memref_slice %arg4[%dma_wait3A_86, %dma_wait3A_87, %dma_wait3A_101, %dma_wait3A_102] : memref<50x8x128x1024xf32, #tpu.memory_space<hbm>> -> memref<1x1x8x1024xf32, #tpu.memory_space<hbm>>
    %dma_wait3A_104 = tpu.memref_squeeze %dma_wait3A_103 : memref<1x1x8x1024xf32, #tpu.memory_space<hbm>> -> memref<8x1024xf32, #tpu.memory_space<hbm>>
    tpu.wait_dma2 semaphore(%arg10 : memref<!tpu.dma_semaphore, #tpu.memory_space<semaphore_mem>>) src(%dma_wait3A_104 : memref<8x1024xf32, #tpu.memory_space<hbm>>) dst(%dma_wait3A_100 : memref<8x1024xf32, #tpu.memory_space<vmem>>)
    return
  }
}

module attributes {stable_mosaic.version = 14 : i64} {
  func.func @_table_body(%arg0: memref<54x64xf32, #tpu.memory_space<vmem>>, %arg1: memref<20x64xf32, #tpu.memory_space<vmem>>, %arg2: memref<23x64xf32, #tpu.memory_space<vmem>>, %arg3: memref<192x64xf32, #tpu.memory_space<vmem>>, %arg4: memref<64x1xf32, #tpu.memory_space<vmem>>, %arg5: memref<64x64xf32, #tpu.memory_space<vmem>>, %arg6: memref<64x1xf32, #tpu.memory_space<vmem>>, %arg7: memref<32x24840xi32, #tpu.memory_space<vmem>>) attributes {dimension_semantics = [], scalar_prefetch = 0 : i64, scratch_operands = 0 : i64, tpu.core_type = #tpu.core_type<tc>} {
    %get3A = arith.constant 0 : index
    %get3A_0 = arith.constant 0 : index
    %get3A_1 = vector.load %arg3[%get3A, %get3A_0] : memref<192x64xf32, #tpu.memory_space<vmem>>, vector<64x64xf32>
    %get3A_2 = arith.constant 0 : index
    %get3A_3 = arith.constant 0 : index
    %get3A_4 = vector.load %arg0[%get3A_2, %get3A_3] : memref<54x64xf32, #tpu.memory_space<vmem>>, vector<54x64xf32>
    %dot_general3A = arith.constant dense<0.000000e+00> : vector<64x54xf32>
    %dot_general3A_5 = tpu.matmul %get3A_1, %get3A_4, %dot_general3A {dimension_numbers = #tpu.dot_dimension_numbers<[0], [1], [1], [0], [0, 1, 1, 0], [], []>, transpose_lhs_hint = false} : vector<64x64xf32>, vector<54x64xf32>, vector<64x54xf32> -> vector<64x54xf32>
    %get3A_6 = arith.constant 64 : index
    %get3A_7 = arith.constant 0 : index
    %get3A_8 = vector.load %arg3[%get3A_6, %get3A_7] : memref<192x64xf32, #tpu.memory_space<vmem>>, vector<64x64xf32>
    %get3A_9 = arith.constant 0 : index
    %get3A_10 = arith.constant 0 : index
    %get3A_11 = vector.load %arg1[%get3A_9, %get3A_10] : memref<20x64xf32, #tpu.memory_space<vmem>>, vector<20x64xf32>
    %dot_general3A_12 = arith.constant dense<0.000000e+00> : vector<64x20xf32>
    %dot_general3A_13 = tpu.matmul %get3A_8, %get3A_11, %dot_general3A_12 {dimension_numbers = #tpu.dot_dimension_numbers<[0], [1], [1], [0], [0, 1, 1, 0], [], []>, transpose_lhs_hint = false} : vector<64x64xf32>, vector<20x64xf32>, vector<64x20xf32> -> vector<64x20xf32>
    %get3A_14 = arith.constant 128 : index
    %get3A_15 = arith.constant 0 : index
    %get3A_16 = vector.load %arg3[%get3A_14, %get3A_15] : memref<192x64xf32, #tpu.memory_space<vmem>>, vector<64x64xf32>
    %get3A_17 = arith.constant 0 : index
    %get3A_18 = arith.constant 0 : index
    %get3A_19 = vector.load %arg2[%get3A_17, %get3A_18] : memref<23x64xf32, #tpu.memory_space<vmem>>, vector<23x64xf32>
    %dot_general3A_20 = arith.constant dense<0.000000e+00> : vector<64x23xf32>
    %dot_general3A_21 = tpu.matmul %get3A_16, %get3A_19, %dot_general3A_20 {dimension_numbers = #tpu.dot_dimension_numbers<[0], [1], [1], [0], [0, 1, 1, 0], [], []>, transpose_lhs_hint = false} : vector<64x64xf32>, vector<23x64xf32>, vector<64x23xf32> -> vector<64x23xf32>
    %iota3A = tpu.iota {dimensions = array<i32: 1>} : vector<54x24840xi32>
    %jit3A = arith.constant 460 : i32
    %div3A = vector.broadcast %jit3A : i32 to vector<54x24840xi32>
    %div3A_22 = arith.divsi %iota3A, %div3A : vector<54x24840xi32>
    %sign3A = arith.constant 0 : i32
    %sign3A_23 = vector.broadcast %sign3A : i32 to vector<54x24840xi32>
    %sign3A_24 = arith.cmpi sgt, %iota3A, %sign3A_23 : vector<54x24840xi32>
    %sign3A_25 = arith.extui %sign3A_24 : vector<54x24840xi1> to vector<54x24840xi32>
    %sign3A_26 = arith.constant 0 : i32
    %sign3A_27 = vector.broadcast %sign3A_26 : i32 to vector<54x24840xi32>
    %sign3A_28 = arith.cmpi slt, %iota3A, %sign3A_27 : vector<54x24840xi32>
    %sign3A_29 = arith.extui %sign3A_28 : vector<54x24840xi1> to vector<54x24840xi32>
    %sign3A_30 = arith.subi %sign3A_25, %sign3A_29 : vector<54x24840xi32>
    %sign3A_31 = arith.constant 0 : i32
    %sign3A_32 = arith.cmpi sgt, %jit3A, %sign3A_31 : i32
    %sign3A_33 = arith.extui %sign3A_32 : i1 to i32
    %sign3A_34 = arith.constant 0 : i32
    %sign3A_35 = arith.cmpi slt, %jit3A, %sign3A_34 : i32
    %sign3A_36 = arith.extui %sign3A_35 : i1 to i32
    %sign3A_37 = arith.subi %sign3A_33, %sign3A_36 : i32
    %ne3A = vector.broadcast %sign3A_37 : i32 to vector<54x24840xi32>
    %ne3A_38 = arith.cmpi ne, %sign3A_30, %ne3A : vector<54x24840xi32>
    %rem3A = vector.broadcast %jit3A : i32 to vector<54x24840xi32>
    %rem3A_39 = arith.remsi %iota3A, %rem3A : vector<54x24840xi32>
    %ne3A_40 = arith.constant 0 : i32
    %ne3A_41 = vector.broadcast %ne3A_40 : i32 to vector<54x24840xi32>
    %ne3A_42 = arith.cmpi ne, %rem3A_39, %ne3A_41 : vector<54x24840xi32>
    %and3A = arith.andi %ne3A_38, %ne3A_42 : vector<54x24840xi1>
    %sub3A = arith.constant 1 : i32
    %sub3A_43 = vector.broadcast %sub3A : i32 to vector<54x24840xi32>
    %sub3A_44 = arith.subi %div3A_22, %sub3A_43 : vector<54x24840xi32>
    %select_n3A = arith.select %and3A, %sub3A_44, %div3A_22 : vector<54x24840xi1>, vector<54x24840xi32>
    %iota3A_45 = tpu.iota {dimensions = array<i32: 0>} : vector<54x24840xi32>
    %eq3A = arith.cmpi eq, %select_n3A, %iota3A_45 : vector<54x24840xi32>
    %convert_element_type3A = arith.extui %eq3A : vector<54x24840xi1> to vector<54x24840xi32>
    %convert_element_type3A_46 = arith.sitofp %convert_element_type3A : vector<54x24840xi32> to vector<54x24840xf32>
    %iota3A_47 = tpu.iota {dimensions = array<i32: 1>} : vector<20x24840xi32>
    %jit3A_48 = arith.constant 23 : i32
    %div3A_49 = vector.broadcast %jit3A_48 : i32 to vector<20x24840xi32>
    %div3A_50 = arith.divsi %iota3A_47, %div3A_49 : vector<20x24840xi32>
    %sign3A_51 = arith.constant 0 : i32
    %sign3A_52 = vector.broadcast %sign3A_51 : i32 to vector<20x24840xi32>
    %sign3A_53 = arith.cmpi sgt, %iota3A_47, %sign3A_52 : vector<20x24840xi32>
    %sign3A_54 = arith.extui %sign3A_53 : vector<20x24840xi1> to vector<20x24840xi32>
    %sign3A_55 = arith.constant 0 : i32
    %sign3A_56 = vector.broadcast %sign3A_55 : i32 to vector<20x24840xi32>
    %sign3A_57 = arith.cmpi slt, %iota3A_47, %sign3A_56 : vector<20x24840xi32>
    %sign3A_58 = arith.extui %sign3A_57 : vector<20x24840xi1> to vector<20x24840xi32>
    %sign3A_59 = arith.subi %sign3A_54, %sign3A_58 : vector<20x24840xi32>
    %sign3A_60 = arith.constant 0 : i32
    %sign3A_61 = arith.cmpi sgt, %jit3A_48, %sign3A_60 : i32
    %sign3A_62 = arith.extui %sign3A_61 : i1 to i32
    %sign3A_63 = arith.constant 0 : i32
    %sign3A_64 = arith.cmpi slt, %jit3A_48, %sign3A_63 : i32
    %sign3A_65 = arith.extui %sign3A_64 : i1 to i32
    %sign3A_66 = arith.subi %sign3A_62, %sign3A_65 : i32
    %ne3A_67 = vector.broadcast %sign3A_66 : i32 to vector<20x24840xi32>
    %ne3A_68 = arith.cmpi ne, %sign3A_59, %ne3A_67 : vector<20x24840xi32>
    %rem3A_69 = vector.broadcast %jit3A_48 : i32 to vector<20x24840xi32>
    %rem3A_70 = arith.remsi %iota3A_47, %rem3A_69 : vector<20x24840xi32>
    %ne3A_71 = arith.constant 0 : i32
    %ne3A_72 = vector.broadcast %ne3A_71 : i32 to vector<20x24840xi32>
    %ne3A_73 = arith.cmpi ne, %rem3A_70, %ne3A_72 : vector<20x24840xi32>
    %and3A_74 = arith.andi %ne3A_68, %ne3A_73 : vector<20x24840xi1>
    %sub3A_75 = arith.constant 1 : i32
    %sub3A_76 = vector.broadcast %sub3A_75 : i32 to vector<20x24840xi32>
    %sub3A_77 = arith.subi %div3A_50, %sub3A_76 : vector<20x24840xi32>
    %select_n3A_78 = arith.select %and3A_74, %sub3A_77, %div3A_50 : vector<20x24840xi1>, vector<20x24840xi32>
    %jit3A_79 = arith.constant 20 : i32
    %eq3A_80 = arith.constant 0 : i32
    %eq3A_81 = arith.cmpi eq, %jit3A_79, %eq3A_80 : i32
    %jit3A_82 = arith.constant 1 : i32
    %select_n3A_83 = arith.select %eq3A_81, %jit3A_82, %jit3A_79 : i32
    %rem3A_84 = vector.broadcast %select_n3A_83 : i32 to vector<20x24840xi32>
    %rem3A_85 = arith.remsi %select_n3A_78, %rem3A_84 : vector<20x24840xi32>
    %ne3A_86 = arith.constant 0 : i32
    %ne3A_87 = vector.broadcast %ne3A_86 : i32 to vector<20x24840xi32>
    %ne3A_88 = arith.cmpi ne, %rem3A_85, %ne3A_87 : vector<20x24840xi32>
    %lt3A = arith.constant 0 : i32
    %lt3A_89 = vector.broadcast %lt3A : i32 to vector<20x24840xi32>
    %lt3A_90 = arith.cmpi slt, %rem3A_85, %lt3A_89 : vector<20x24840xi32>
    %lt3A_91 = arith.constant 0 : i32
    %lt3A_92 = arith.cmpi slt, %select_n3A_83, %lt3A_91 : i32
    %ne3A_93 = vector.broadcast %lt3A_92 : i1 to vector<20x24840xi1>
    %ne3A_94 = vector.broadcast %ne3A_93 : vector<20x24840xi1> to vector<20x24840xi1>
    %ne3A_95 = arith.xori %lt3A_90, %ne3A_94 : vector<20x24840xi1>
    %and3A_96 = arith.andi %ne3A_95, %ne3A_88 : vector<20x24840xi1>
    %add3A = vector.broadcast %select_n3A_83 : i32 to vector<20x24840xi32>
    %add3A_97 = arith.addi %rem3A_85, %add3A : vector<20x24840xi32>
    %select_n3A_98 = arith.select %and3A_96, %add3A_97, %rem3A_85 : vector<20x24840xi1>, vector<20x24840xi32>
    %iota3A_99 = tpu.iota {dimensions = array<i32: 0>} : vector<20x24840xi32>
    %eq3A_100 = arith.cmpi eq, %select_n3A_98, %iota3A_99 : vector<20x24840xi32>
    %convert_element_type3A_101 = arith.extui %eq3A_100 : vector<20x24840xi1> to vector<20x24840xi32>
    %convert_element_type3A_102 = arith.sitofp %convert_element_type3A_101 : vector<20x24840xi32> to vector<20x24840xf32>
    %iota3A_103 = tpu.iota {dimensions = array<i32: 1>} : vector<23x24840xi32>
    %jit3A_104 = arith.constant 23 : i32
    %eq3A_105 = arith.constant 0 : i32
    %eq3A_106 = arith.cmpi eq, %jit3A_104, %eq3A_105 : i32
    %jit3A_107 = arith.constant 1 : i32
    %select_n3A_108 = arith.select %eq3A_106, %jit3A_107, %jit3A_104 : i32
    %rem3A_109 = vector.broadcast %select_n3A_108 : i32 to vector<23x24840xi32>
    %rem3A_110 = arith.remsi %iota3A_103, %rem3A_109 : vector<23x24840xi32>
    %ne3A_111 = arith.constant 0 : i32
    %ne3A_112 = vector.broadcast %ne3A_111 : i32 to vector<23x24840xi32>
    %ne3A_113 = arith.cmpi ne, %rem3A_110, %ne3A_112 : vector<23x24840xi32>
    %lt3A_114 = arith.constant 0 : i32
    %lt3A_115 = vector.broadcast %lt3A_114 : i32 to vector<23x24840xi32>
    %lt3A_116 = arith.cmpi slt, %rem3A_110, %lt3A_115 : vector<23x24840xi32>
    %lt3A_117 = arith.constant 0 : i32
    %lt3A_118 = arith.cmpi slt, %select_n3A_108, %lt3A_117 : i32
    %ne3A_119 = vector.broadcast %lt3A_118 : i1 to vector<23x24840xi1>
    %ne3A_120 = vector.broadcast %ne3A_119 : vector<23x24840xi1> to vector<23x24840xi1>
    %ne3A_121 = arith.xori %lt3A_116, %ne3A_120 : vector<23x24840xi1>
    %and3A_122 = arith.andi %ne3A_121, %ne3A_113 : vector<23x24840xi1>
    %add3A_123 = vector.broadcast %select_n3A_108 : i32 to vector<23x24840xi32>
    %add3A_124 = arith.addi %rem3A_110, %add3A_123 : vector<23x24840xi32>
    %select_n3A_125 = arith.select %and3A_122, %add3A_124, %rem3A_110 : vector<23x24840xi1>, vector<23x24840xi32>
    %iota3A_126 = tpu.iota {dimensions = array<i32: 0>} : vector<23x24840xi32>
    %eq3A_127 = arith.cmpi eq, %select_n3A_125, %iota3A_126 : vector<23x24840xi32>
    %convert_element_type3A_128 = arith.extui %eq3A_127 : vector<23x24840xi1> to vector<23x24840xi32>
    %convert_element_type3A_129 = arith.sitofp %convert_element_type3A_128 : vector<23x24840xi32> to vector<23x24840xf32>
    %dot_general3A_130 = arith.constant dense<0.000000e+00> : vector<64x24840xf32>
    %dot_general3A_131 = tpu.matmul %dot_general3A_5, %convert_element_type3A_46, %dot_general3A_130 {dimension_numbers = #tpu.dot_dimension_numbers<[1], [0], [0], [1], [0, 0, 1, 1], [], []>, transpose_lhs_hint = false} : vector<64x54xf32>, vector<54x24840xf32>, vector<64x24840xf32> -> vector<64x24840xf32>
    %dot_general3A_132 = arith.constant dense<0.000000e+00> : vector<64x24840xf32>
    %dot_general3A_133 = tpu.matmul %dot_general3A_13, %convert_element_type3A_102, %dot_general3A_132 {dimension_numbers = #tpu.dot_dimension_numbers<[1], [0], [0], [1], [0, 0, 1, 1], [], []>, transpose_lhs_hint = false} : vector<64x20xf32>, vector<20x24840xf32>, vector<64x24840xf32> -> vector<64x24840xf32>
    %add3A_134 = arith.addf %dot_general3A_131, %dot_general3A_133 : vector<64x24840xf32>
    %dot_general3A_135 = arith.constant dense<0.000000e+00> : vector<64x24840xf32>
    %dot_general3A_136 = tpu.matmul %dot_general3A_21, %convert_element_type3A_129, %dot_general3A_135 {dimension_numbers = #tpu.dot_dimension_numbers<[1], [0], [0], [1], [0, 0, 1, 1], [], []>, transpose_lhs_hint = false} : vector<64x23xf32>, vector<23x24840xf32>, vector<64x24840xf32> -> vector<64x24840xf32>
    %add3A_137 = arith.addf %add3A_134, %dot_general3A_136 : vector<64x24840xf32>
    %get3A_138 = arith.constant 0 : index
    %get3A_139 = arith.constant 0 : index
    %get3A_140 = vector.load %arg4[%get3A_138, %get3A_139] : memref<64x1xf32, #tpu.memory_space<vmem>>, vector<64x1xf32>
    %add3A_141 = vector.broadcast %get3A_140 : vector<64x1xf32> to vector<64x24840xf32>
    %add3A_142 = arith.addf %add3A_137, %add3A_141 : vector<64x24840xf32>
    %mul3A = arith.constant 5.000000e-01 : f32
    %mul3A_143 = vector.broadcast %mul3A : f32 to vector<64x24840xf32>
    %mul3A_144 = arith.mulf %mul3A_143, %add3A_142 : vector<64x24840xf32>
    %mul3A_145 = arith.constant 0.707106769 : f32
    %mul3A_146 = vector.broadcast %mul3A_145 : f32 to vector<64x24840xf32>
    %mul3A_147 = arith.mulf %add3A_142, %mul3A_146 : vector<64x24840xf32>
    %erf3A = math.erf %mul3A_147 : vector<64x24840xf32>
    %add3A_148 = arith.constant 1.000000e+00 : f32
    %add3A_149 = vector.broadcast %add3A_148 : f32 to vector<64x24840xf32>
    %add3A_150 = arith.addf %add3A_149, %erf3A : vector<64x24840xf32>
    %mul3A_151 = arith.mulf %mul3A_144, %add3A_150 : vector<64x24840xf32>
    %iota3A_152 = tpu.iota {dimensions = array<i32: 0>} : vector<64x32xi32>
    %iota3A_153 = tpu.iota {dimensions = array<i32: 1>} : vector<64x32xi32>
    %mul3A_154 = arith.constant 2 : i32
    %mul3A_155 = vector.broadcast %mul3A_154 : i32 to vector<64x32xi32>
    %mul3A_156 = arith.muli %mul3A_155, %iota3A_153 : vector<64x32xi32>
    %eq3A_157 = arith.cmpi eq, %iota3A_152, %mul3A_156 : vector<64x32xi32>
    %convert_element_type3A_158 = arith.extui %eq3A_157 : vector<64x32xi1> to vector<64x32xi32>
    %convert_element_type3A_159 = arith.sitofp %convert_element_type3A_158 : vector<64x32xi32> to vector<64x32xf32>
    %mul3A_160 = arith.constant 2 : i32
    %mul3A_161 = vector.broadcast %mul3A_160 : i32 to vector<64x32xi32>
    %mul3A_162 = arith.muli %mul3A_161, %iota3A_153 : vector<64x32xi32>
    %add3A_163 = arith.constant 1 : i32
    %add3A_164 = vector.broadcast %add3A_163 : i32 to vector<64x32xi32>
    %add3A_165 = arith.addi %mul3A_162, %add3A_164 : vector<64x32xi32>
    %eq3A_166 = arith.cmpi eq, %iota3A_152, %add3A_165 : vector<64x32xi32>
    %convert_element_type3A_167 = arith.extui %eq3A_166 : vector<64x32xi1> to vector<64x32xi32>
    %convert_element_type3A_168 = arith.sitofp %convert_element_type3A_167 : vector<64x32xi32> to vector<64x32xf32>
    %get3A_169 = arith.constant 0 : index
    %get3A_170 = arith.constant 0 : index
    %get3A_171 = vector.load %arg5[%get3A_169, %get3A_170] : memref<64x64xf32, #tpu.memory_space<vmem>>, vector<64x64xf32>
    %dot_general3A_172 = arith.constant dense<0.000000e+00> : vector<64x32xf32>
    %dot_general3A_173 = tpu.matmul %get3A_171, %convert_element_type3A_159, %dot_general3A_172 {dimension_numbers = #tpu.dot_dimension_numbers<[1], [0], [0], [1], [0, 0, 1, 1], [], []>, transpose_lhs_hint = false} : vector<64x64xf32>, vector<64x32xf32>, vector<64x32xf32> -> vector<64x32xf32>
    %get3A_174 = arith.constant 0 : index
    %get3A_175 = arith.constant 0 : index
    %get3A_176 = vector.load %arg5[%get3A_174, %get3A_175] : memref<64x64xf32, #tpu.memory_space<vmem>>, vector<64x64xf32>
    %dot_general3A_177 = arith.constant dense<0.000000e+00> : vector<64x32xf32>
    %dot_general3A_178 = tpu.matmul %get3A_176, %convert_element_type3A_168, %dot_general3A_177 {dimension_numbers = #tpu.dot_dimension_numbers<[1], [0], [0], [1], [0, 0, 1, 1], [], []>, transpose_lhs_hint = false} : vector<64x64xf32>, vector<64x32xf32>, vector<64x32xf32> -> vector<64x32xf32>
    %get3A_179 = arith.constant 0 : index
    %get3A_180 = arith.constant 0 : index
    %get3A_181 = vector.load %arg6[%get3A_179, %get3A_180] : memref<64x1xf32, #tpu.memory_space<vmem>>, vector<64x1xf32>
    %dot_general3A_182 = arith.constant dense<0.000000e+00> : vector<32x1xf32>
    %dot_general3A_183 = tpu.matmul %convert_element_type3A_159, %get3A_181, %dot_general3A_182 {dimension_numbers = #tpu.dot_dimension_numbers<[0], [0], [1], [1], [0, 1, 1, 1], [], []>, transpose_lhs_hint = false} : vector<64x32xf32>, vector<64x1xf32>, vector<32x1xf32> -> vector<32x1xf32>
    %get3A_184 = arith.constant 0 : index
    %get3A_185 = arith.constant 0 : index
    %get3A_186 = vector.load %arg6[%get3A_184, %get3A_185] : memref<64x1xf32, #tpu.memory_space<vmem>>, vector<64x1xf32>
    %dot_general3A_187 = arith.constant dense<0.000000e+00> : vector<32x1xf32>
    %dot_general3A_188 = tpu.matmul %convert_element_type3A_168, %get3A_186, %dot_general3A_187 {dimension_numbers = #tpu.dot_dimension_numbers<[0], [0], [1], [1], [0, 1, 1, 1], [], []>, transpose_lhs_hint = false} : vector<64x32xf32>, vector<64x1xf32>, vector<32x1xf32> -> vector<32x1xf32>
    %dot_general3A_189 = arith.constant dense<0.000000e+00> : vector<32x24840xf32>
    %dot_general3A_190 = tpu.matmul %dot_general3A_173, %mul3A_151, %dot_general3A_189 {dimension_numbers = #tpu.dot_dimension_numbers<[0], [0], [1], [1], [0, 1, 1, 1], [], []>, transpose_lhs_hint = false} : vector<64x32xf32>, vector<64x24840xf32>, vector<32x24840xf32> -> vector<32x24840xf32>
    %add3A_191 = vector.broadcast %dot_general3A_183 : vector<32x1xf32> to vector<32x24840xf32>
    %add3A_192 = arith.addf %dot_general3A_190, %add3A_191 : vector<32x24840xf32>
    %dot_general3A_193 = arith.constant dense<0.000000e+00> : vector<32x24840xf32>
    %dot_general3A_194 = tpu.matmul %dot_general3A_178, %mul3A_151, %dot_general3A_193 {dimension_numbers = #tpu.dot_dimension_numbers<[0], [0], [1], [1], [0, 1, 1, 1], [], []>, transpose_lhs_hint = false} : vector<64x32xf32>, vector<64x24840xf32>, vector<32x24840xf32> -> vector<32x24840xf32>
    %add3A_195 = vector.broadcast %dot_general3A_188 : vector<32x1xf32> to vector<32x24840xf32>
    %add3A_196 = arith.addf %dot_general3A_194, %add3A_195 : vector<32x24840xf32>
    %convert_element_type3A_197 = arith.truncf %add3A_192 : vector<32x24840xf32> to vector<32x24840xbf16>
    %bitcast_convert_type3A = tpu.bitcast %convert_element_type3A_197 : vector<32x24840xbf16> -> vector<32x24840xi16>
    %convert_element_type3A_198 = arith.extui %bitcast_convert_type3A : vector<32x24840xi16> to vector<32x24840xi32>
    %convert_element_type3A_199 = arith.truncf %add3A_196 : vector<32x24840xf32> to vector<32x24840xbf16>
    %bitcast_convert_type3A_200 = tpu.bitcast %convert_element_type3A_199 : vector<32x24840xbf16> -> vector<32x24840xi16>
    %convert_element_type3A_201 = arith.extui %bitcast_convert_type3A_200 : vector<32x24840xi16> to vector<32x24840xi32>
    %shift_left3A = arith.constant 16 : i32
    %shift_left3A_202 = vector.broadcast %shift_left3A : i32 to vector<32x24840xi32>
    %shift_left3A_203 = arith.shli %convert_element_type3A_201, %shift_left3A_202 : vector<32x24840xi32>
    %or3A = arith.ori %convert_element_type3A_198, %shift_left3A_203 : vector<32x24840xi32>
    %bitcast_convert_type3A_204 = tpu.bitcast %or3A : vector<32x24840xi32> -> vector<32x24840xi32>
    %swap3A = arith.constant 0 : index
    %swap3A_205 = arith.constant 0 : index
    %swap3A_206 = vector.load %arg7[%swap3A, %swap3A_205] : memref<32x24840xi32, #tpu.memory_space<vmem>>, vector<32x24840xi32>
    tpu.vector_store %arg7[%swap3A, %swap3A_205], %bitcast_convert_type3A_204 {strides = array<i32>} : memref<32x24840xi32, #tpu.memory_space<vmem>>, vector<32x24840xi32>,
    return
  }
}

</mosaic_0001>

<sc_bundles>
// kernel: kernel.4.cloned.1.call-start
scs
__scs_entry_jumppad:
0x0: {  	(pc) =	sbr.rel $0x88, $3  }
0x1: {  	(tag) =	ssettag $0x0;
	lr =	simm.s32 $0x1  }
0x2: {  	[smem:$0x3F97] =	sst lr;
	_ =	strace $0xD0000000  }
0x3: {  	_ = 	snop  }
0x4: {  	_ = 	snop  }
0x5: {  	_ = 	snop  }
0x6: {  	_ = 	snop  }
0x7: {  	_ = 	snop  }
__scs_overlays_trampoline_lowered:
0x8: {  	[smem:$0x3FA6] =	sst s0  }
0x9: {  	[smem:$0x3FA7] =	sst s1  }
0xa: {  	[smem:$0x3FA8] =	sst s2  }
0xb: {  	[smem:$0x3FA9] =	sst s3  }
0xc: {  	[smem:$0x3FAA] =	sst s4  }
0xd: {  	[smem:$0x3FAB] =	sst s5  }
0xe: {  	[smem:$0x3FAC] =	sst s6  }
0xf: {  	[smem:$0x3FAD] =	sst s7  }
0x10: {  	[smem:$0x3FAE] =	sst s8  }
0x11: {  	[smem:$0x3FAF] =	sst s9;
	s0 =	simm.s32 @!p0 $0x0  }
0x12: {  	s1 =	sld [smem:$0x3F95];
	s0 =	simm.s32 @p0 $0x1  }
0x13: {  	[smem:$0x3FB0] =	sst s0;
	s0 =	simm.s32 @!p1 $0x0  }
0x14: {  	s2 =	sld [smem:$0x3F94];
	s0 =	simm.s32 @p1 $0x1  }
0x15: {  	[smem:$0x3FB1] =	sst s0;
	s0 =	simm.s32 @!p2 $0x0  }
0x16: {  	s3 =	sld [smem:$0x3FDB];
	s0 =	simm.s32 @p2 $0x1  }
0x17: {  	s4 =	simm.s32 $0x1BF5;
	[smem:$0x3FB3] =	sst s0  }
0x18: {  	s0 =	sld [smem:$0x3F96];
	_ =	swait.ge [sflag:s4], $0x0  }
0x19: {  	s7 =	sld [smem:$0x3F97]  }
0x1a: {  	s8 =	sadd.s32 $0xFFFFE003, lr  }
0x1b: {  	s9 =	sadd.s32 $0xFFFFFEF7, lr;
	s5 =	simm.s32 $0xFFFFFFFF;
	p2 =	slt.u32 s8, $0xFFFFF086  }
0x1c: {  	p1 =	slt.u32 s9, $0xF7A;
	s5 =	simm.s32 @!p2 $0x0  }
0x1d: {  	s5 =	simm.s32 @p1 $0x1;
	p0 =	seq.s32 s7, s2  }
0x1e: {  	s7 =	smul.u32 @!p0 $0xF7A, s2;
	p2 =	seq.s32 @!p0 s5, $0x0  }
0x1f: {  	s9 =	smul.u32 $0xF7A, s1;
	s8 =	simm.s32 @!p0 $0x1BF5;
	p2 =	por !p2, p0  }
0x20: {  	[sflag:s8] =	ssyncset.s32 @!p0 $0xFFFFF086;
	s6 =	sadd.s32 @!p0 s3, s7;
	s7 =	simm.s32 @!p0 $0x108  }
0x21: {  	s3 =	sadd.s32 s3, s9;
	s6 =	sadd.s32 @!p0 $0x88, s6;
	s7 =	simm.s32 @p2 $0x1082  }
0x22: {  	[simem:s7], [sflag:s8] =	dma.local @!p0 [hbm:s6], $0xF7A  }
0x23: {  	s9 =	sor.u32 $0xD0000000, s2;
	s6 =	simm.s32 $0x108;
	_ =	swait.ge @!p0 [sflag:s8], $0x0  }
0x24: {  	s3 =	sadd.s32 $0x88, s3;
	s6 =	simm.s32 @!p1 $0x1082;
	[sflag:s4] =	ssyncset.s32 $0xFFFFF086  }
0x25: {  	[simem:s6], [sflag:s4] =	dma.local [hbm:s3], $0xF7A  }
0x26: {  	[smem:$0x3F97] =	sst s1;
	(tag) =	ssettag s2;
	_ =	strace s9  }
0x27: {  	s1 =	sld [smem:$0x3FA7]  }
0x28: {  	s2 =	sld [smem:$0x3FA8]  }
0x29: {  	s4 =	sld [smem:$0x3FAA]  }
0x2a: {  	p0 =	seq.s32 s5, $0x0;
	s5 =	sld [smem:$0x3FAB]  }
0x2b: {  	s6 =	sld [smem:$0x3FAC]  }
0x2c: {  	s7 =	sld [smem:$0x3FAD]  }
0x2d: {  	s3 =	simm.s32 $0x108;
	s8 =	sld [smem:$0x3FAE]  }
0x2e: {  	s3 =	simm.s32 @!p0 $0x1082;
	s9 =	sld [smem:$0x3FAF]  }
0x2f: {  	lr =	sadd.s32 s0, s3;
	s0 =	sld [smem:$0x3FA6]  }
0x30: {  	s3 =	sld [smem:$0x3FA9]  }
0x31: {  	[smem:$0x3FB2] =	sst s10  }
0x32: {  	s10 =	sld [smem:$0x3FB0];
	_ =	sdelay $0x3  }
0x33: {  	p0 =	seq.s32 s10, $0x1;
	s10 =	sld [smem:$0x3FB2];
	_ =	sdelay $0x3  }
0x34: {  	[smem:$0x3FB2] =	sst s10  }
0x35: {  	s10 =	sld [smem:$0x3FB1];
	_ =	sdelay $0x3  }
0x36: {  	p1 =	seq.s32 s10, $0x1;
	s10 =	sld [smem:$0x3FB2];
	_ =	sdelay $0x3  }
0x37: {  	[smem:$0x3FB2] =	sst s10  }
0x38: {  	s10 =	sld [smem:$0x3FB3]  }
0x39: {  	_ = 	snop;
	(pc) =	sbr.ind lr, $3  }
0x3a: {  	_ = 	snop  }
0x3b: {  	_ = 	snop  }
0x3c: {  	p2 =	seq.s32 s10, $0x1;
	s10 =	sld [smem:$0x3FB2]  }
0x3d: {  	_ =	shalt  }
0x3e: {  	_ =	shalt  }
0x3f: {  	_ =	shalt  }
0x40: {  	_ =	shalt  }
0x41: {  	_ =	shalt  }
0x42: {  	_ =	shalt  }
0x43: {  	_ =	shalt  }
0x44: {  	_ =	shalt  }
0x45: {  	_ =	shalt  }
0x46: {  	_ =	shalt  }
0x47: {  	_ =	shalt  }
0x48: {  	_ =	shalt  }
0x49: {  	_ =	shalt  }
0x4a: {  	_ =	shalt  }
0x4b: {  	_ =	shalt  }
0x4c: {  	_ =	shalt  }
0x4d: {  	_ =	shalt  }
0x4e: {  	_ =	shalt  }
0x4f: {  	_ =	shalt  }
0x50: {  	_ =	shalt  }
0x51: {  	_ =	shalt  }
0x52: {  	_ =	shalt  }
0x53: {  	_ =	shalt  }
0x54: {  	_ =	shalt  }
0x55: {  	_ =	shalt  }
0x56: {  	_ =	shalt  }
0x57: {  	_ =	shalt  }
0x58: {  	_ =	shalt  }
0x59: {  	_ =	shalt  }
0x5a: {  	_ =	shalt  }
0x5b: {  	_ =	shalt  }
0x5c: {  	_ =	shalt  }
0x5d: {  	_ =	shalt  }
0x5e: {  	_ =	shalt  }
0x5f: {  	_ =	shalt  }
0x60: {  	_ =	shalt  }
0x61: {  	_ =	shalt  }
0x62: {  	_ =	shalt  }
0x63: {  	_ =	shalt  }
0x64: {  	_ =	shalt  }
0x65: {  	_ =	shalt  }
0x66: {  	_ =	shalt  }
0x67: {  	_ =	shalt  }
0x68: {  	_ =	shalt  }
0x69: {  	_ =	shalt  }
0x6a: {  	_ =	shalt  }
0x6b: {  	_ =	shalt  }
0x6c: {  	_ =	shalt  }
0x6d: {  	_ =	shalt  }
0x6e: {  	_ =	shalt  }
0x6f: {  	_ =	shalt  }
0x70: {  	_ =	shalt  }
0x71: {  	_ =	shalt  }
0x72: {  	_ =	shalt  }
0x73: {  	_ =	shalt  }
0x74: {  	_ =	shalt  }
0x75: {  	_ =	shalt  }
0x76: {  	_ =	shalt  }
0x77: {  	_ =	shalt  }
0x78: {  	_ =	shalt  }
0x79: {  	_ =	shalt  }
0x7a: {  	_ =	shalt  }
0x7b: {  	_ =	shalt  }
0x7c: {  	_ =	shalt  }
0x7d: {  	_ =	shalt  }
0x7e: {  	_ =	shalt  }
0x7f: {  	_ =	shalt  }
0x80: {  	_ =	shalt  }
0x81: {  	_ =	shalt  }
0x82: {  	_ =	shalt  }
0x83: {  	_ =	shalt  }
0x84: {  	_ =	shalt  }
0x85: {  	_ =	shalt  }
0x86: {  	_ =	shalt  }
0x87: {  	_ =	shalt  }
.Lfunc_end0:
.L_simem_size_0:
called_computation_lowered:
.L_overlay_start_0:
0x88: {  	s2 =	sld [smem:$0x3FD9]  }
0x89: {  	s3 =	sld [smem:$0x3FFE];
	_ =	sdelay $0x1  }
0x8a: {  	s1 =	srdreg.scid  }
0x8b: {  	s0 =	sand.u32 $0x1, s1  }
0x8c: {  	s17 =	sshll.u32 s0, $0xA;
	s2 =	sadd.s32 s3, s2  }
0x8d: {  	s2 =	sadd.s32 s2, s17  }
0x8e: {  	[smem:$0x3FBE] =	sst s2  }
0x8f: {  	_ = 	snop  }
0x90: {  	s2 =	sld [smem:$0x3FD0];
	(tm) =	ssettm $0x1  }
0x91: {  	s18 =	sld [smem:$0x3FFB];
	_ =	sdelay $0x3  }
0x92: {  	_ =	strace s18  }
0x93: {  	s3 =	sld [smem:$0x3FFC];
	_ =	sdelay $0x3  }
0x94: {  	_ =	strace s3  }
0x95: {  	s3 =	sld [smem:$0x3FFD];
	_ =	sdelay $0x3  }
0x96: {  	_ =	strace s3  }
0x97: {  	_ =	strace $0x8FFFFFFF  }
0x98: {  	s19 =	sld [smem:$0x3FDB];
	_ =	sdelay $0x1  }
0x99: {  	s4 =	simm.s32 $_scs_section_size  }
0x9a: {  	s5 =	simm.s32 $_size__tile_overlayer_lowered;
	s6 =	simm.s32 $_tile_overlayer_lowered  }
0x9b: {  	s22 =	simm.s32 $0x1BFF;
	s21 =	sshll.u32 s6, $0x1;
	s3 =	sadd.s32 s4, s19  }
0x9c: {  	s7 =	simm.s32 $0x0;
	s20 =	sshll.u32 s5, $0x1;
	s5 =	sadd.s32 s21, s3  }
0x9d: {  	[timem:s7], [sflag:s22] =	dma.local [hbm:s5], s20  }
0x9e: {  	_ =	swait.ge [sflag:s22], s20  }
0x9f: {  	s4 =	ssub.s32 $0x0, s20;
	[sflag:s22] =	ssyncset.done $0x0  }
0xa0: {  	[sflag:s22] =	ssyncadd.s32 s4;
	_ =	sdelay $0x1  }
0xa1: {  	s23 =	simm.s32 $0x1B8B  }
0xa2: {  	_ =	swait.ge [sflag:s23], $0x1  }
0xa3: {  	[sflag:s23] =	ssyncset.done $0x0  }
0xa4: {  	s25 =	simm.s32 $0x1B8E;
	s24 =	sld [smem:$0x3FFE];
	[sflag:s23] =	ssyncadd.s32 $0xFFFFFFFF  }
0xa5: {  	s26 =	simm.s32 $execute0_lowered;
	[smem:$0x3FD2] =	sst s25  }
0xa6: {  	s5 =	sshll.u32 s26, $0x1;
	_ =	strace $0x80000046;
	[dreg:$0x1] =	wrdreg $0xFFFFFFFF  }
0xa7: {  	s28 =	simm.s32 $_size_execute0_lowered;
	s3 =	sadd.s32 s3, s5;
	[dreg:$0x0] =	wrdreg $0x0  }
0xa8: {  	s5 =	sshll.u32 s28, $0x1;
	[dreg:$0x2] =	wrdreg s3  }
0xa9: {  	[dreg:$0x3] =	wrdreg s5  }
0xaa: {  	[dreg:$0x4] =	wrdreg $0xC0  }
0xab: {  	_ =	task [dreg:s7], $0x5FFFF  }
0xac: {  	[dreg:$0x1] =	wrdreg $0xFFFFFFFF  }
0xad: {  	[dreg:$0x0] =	wrdreg $0x60  }
0xae: {  	[dreg:$0x2] =	wrdreg s24  }
0xaf: {  	[dreg:$0x3] =	wrdreg s2  }
0xb0: {  	[dreg:$0x4] =	wrdreg $0x9  }
0xb1: {  	_ =	task.clear_ibuf [dreg:s7], $0x5FFFF;
	_ =	strace $0x90000046  }
0xb2: {  	s29 =	simm.s32 $0x9;
	_ =	strace $0x80000048  }
0xb3: {  	_ =	swait.ge [sflag:s29], $0x1  }
0xb4: {  	[sflag:s29] =	ssyncadd.s32 $0xFFFFFFFF  }
0xb5: {  	_ =	strace $0x90000048  }
0xb6: {  	_ =	sfence  }
0xb7: {  	s30 =	sld [smem:$0x0];
	_ =	sdelay $0x2  }
0xb8: {  	s31 =	sshll.u32 s1, $0xD;
	s1 =	sshrl.u32 s1, $0x2  }
0xb9: {  	s3 =	sand.u32 $0x4000, s31;
	s1 =	sadd.s32 s1, s30  }
0xba: {  	s0 =	sor.u32 s3, s0;
	s1 =	sshll.u32 s1, $0x11  }
0xbb: {  	s0 =	sor.u32 s1, s0  }
0xbc: {  	s0 =	sadd.s32 $0x8F2B, s0  }
0xbd: {  	[sflag:s0] =	ssyncadd.remote.s32 $0x1  }
0xbe: {  	_ =	sfence.sel $0xFFFF  }
0xbf: {  	[dreg:$0x0] =	wrdreg $0xFFFFFFFF;
	(pc) =	sbr.abs _section_cstart, $3  }
0xc0: {  	[dreg:$0x1] =	wrdreg $0xFFFFFFFF  }
0xc1: {  	_ =	task.clear_ibuf [dreg:s7], $0x2FFFF;
	_ =	strace $0x9FFFFFFF  }
0xc2: {  	(tm) =	ssettm $0x7FFFFFFF  }
0xc3: {  	_ =	shalt  }
tec
execute0_lowered:
.L_overlay_start_1:
0x0: {  	(tag) =	ssettag $0x1  }
0x1: {  	s4 =	rddreg [dreg:$0x0]  }
0x2: {  	s2 =	rddreg [dreg:$0x1]  }
0x3: {  	s0 =	rddreg [dreg:$0x2];
	s3 =	simm.s32 $0x0;
	s1 =	stileid.u32  }
0x4: {  	s5 =	srdreg.scid;
	s14 =	simm.s32 $0x12318;
	s15 =	simm.s32 $0x18420  }
0x5: {  	s16 =	simm.s32 $0x1;
	s17 =	simm.s32 $0x1A420;
	s18 =	simm.s32 $0x1C420  }
0x6: {  	s19 =	simm.s32 $0x2;
	s20 =	simm.s32 $0x3;
	s21 =	simm.s32 $0x0  }
0x7: {  	[smem:$0x7FF] =	sst s3;
	s6 =	sshll.u32 s1, $0x1;
	s9 =	sshrl.u32 s1, $0x1  }
0x8: {  	s5 =	sand.u32 $0x1, s5;
	s11 =	sadd.s32 $0x1000, s4;
	s25 =	smul.u32 $0x3084, s9  }
0x9: {  	s6 =	sand.u32 $0x2, s6;
	_ =	strace $0x80000047;
	s8 =	smul.u32 $0x18420, s9  }
0xa: {  	s31 =	sshll.u32 s9, $0x11;
	s10 =	sor.u32 s5, s6;
	s5 =	ssub.s32 $0x2, s5  }
0xb: {  	s7 =	sshll.u32 s10, $0x9;
	s26 =	sshrl.u32 s5, $0x1;
	s28 =	sadd.s32 $0x6108, s8  }
0xc: {  	s29 =	sshrl.u32 s8, $0x3;
	s30 =	sadd.s32 $0x12318, s8;
	s10 =	sshll.u32 s10, $0xF  }
0xd: {  	s12 =	sadd.s32 s7, s4;
	s13 =	ssub.s32 s5, s26;
	s4 =	sadd.s32 s11, s25  }
0xe: {  	s5 =	sshrl.u32 s28, $0x3;
	s6 =	sadd.s32 s11, s29;
	s7 =	sshrl.u32 s30, $0x3  }
0xf: {  	s10 =	sor.u32 s10, s31;
	s5 =	sadd.s32 s11, s5;
	s6 =	sadd.s32 $0x1842, s6  }
0x10: {  	s7 =	sadd.s32 s11, s7;
	s8 =	sadd.s32 $0x19600, s12;
	s9 =	smax.u32 s13, $0x1  }
0x11: {  	s11 =	simm.s32 $0x4;
	s12 =	simm.s32 $0x6108;
	s13 =	simm.s32 $0xC210  }
.LBB2_1:
0x12: {  	[tilespmem:s3], [sflag:$0x4] =	stream.linear.gather [hbm4b:s4+s3], $0x6108, $0x38;
	[tilespmem:$0x1E420] =	vst v63  }
0x13: {  	_ =	swait.ge [sflag:s11], $0x6108  }
0x14: {  	[sflag:s11] =	ssyncset.done $0x0  }
0x15: {  	[sflag:s11] =	ssyncadd.s32 $0xFFFF9EF8  }
0x16: {  	[tilespmem:s12], [sflag:$0x4] =	stream.linear.gather [hbm4b:s5+s3], $0x6108, $0x38;
	[tilespmem:$0x1E420] =	vst v63  }
0x17: {  	_ =	swait.ge [sflag:s11], $0x6108  }
0x18: {  	[sflag:s11] =	ssyncset.done $0x0  }
0x19: {  	[sflag:s11] =	ssyncadd.s32 $0xFFFF9EF8  }
0x1a: {  	[tilespmem:s13], [sflag:$0x4] =	stream.linear.gather [hbm4b:s6+s3], $0x6108, $0x38;
	[tilespmem:$0x1E420] =	vst v63  }
0x1b: {  	_ =	swait.ge [sflag:s11], $0x6108  }
0x1c: {  	[sflag:s11] =	ssyncset.done $0x0  }
0x1d: {  	[sflag:s11] =	ssyncadd.s32 $0xFFFF9EF8  }
0x1e: {  	[tilespmem:s14], [sflag:$0x4] =	stream.linear.gather [hbm4b:s7+s3], $0x6108, $0x38;
	[tilespmem:$0x1E420] =	vst v63  }
0x1f: {  	_ =	swait.ge [sflag:s11], $0x6108  }
0x20: {  	[sflag:s11] =	ssyncset.done $0x0  }
0x21: {  	p0 =	por $0x0, $0x0;
	s24 =	simm.s32 $0x0;
	[sflag:s11] =	ssyncadd.s32 $0xFFFF9EF8  }
0x22: {  	[tilespmem:s15], [sflag:$0x1] =	stream.linear.gather [hbm4b:s8+s3], $0x1000, $0x38;
	[tilespmem:$0x1E420] =	vst v63  }
.LBB2_2:
0x23: {  	p1 =	seq.s32 s24, $0x31  }
0x24: {  	p2 =	seq.s32 @!p1 s24, $0x0  }
0x25: {  	p2 =	por p1, !p2  }
.Ltmp0:
0x26: {  	_ =	swait.ge [sflag:s16], $0x1000;
	(pc) =	sbr.rel @!p2 .LBB2_3-.Ltmp0, $4  }
0x27: {  	s23 =	sand.u32 $0x1, s24;
	s22 =	sadd.s32 $0x1, s24;
	[sflag:s16] =	ssyncset.done $0x0  }
0x28: {  	s25 =	sshll.u32 @!p1 s22, $0xB;
	s23 =	sshll.u32 @!p1 s23, $0xC;
	s26 =	simm.s32 @!p1 $0x0  }
0x29: {  	[sflag:s16] =	ssyncadd.s32 $0xFFFFF000;
	s23 =	sxor.u32 @!p1 $0x19420, s23;
	s25 =	sadd.s32 @!p1 s25, s8  }
0x2a: {  	[tilespmem:s23], [sflag:$0x1] =	stream.linear.gather @!p1 [hbm4b:s25+s26], $0x1000, $0x38;
	[tilespmem:$0x1E420] =	vst v63  }
.Ltmp1:
0x2b: {  	(pc) =	sbr.rel .LBB2_5-.Ltmp1, $4  }
0x2c: {  	_ = 	snop  }
0x2d: {  	_ =	swait.ge [sflag:s19], $0x2000  }
0x2e: {  	[sflag:s19] =	ssyncset.done $0x0  }
0x2f: {  	p1 =	por $0x0, $0x0;
	[sflag:s19] =	ssyncadd.s32 $0xFFFFE000  }
.LBB2_3:
0x30: {  	p1 =	por @!p1 $0x1, $0x1  }
.LBB2_5:
0x31: {  	s23 =	simm.s32 $0x1  }
0x32: {  	s23 =	simm.s32 @!p0 $0x0  }
0x33: {  	s28 =	sshll.u32 s23, $0xC  }
0x34: {  	s23 =	sor.u32 $0x18460, s28  }
0x35: {  	v5 =	vld [tilespmem:s23+$0x30];
	_ =	sdelay $0x1  }
0x36: {  	v6 =	vld [tilespmem:s23+$0xFFFFFFD0];
	_ =	sdelay $0x1  }
0x37: {  	v4 =	vld [tilespmem:s23+$0xFFFFFFE0];
	_ =	sdelay $0x1  }
0x38: {  	v2 =	vld [tilespmem:s23+$0xFFFFFFF0]  }
0x39: {  	v7 =	vld [tilespmem:s23+$0xFFFFFFC0]  }
0x3a: {  	v1 =	vld.idx.msk [tilespmem:v5+s3+$0x0], $0xffff;
	_ =	sdelay $0x1  }
0x3b: {  	v8 =	vld.idx.msk [tilespmem:v6+s3+$0x0], $0xffff  }
0x3c: {  	v3 =	vld [tilespmem:s23+$0x0]  }
0x3d: {  	v9 =	vld.idx.msk [tilespmem:v4+s3+$0x0], $0xffff  }
0x3e: {  	s26 =	simm.s32 $0x1A620;
	v0 =	vld [tilespmem:s23+$0x10];
	v10 =	vunpack.i.l.bf16.f32 v1  }
0x3f: {  	v11 =	vld.idx.msk [tilespmem:v2+s3+$0x0], $0xffff;
	v1 =	vunpack.i.u.bf16.f32 v1;
	[tilespmem:s26+$0xFFFFFE70] =	vst v10  }
0x40: {  	v12 =	vunpack.i.l.bf16.f32 v8;
	v10 =	vld.idx.msk [tilespmem:v7+s3+$0x0], $0xffff;
	[tilespmem:s26+$0xFFFFFEF0] =	vst v1  }
0x41: {  	v8 =	vunpack.i.u.bf16.f32 v8;
	v1 =	vld [tilespmem:s23+$0x20];
	[tilespmem:s26+$0xFFFFFE10] =	vst v12  }
0x42: {  	v12 =	vunpack.i.l.bf16.f32 v9;
	[tilespmem:s26+$0xFFFFFE90] =	vst v8  }
0x43: {  	v8 =	vunpack.i.u.bf16.f32 v9;
	v13 =	vld.idx.msk [tilespmem:v5+s12+$0x0], $0xffff;
	[tilespmem:s26+$0xFFFFFE20] =	vst v12  }
0x44: {  	v9 =	vunpack.i.l.bf16.f32 v11;
	[tilespmem:s26+$0xFFFFFEA0] =	vst v8  }
0x45: {  	v11 =	vunpack.i.u.bf16.f32 v11;
	v8 =	vld.idx.msk [tilespmem:v3+s3+$0x0], $0xffff;
	[tilespmem:s26+$0xFFFFFE30] =	vst v9  }
0x46: {  	[tilespmem:s26+$0xFFFFFEB0] =	vst v11;
	v12 =	vunpack.i.l.bf16.f32 v10  }
0x47: {  	v9 =	vunpack.i.u.bf16.f32 v10;
	v10 =	vld.idx.msk [tilespmem:v0+s3+$0x0], $0xffff;
	[tilespmem:s26+$0xFFFFFE00] =	vst v12  }
0x48: {  	[tilespmem:s26+$0xFFFFFE80] =	vst v9;
	v9 =	vunpack.i.l.bf16.f32 v13  }
0x49: {  	v12 =	vunpack.i.u.bf16.f32 v13;
	[tilespmem:s26+$0xFFFFFF70] =	vst v9;
	v9 =	vld.idx.msk [tilespmem:v1+s3+$0x0], $0xffff  }
0x4a: {  	[tilespmem:s26+$0xFFFFFFF0] =	vst v12;
	v12 =	vunpack.i.l.bf16.f32 v8  }
0x4b: {  	v8 =	vunpack.i.u.bf16.f32 v8;
	v11 =	vld.idx.msk [tilespmem:v5+s13+$0x0], $0xffff;
	[tilespmem:s26+$0xFFFFFE40] =	vst v12  }
0x4c: {  	[tilespmem:s26+$0xFFFFFEC0] =	vst v8;
	v12 =	vunpack.i.l.bf16.f32 v10  }
0x4d: {  	v8 =	vunpack.i.u.bf16.f32 v10;
	v10 =	vld.idx.msk [tilespmem:v7+s12+$0x0], $0xffff;
	[tilespmem:s26+$0xFFFFFE50] =	vst v12  }
0x4e: {  	[tilespmem:s26+$0xFFFFFED0] =	vst v8;
	v12 =	vunpack.i.l.bf16.f32 v9  }
0x4f: {  	v8 =	vld.idx.msk [tilespmem:v6+s12+$0x0], $0xffff;
	v9 =	vunpack.i.u.bf16.f32 v9;
	[tilespmem:s26+$0xFFFFFE60] =	vst v12  }
0x50: {  	[tilespmem:s26+$0xFFFFFEE0] =	vst v9;
	v9 =	vunpack.i.l.bf16.f32 v11  }
0x51: {  	v12 =	vld.idx.msk [tilespmem:v4+s12+$0x0], $0xffff;
	v11 =	vunpack.i.u.bf16.f32 v11;
	[tilespmem:s26+$0x70] =	vst v9  }
0x52: {  	v9 =	vunpack.i.l.bf16.f32 v10;
	[tilespmem:s26+$0xF0] =	vst v11  }
0x53: {  	v11 =	vld.idx.msk [tilespmem:v2+s12+$0x0], $0xffff;
	v10 =	vunpack.i.u.bf16.f32 v10;
	[tilespmem:s26+$0xFFFFFF00] =	vst v9  }
0x54: {  	v9 =	vunpack.i.l.bf16.f32 v8;
	[tilespmem:s26+$0xFFFFFF80] =	vst v10  }
0x55: {  	v5 =	vld.idx.msk [tilespmem:v5+s14+$0x0], $0xffff;
	v8 =	vunpack.i.u.bf16.f32 v8;
	[tilespmem:s26+$0xFFFFFF10] =	vst v9  }
0x56: {  	v10 =	vld.idx.msk [tilespmem:v3+s12+$0x0], $0xffff;
	[tilespmem:s26+$0xFFFFFF90] =	vst v8;
	v9 =	vunpack.i.l.bf16.f32 v12  }
0x57: {  	v8 =	vunpack.i.u.bf16.f32 v12;
	[tilespmem:s26+$0xFFFFFF20] =	vst v9  }
0x58: {  	v9 =	vld.idx.msk [tilespmem:v0+s12+$0x0], $0xffff;
	v12 =	vunpack.i.l.bf16.f32 v11;
	[tilespmem:s26+$0xFFFFFFA0] =	vst v8  }
0x59: {  	v11 =	vunpack.i.u.bf16.f32 v11;
	[tilespmem:s26+$0xFFFFFF30] =	vst v12  }
0x5a: {  	v8 =	vunpack.i.u.bf16.f32 v5;
	v12 =	vld.idx.msk [tilespmem:v1+s12+$0x0], $0xffff;
	[tilespmem:s26+$0xFFFFFFB0] =	vst v11  }
0x5b: {  	[tilespmem:s26+$0x1F0] =	vst v8;
	v8 =	vunpack.i.l.bf16.f32 v10  }
0x5c: {  	v11 =	vld.idx.msk [tilespmem:v7+s13+$0x0], $0xffff;
	v10 =	vunpack.i.u.bf16.f32 v10;
	[tilespmem:s26+$0xFFFFFF40] =	vst v8  }
0x5d: {  	[tilespmem:s26+$0xFFFFFFC0] =	vst v10;
	v8 =	vunpack.i.l.bf16.f32 v9  }
0x5e: {  	v10 =	vld.idx.msk [tilespmem:v6+s13+$0x0], $0xffff;
	v9 =	vunpack.i.u.bf16.f32 v9;
	[tilespmem:s26+$0xFFFFFF50] =	vst v8  }
0x5f: {  	v8 =	vunpack.i.l.bf16.f32 v12;
	[tilespmem:s26+$0xFFFFFFD0] =	vst v9  }
0x60: {  	v9 =	vunpack.i.u.bf16.f32 v12;
	v12 =	vld.idx.msk [tilespmem:v4+s13+$0x0], $0xffff;
	[tilespmem:s26+$0xFFFFFF60] =	vst v8  }
0x61: {  	v8 =	vunpack.i.l.bf16.f32 v11;
	[tilespmem:s26+$0xFFFFFFE0] =	vst v9  }
0x62: {  	v9 =	vunpack.i.u.bf16.f32 v11;
	v11 =	vld.idx.msk [tilespmem:v2+s13+$0x0], $0xffff;
	[tilespmem:s26+$0x0] =	vst v8  }
0x63: {  	v8 =	vunpack.i.l.bf16.f32 v10;
	[tilespmem:s26+$0x80] =	vst v9  }
0x64: {  	v9 =	vunpack.i.u.bf16.f32 v10;
	v10 =	vld.idx.msk [tilespmem:v3+s13+$0x0], $0xffff;
	[tilespmem:s26+$0x10] =	vst v8  }
0x65: {  	[tilespmem:s26+$0x90] =	vst v9;
	v8 =	vunpack.i.l.bf16.f32 v12  }
0x66: {  	v9 =	vunpack.i.u.bf16.f32 v12;
	v12 =	vld.idx.msk [tilespmem:v0+s13+$0x0], $0xffff;
	[tilespmem:s26+$0x20] =	vst v8  }
0x67: {  	v8 =	vunpack.i.l.bf16.f32 v11;
	[tilespmem:s26+$0xA0] =	vst v9  }
0x68: {  	v9 =	vunpack.i.u.bf16.f32 v11;
	v11 =	vld.idx.msk [tilespmem:v1+s13+$0x0], $0xffff;
	[tilespmem:s26+$0x30] =	vst v8  }
0x69: {  	v8 =	vunpack.i.l.bf16.f32 v10;
	[tilespmem:s26+$0xB0] =	vst v9  }
0x6a: {  	v7 =	vld.idx.msk [tilespmem:v7+s14+$0x0], $0xffff;
	v9 =	vunpack.i.u.bf16.f32 v10;
	[tilespmem:s26+$0x40] =	vst v8  }
0x6b: {  	[tilespmem:s26+$0xC0] =	vst v9;
	v8 =	vunpack.i.l.bf16.f32 v12  }
0x6c: {  	v6 =	vld.idx.msk [tilespmem:v6+s14+$0x0], $0xffff;
	v9 =	vunpack.i.u.bf16.f32 v12;
	[tilespmem:s26+$0x50] =	vst v8  }
0x6d: {  	v8 =	vunpack.i.l.bf16.f32 v11;
	[tilespmem:s26+$0xD0] =	vst v9  }
0x6e: {  	s31 =	sadd.s32 $0x80, s23;
	v9 =	vld.idx.msk [tilespmem:v4+s14+$0x0], $0xffff;
	v4 =	vunpack.i.u.bf16.f32 v11;
	[tilespmem:s26+$0x60] =	vst v8  }
0x6f: {  	v10 =	vld [tilespmem:s31+$0x30];
	v8 =	vunpack.i.l.bf16.f32 v7;
	[tilespmem:s26+$0xE0] =	vst v4  }
0x70: {  	v4 =	vunpack.i.u.bf16.f32 v7;
	v7 =	vld.idx.msk [tilespmem:v2+s14+$0x0], $0xffff;
	[tilespmem:s26+$0x100] =	vst v8  }
0x71: {  	v2 =	vld [tilespmem:s31+$0xFFFFFFD0];
	v8 =	vunpack.i.l.bf16.f32 v6;
	[tilespmem:s26+$0x180] =	vst v4  }
0x72: {  	v11 =	vld.idx.msk [tilespmem:v3+s14+$0x0], $0xffff;
	v6 =	vunpack.i.u.bf16.f32 v6;
	[tilespmem:s26+$0x110] =	vst v8  }
0x73: {  	v4 =	vld [tilespmem:s31+$0xFFFFFFE0];
	[tilespmem:s26+$0x190] =	vst v6;
	v3 =	vunpack.i.l.bf16.f32 v9  }
0x74: {  	v0 =	vld.idx.msk [tilespmem:v0+s14+$0x0], $0xffff;
	v6 =	vunpack.i.u.bf16.f32 v9;
	[tilespmem:s26+$0x120] =	vst v3  }
0x75: {  	v8 =	vunpack.i.l.bf16.f32 v7;
	v3 =	vld [tilespmem:s31+$0xFFFFFFF0];
	[tilespmem:s26+$0x1A0] =	vst v6  }
0x76: {  	v6 =	vunpack.i.u.bf16.f32 v7;
	v7 =	vld [tilespmem:s31+$0xFFFFFFC0];
	[tilespmem:s26+$0x130] =	vst v8  }
0x77: {  	v9 =	vld.idx.msk [tilespmem:v10+s3+$0x0], $0xffff;
	v8 =	vunpack.i.l.bf16.f32 v11;
	[tilespmem:s26+$0x1B0] =	vst v6  }
0x78: {  	v6 =	vunpack.i.u.bf16.f32 v11;
	[tilespmem:s26+$0x140] =	vst v8  }
0x79: {  	v8 =	vunpack.i.l.bf16.f32 v0;
	[tilespmem:s26+$0x1C0] =	vst v6;
	v11 =	vld.idx.msk [tilespmem:v2+s3+$0x0], $0xffff  }
0x7a: {  	v6 =	vld [tilespmem:s31+$0x0];
	v0 =	vunpack.i.u.bf16.f32 v0;
	[tilespmem:s26+$0x150] =	vst v8  }
0x7b: {  	v8 =	vunpack.i.l.bf16.f32 v5;
	[tilespmem:s26+$0x1D0] =	vst v0;
	v12 =	vld.idx.msk [tilespmem:v4+s3+$0x0], $0xffff  }
0x7c: {  	s29 =	simm.s32 $0x1AA20;
	v5 =	vld [tilespmem:s31+$0x10];
	v0 =	vunpack.i.l.bf16.f32 v9;
	[tilespmem:s26+$0x170] =	vst v8  }
0x7d: {  	v9 =	vunpack.i.u.bf16.f32 v9;
	[tilespmem:s29+$0xFFFFFE70] =	vst v0;
	v8 =	vld.idx.msk [tilespmem:v3+s3+$0x0], $0xffff  }
0x7e: {  	[tilespmem:s29+$0xFFFFFEF0] =	vst v9;
	v13 =	vld.idx.msk [tilespmem:v7+s3+$0x0], $0xffff;
	v14 =	vunpack.i.l.bf16.f32 v11  }
0x7f: {  	v0 =	vld [tilespmem:s31+$0x20];
	v9 =	vunpack.i.u.bf16.f32 v11;
	[tilespmem:s29+$0xFFFFFE10] =	vst v14  }
0x80: {  	v11 =	vunpack.i.l.bf16.f32 v12;
	[tilespmem:s29+$0xFFFFFE90] =	vst v9  }
0x81: {  	v14 =	vld.idx.msk [tilespmem:v10+s12+$0x0], $0xffff;
	v9 =	vunpack.i.u.bf16.f32 v12;
	[tilespmem:s29+$0xFFFFFE20] =	vst v11  }
0x82: {  	[tilespmem:s29+$0xFFFFFEA0] =	vst v9;
	v11 =	vunpack.i.l.bf16.f32 v8  }
0x83: {  	v9 =	vld.idx.msk [tilespmem:v6+s3+$0x0], $0xffff;
	v12 =	vunpack.i.l.bf16.f32 v13;
	[tilespmem:s29+$0xFFFFFE30] =	vst v11  }
0x84: {  	v8 =	vunpack.i.u.bf16.f32 v8;
	[tilespmem:s29+$0xFFFFFE00] =	vst v12  }
0x85: {  	v11 =	vunpack.i.u.bf16.f32 v13;
	v12 =	vld.idx.msk [tilespmem:v5+s3+$0x0], $0xffff;
	[tilespmem:s29+$0xFFFFFEB0] =	vst v8  }
0x86: {  	[tilespmem:s29+$0xFFFFFE80] =	vst v11;
	v11 =	vunpack.i.l.bf16.f32 v14  }
0x87: {  	v13 =	vunpack.i.u.bf16.f32 v14;
	[tilespmem:s29+$0xFFFFFF70] =	vst v11;
	v11 =	vld.idx.msk [tilespmem:v0+s3+$0x0], $0xffff  }
0x88: {  	[tilespmem:s29+$0xFFFFFFF0] =	vst v13;
	v13 =	vunpack.i.l.bf16.f32 v9  }
0x89: {  	v8 =	vunpack.i.u.bf16.f32 v9;
	[tilespmem:s29+$0xFFFFFE40] =	vst v13;
	v9 =	vld.idx.msk [tilespmem:v10+s13+$0x0], $0xffff  }
0x8a: {  	[tilespmem:s29+$0xFFFFFEC0] =	vst v8;
	v13 =	vunpack.i.l.bf16.f32 v12  }
0x8b: {  	v8 =	vunpack.i.u.bf16.f32 v12;
	v12 =	vld.idx.msk [tilespmem:v7+s12+$0x0], $0xffff;
	[tilespmem:s29+$0xFFFFFE50] =	vst v13  }
0x8c: {  	[tilespmem:s29+$0xFFFFFED0] =	vst v8;
	v13 =	vunpack.i.l.bf16.f32 v11  }
0x8d: {  	v8 =	vld.idx.msk [tilespmem:v2+s12+$0x0], $0xffff;
	v11 =	vunpack.i.u.bf16.f32 v11;
	[tilespmem:s29+$0xFFFFFE60] =	vst v13  }
0x8e: {  	[tilespmem:s29+$0xFFFFFEE0] =	vst v11;
	v11 =	vunpack.i.l.bf16.f32 v9  }
0x8f: {  	v13 =	vld.idx.msk [tilespmem:v4+s12+$0x0], $0xffff;
	v9 =	vunpack.i.u.bf16.f32 v9;
	[tilespmem:s29+$0x70] =	vst v11  }
0x90: {  	[tilespmem:s29+$0xF0] =	vst v9;
	v11 =	vunpack.i.l.bf16.f32 v12  }
0x91: {  	v9 =	vld.idx.msk [tilespmem:v3+s12+$0x0], $0xffff;
	v12 =	vunpack.i.u.bf16.f32 v12;
	[tilespmem:s29+$0xFFFFFF00] =	vst v11  }
0x92: {  	v11 =	vunpack.i.l.bf16.f32 v8;
	[tilespmem:s29+$0xFFFFFF80] =	vst v12  }
0x93: {  	v10 =	vld.idx.msk [tilespmem:v10+s14+$0x0], $0xffff;
	v8 =	vunpack.i.u.bf16.f32 v8;
	[tilespmem:s29+$0xFFFFFF10] =	vst v11  }
0x94: {  	v12 =	vld.idx.msk [tilespmem:v6+s12+$0x0], $0xffff;
	[tilespmem:s29+$0xFFFFFF90] =	vst v8;
	v11 =	vunpack.i.l.bf16.f32 v13  }
0x95: {  	v8 =	vunpack.i.u.bf16.f32 v13;
	[tilespmem:s29+$0xFFFFFF20] =	vst v11  }
0x96: {  	v11 =	vld.idx.msk [tilespmem:v5+s12+$0x0], $0xffff;
	v13 =	vunpack.i.l.bf16.f32 v9;
	[tilespmem:s29+$0xFFFFFFA0] =	vst v8  }
0x97: {  	v9 =	vunpack.i.u.bf16.f32 v9;
	[tilespmem:s29+$0xFFFFFF30] =	vst v13  }
0x98: {  	v8 =	vunpack.i.u.bf16.f32 v10;
	v13 =	vld.idx.msk [tilespmem:v0+s12+$0x0], $0xffff;
	[tilespmem:s29+$0xFFFFFFB0] =	vst v9  }
0x99: {  	[tilespmem:s29+$0x1F0] =	vst v8;
	v8 =	vunpack.i.l.bf16.f32 v12  }
0x9a: {  	v9 =	vunpack.i.u.bf16.f32 v12;
	v12 =	vld.idx.msk [tilespmem:v7+s13+$0x0], $0xffff;
	[tilespmem:s29+$0xFFFFFF40] =	vst v8  }
0x9b: {  	[tilespmem:s29+$0xFFFFFFC0] =	vst v9;
	v8 =	vunpack.i.l.bf16.f32 v11  }
0x9c: {  	v9 =	vunpack.i.u.bf16.f32 v11;
	v11 =	vld.idx.msk [tilespmem:v2+s13+$0x0], $0xffff;
	[tilespmem:s29+$0xFFFFFF50] =	vst v8  }
0x9d: {  	v8 =	vunpack.i.l.bf16.f32 v13;
	[tilespmem:s29+$0xFFFFFFD0] =	vst v9  }
0x9e: {  	v9 =	vunpack.i.u.bf16.f32 v13;
	v13 =	vld.idx.msk [tilespmem:v4+s13+$0x0], $0xffff;
	[tilespmem:s29+$0xFFFFFF60] =	vst v8  }
0x9f: {  	v8 =	vunpack.i.l.bf16.f32 v12;
	[tilespmem:s29+$0xFFFFFFE0] =	vst v9  }
0xa0: {  	v9 =	vunpack.i.u.bf16.f32 v12;
	v12 =	vld.idx.msk [tilespmem:v3+s13+$0x0], $0xffff;
	[tilespmem:s29+$0x0] =	vst v8  }
0xa1: {  	[tilespmem:s29+$0x80] =	vst v9;
	v14 =	vld.idx.msk [tilespmem:v0+s13+$0x0], $0xffff;
	v8 =	vunpack.i.l.bf16.f32 v11  }
0xa2: {  	v9 =	vunpack.i.u.bf16.f32 v11;
	v11 =	vld.idx.msk [tilespmem:v6+s13+$0x0], $0xffff;
	[tilespmem:s29+$0x10] =	vst v8  }
0xa3: {  	v8 =	vld.idx.msk [tilespmem:v1+s14+$0x0], $0xffff;
	v1 =	vunpack.i.l.bf16.f32 v13;
	[tilespmem:s29+$0x90] =	vst v9  }
0xa4: {  	v15 =	vld.idx.msk [tilespmem:v7+s14+$0x0], $0xffff;
	v9 =	vunpack.i.u.bf16.f32 v13;
	[tilespmem:s29+$0x20] =	vst v1  }
0xa5: {  	v13 =	vld.idx.msk [tilespmem:v5+s13+$0x0], $0xffff;
	v1 =	vunpack.i.l.bf16.f32 v12;
	[tilespmem:s29+$0xA0] =	vst v9  }
0xa6: {  	v9 =	vunpack.i.u.bf16.f32 v12;
	[tilespmem:s29+$0x30] =	vst v1  }
0xa7: {  	v16 =	vld.idx.msk [tilespmem:v2+s14+$0x0], $0xffff;
	[tilespmem:s29+$0xB0] =	vst v9;
	v1 =	vunpack.i.l.bf16.f32 v11  }
0xa8: {  	v17 =	vld.idx.msk [tilespmem:v4+s14+$0x0], $0xffff;
	v2 =	vunpack.i.u.bf16.f32 v11;
	[tilespmem:s29+$0x40] =	vst v1  }
0xa9: {  	v7 =	vld.idx.msk [tilespmem:v3+s14+$0x0], $0xffff;
	v11 =	vunpack.i.l.bf16.f32 v14;
	[tilespmem:s29+$0xC0] =	vst v2  }
0xaa: {  	v12 =	vunpack.i.u.bf16.f32 v15;
	v4 =	vunpack.i.l.bf16.f32 v13;
	v1 =	vunpack.i.u.bf16.f32 v8;
	[tilespmem:s29+$0x60] =	vst v11  }
0xab: {  	v2 =	vunpack.i.l.bf16.f32 v8;
	v9 =	vunpack.i.u.bf16.f32 v13;
	v8 =	vunpack.i.l.bf16.f32 v10;
	[tilespmem:s29+$0x50] =	vst v4;
	v4 =	vld.idx.msk [tilespmem:v6+s14+$0x0], $0xffff  }
0xac: {  	s30 =	simm.s32 $0x8;
	s25 =	sor.u32 $0x18C90, s28;
	v10 =	vunpack.i.u.bf16.f32 v14;
	v13 =	vunpack.i.l.bf16.f32 v15;
	[tilespmem:s29+$0xD0] =	vst v9;
	v9 =	vunpack.i.u.bf16.f32 v16  }
0xad: {  	s23 =	sadd.s32 $0x19090, s28;
	s28 =	sor.u32 $0x18890, s28;
	s31 =	sadd.s32 $0x80, s31;
	v15 =	vunpack.i.l.bf16.f32 v16;
	[tilespmem:s29+$0xE0] =	vst v10;
	v11 =	vunpack.i.u.bf16.f32 v17;
	v14 =	vunpack.i.l.bf16.f32 v17;
	v3 =	vld.idx.msk [tilespmem:v5+s14+$0x0], $0xffff  }
.LBB2_6:
0xae: {  	v10 =	vld [tilespmem:s31+$0x30];
	[tilespmem:s29+$0x100] =	vst v13;
	v13 =	vunpack.i.u.bf16.f32 v7;
	v16 =	vunpack.i.l.bf16.f32 v7  }
0xaf: {  	v7 =	vld [tilespmem:s31+$0xFFFFFFD0];
	[tilespmem:s29+$0x180] =	vst v12  }
0xb0: {  	v12 =	vunpack.i.u.bf16.f32 v4;
	v6 =	vld [tilespmem:s31+$0xFFFFFFE0];
	[tilespmem:s29+$0x110] =	vst v15;
	v15 =	vunpack.i.l.bf16.f32 v4  }
0xb1: {  	s30 =	sadd.s32 $0x8, s30;
	v5 =	vld [tilespmem:s31+$0xFFFFFFF0];
	[tilespmem:s29+$0x190] =	vst v9  }
0xb2: {  	p2 =	slt.u32 s30, $0x38;
	v17 =	vunpack.i.l.bf16.f32 v3;
	v4 =	vld [tilespmem:s31+$0x0];
	[tilespmem:s29+$0x120] =	vst v14;
	v14 =	vunpack.i.u.bf16.f32 v3  }
0xb3: {  	v3 =	vld [tilespmem:s31+$0x10];
	[tilespmem:s29+$0x1A0] =	vst v11  }
0xb4: {  	v11 =	vld [tilespmem:s31+$0x20];
	[tilespmem:s29+$0x130] =	vst v16  }
0xb5: {  	v9 =	vld [tilespmem:s31+$0xFFFFFFC0];
	[tilespmem:s29+$0x1B0] =	vst v13  }
0xb6: {  	v13 =	vld.idx.msk [tilespmem:v10+s3+$0x0], $0xffff;
	[tilespmem:s29+$0x140] =	vst v15  }
0xb7: {  	v15 =	vld.idx.msk [tilespmem:v7+s3+$0x0], $0xffff;
	[tilespmem:s29+$0x1C0] =	vst v12  }
0xb8: {  	v12 =	vld.idx.msk [tilespmem:v6+s3+$0x0], $0xffff;
	[tilespmem:s29+$0x150] =	vst v17  }
0xb9: {  	v16 =	vld.idx.msk [tilespmem:v5+s3+$0x0], $0xffff;
	[tilespmem:s29+$0x1D0] =	vst v14  }
0xba: {  	v14 =	vld.idx.msk [tilespmem:v4+s3+$0x0], $0xffff;
	[tilespmem:s26+$0x160] =	vst v2  }
0xbb: {  	v2 =	vld.idx.msk [tilespmem:v3+s3+$0x0], $0xffff;
	[tilespmem:s26+$0x1E0] =	vst v1;
	s26 =	smov.u32 s29  }
0xbc: {  	v17 =	vunpack.i.l.bf16.f32 v13;
	s29 =	sadd.s32 $0x400, s29;
	v1 =	vld.idx.msk [tilespmem:v11+s3+$0x0], $0xffff;
	[tilespmem:s26+$0x170] =	vst v8  }
0xbd: {  	v13 =	vunpack.i.u.bf16.f32 v13;
	v18 =	vunpack.i.u.bf16.f32 v15;
	v15 =	vunpack.i.l.bf16.f32 v15;
	v8 =	vld.idx.msk [tilespmem:v9+s3+$0x0], $0xffff;
	[tilespmem:s29+$0xFFFFFE70] =	vst v17  }
0xbe: {  	v17 =	vunpack.i.u.bf16.f32 v12;
	v12 =	vunpack.i.l.bf16.f32 v12;
	[tilespmem:s29+$0xFFFFFEF0] =	vst v13;
	v13 =	vld.idx.msk [tilespmem:v0+s14+$0x0], $0xffff;
	v0 =	vmov v11  }
0xbf: {  	v11 =	vunpack.i.u.bf16.f32 v16;
	[tilespmem:s29+$0xFFFFFE10] =	vst v15;
	v15 =	vunpack.i.l.bf16.f32 v16;
	v16 =	vld.idx.msk [tilespmem:v10+s12+$0x0], $0xffff  }
0xc0: {  	[tilespmem:s29+$0xFFFFFE90] =	vst v18;
	v18 =	vunpack.i.u.bf16.f32 v14;
	v14 =	vunpack.i.l.bf16.f32 v14  }
0xc1: {  	v20 =	vunpack.i.l.bf16.f32 v2;
	v19 =	vld.idx.msk [tilespmem:v7+s12+$0x0], $0xffff;
	[tilespmem:s29+$0xFFFFFE20] =	vst v12;
	v12 =	vunpack.i.u.bf16.f32 v2  }
0xc2: {  	v21 =	vunpack.i.l.bf16.f32 v1;
	[tilespmem:s29+$0xFFFFFEA0] =	vst v17;
	v17 =	vunpack.i.u.bf16.f32 v1  }
0xc3: {  	v22 =	vunpack.i.u.bf16.f32 v8;
	v1 =	vunpack.i.l.bf16.f32 v8;
	v8 =	vld.idx.msk [tilespmem:v6+s12+$0x0], $0xffff;
	[tilespmem:s29+$0xFFFFFE30] =	vst v15  }
0xc4: {  	v2 =	vunpack.i.l.bf16.f32 v13;
	[tilespmem:s29+$0xFFFFFE00] =	vst v1;
	v1 =	vunpack.i.u.bf16.f32 v13  }
0xc5: {  	v13 =	vunpack.i.l.bf16.f32 v16;
	[tilespmem:s29+$0xFFFFFE80] =	vst v22  }
0xc6: {  	v16 =	vunpack.i.u.bf16.f32 v16;
	v15 =	vld.idx.msk [tilespmem:v9+s12+$0x0], $0xffff;
	[tilespmem:s29+$0xFFFFFF70] =	vst v13  }
0xc7: {  	v13 =	vunpack.i.u.bf16.f32 v19;
	v19 =	vunpack.i.l.bf16.f32 v19;
	[tilespmem:s29+$0xFFFFFFF0] =	vst v16  }
0xc8: {  	[tilespmem:s29+$0xFFFFFEB0] =	vst v11;
	v11 =	vld.idx.msk [tilespmem:v10+s13+$0x0], $0xffff  }
0xc9: {  	v16 =	vunpack.i.u.bf16.f32 v8;
	v8 =	vunpack.i.l.bf16.f32 v8;
	v22 =	vld.idx.msk [tilespmem:v5+s12+$0x0], $0xffff;
	[tilespmem:s29+$0xFFFFFE40] =	vst v14  }
0xca: {  	[tilespmem:s29+$0xFFFFFEC0] =	vst v18  }
0xcb: {  	v14 =	vld.idx.msk [tilespmem:v4+s12+$0x0], $0xffff;
	[tilespmem:s29+$0xFFFFFE50] =	vst v20  }
0xcc: {  	v18 =	vunpack.i.u.bf16.f32 v15;
	v15 =	vunpack.i.l.bf16.f32 v15;
	[tilespmem:s29+$0xFFFFFED0] =	vst v12  }
0xcd: {  	v12 =	vld.idx.msk [tilespmem:v3+s12+$0x0], $0xffff;
	[tilespmem:s29+$0xFFFFFE60] =	vst v21  }
0xce: {  	[tilespmem:s29+$0xFFFFFEE0] =	vst v17;
	v17 =	vunpack.i.l.bf16.f32 v11  }
0xcf: {  	v20 =	vunpack.i.u.bf16.f32 v22;
	v21 =	vunpack.i.l.bf16.f32 v22;
	v11 =	vunpack.i.u.bf16.f32 v11;
	v22 =	vld.idx.msk [tilespmem:v0+s12+$0x0], $0xffff;
	[tilespmem:s29+$0x70] =	vst v17  }
0xd0: {  	[tilespmem:s29+$0xF0] =	vst v11  }
0xd1: {  	v11 =	vunpack.i.u.bf16.f32 v14;
	v14 =	vunpack.i.l.bf16.f32 v14;
	[tilespmem:s29+$0xFFFFFF00] =	vst v15;
	v10 =	vld.idx.msk [tilespmem:v10+s14+$0x0], $0xffff  }
0xd2: {  	[tilespmem:s29+$0xFFFFFF80] =	vst v18  }
0xd3: {  	v17 =	vunpack.i.u.bf16.f32 v12;
	v12 =	vunpack.i.l.bf16.f32 v12;
	v15 =	vld.idx.msk [tilespmem:v9+s13+$0x0], $0xffff;
	[tilespmem:s29+$0xFFFFFF10] =	vst v19  }
0xd4: {  	[tilespmem:s29+$0xFFFFFF90] =	vst v13  }
0xd5: {  	v18 =	vunpack.i.u.bf16.f32 v22;
	v19 =	vunpack.i.l.bf16.f32 v22;
	v13 =	vld.idx.msk [tilespmem:v7+s13+$0x0], $0xffff;
	[tilespmem:s29+$0xFFFFFF20] =	vst v8  }
0xd6: {  	[tilespmem:s29+$0xFFFFFFA0] =	vst v16  }
0xd7: {  	v8 =	vunpack.i.l.bf16.f32 v10;
	v16 =	vld.idx.msk [tilespmem:v6+s13+$0x0], $0xffff;
	[tilespmem:s29+$0xFFFFFF30] =	vst v21;
	v21 =	vunpack.i.u.bf16.f32 v10  }
0xd8: {  	[tilespmem:s29+$0x1F0] =	vst v21  }
0xd9: {  	v10 =	vunpack.i.u.bf16.f32 v15;
	v15 =	vunpack.i.l.bf16.f32 v15;
	[tilespmem:s29+$0xFFFFFFB0] =	vst v20  }
0xda: {  	v20 =	vld.idx.msk [tilespmem:v5+s13+$0x0], $0xffff;
	[tilespmem:s29+$0xFFFFFF40] =	vst v14  }
0xdb: {  	v14 =	vunpack.i.u.bf16.f32 v13;
	v13 =	vunpack.i.l.bf16.f32 v13;
	[tilespmem:s29+$0xFFFFFFC0] =	vst v11  }
0xdc: {  	v11 =	vld.idx.msk [tilespmem:v4+s13+$0x0], $0xffff;
	[tilespmem:s29+$0xFFFFFF50] =	vst v12  }
0xdd: {  	v12 =	vunpack.i.u.bf16.f32 v16;
	v16 =	vunpack.i.l.bf16.f32 v16;
	[tilespmem:s29+$0xFFFFFFD0] =	vst v17  }
0xde: {  	v17 =	vld.idx.msk [tilespmem:v3+s13+$0x0], $0xffff;
	[tilespmem:s29+$0xFFFFFF60] =	vst v19  }
0xdf: {  	[tilespmem:s29+$0xFFFFFFE0] =	vst v18  }
0xe0: {  	v18 =	vunpack.i.l.bf16.f32 v20;
	[tilespmem:s29+$0x0] =	vst v15;
	v15 =	vunpack.i.u.bf16.f32 v20;
	v19 =	vld.idx.msk [tilespmem:v0+s13+$0x0], $0xffff  }
0xe1: {  	[tilespmem:s29+$0x80] =	vst v10  }
0xe2: {  	v10 =	vunpack.i.u.bf16.f32 v11;
	v11 =	vunpack.i.l.bf16.f32 v11;
	v9 =	vld.idx.msk [tilespmem:v9+s14+$0x0], $0xffff;
	[tilespmem:s29+$0x10] =	vst v13  }
0xe3: {  	[tilespmem:s29+$0x90] =	vst v14  }
0xe4: {  	v14 =	vld.idx.msk [tilespmem:v7+s14+$0x0], $0xffff;
	[tilespmem:s29+$0x20] =	vst v16;
	v16 =	vunpack.i.u.bf16.f32 v17;
	v17 =	vunpack.i.l.bf16.f32 v17  }
0xe5: {  	[tilespmem:s29+$0xA0] =	vst v12  }
0xe6: {  	v6 =	vld.idx.msk [tilespmem:v6+s14+$0x0], $0xffff;
	[tilespmem:s29+$0x30] =	vst v18;
	v18 =	vunpack.i.u.bf16.f32 v19;
	v19 =	vunpack.i.l.bf16.f32 v19  }
0xe7: {  	[tilespmem:s29+$0xB0] =	vst v15  }
0xe8: {  	v12 =	vunpack.i.u.bf16.f32 v9;
	v13 =	vunpack.i.l.bf16.f32 v9;
	v7 =	vld.idx.msk [tilespmem:v5+s14+$0x0], $0xffff;
	[tilespmem:s29+$0x40] =	vst v11  }
.Ltmp2:
0xe9: {  	[tilespmem:s29+$0xC0] =	vst v10;
	(pc) =	sbr.rel @p2 .LBB2_6-.Ltmp2, $4  }
0xea: {  	v9 =	vunpack.i.u.bf16.f32 v14;
	v15 =	vunpack.i.l.bf16.f32 v14;
	v4 =	vld.idx.msk [tilespmem:v4+s14+$0x0], $0xffff;
	[tilespmem:s29+$0x50] =	vst v17  }
0xeb: {  	[tilespmem:s29+$0xD0] =	vst v16  }
0xec: {  	v11 =	vunpack.i.u.bf16.f32 v6;
	v14 =	vunpack.i.l.bf16.f32 v6;
	v3 =	vld.idx.msk [tilespmem:v3+s14+$0x0], $0xffff;
	[tilespmem:s29+$0x60] =	vst v19  }
0xed: {  	s31 =	sadd.s32 $0x80, s31;
	[tilespmem:s29+$0xE0] =	vst v18  }
0xee: {  	[tilespmem:s29+$0x100] =	vst v13  }
0xef: {  	[tilespmem:s29+$0x180] =	vst v12  }
0xf0: {  	[tilespmem:s29+$0x110] =	vst v15  }
0xf1: {  	[tilespmem:s29+$0x190] =	vst v9  }
0xf2: {  	[tilespmem:s29+$0x120] =	vst v14  }
0xf3: {  	[tilespmem:s29+$0x1A0] =	vst v11  }
0xf4: {  	[tilespmem:s26+$0x160] =	vst v2  }
0xf5: {  	[tilespmem:s26+$0x1E0] =	vst v1  }
0xf6: {  	v5 =	vunpack.i.l.bf16.f32 v7;
	[tilespmem:s29+$0x170] =	vst v8  }
0xf7: {  	v6 =	vunpack.i.u.bf16.f32 v7;
	v0 =	vld.idx.msk [tilespmem:v0+s14+$0x0], $0xffff;
	[tilespmem:s29+$0x130] =	vst v5  }
0xf8: {  	v5 =	vunpack.i.l.bf16.f32 v4;
	[tilespmem:s29+$0x1B0] =	vst v6  }
0xf9: {  	v4 =	vunpack.i.u.bf16.f32 v4;
	[tilespmem:s29+$0x140] =	vst v5  }
0xfa: {  	[tilespmem:s29+$0x1C0] =	vst v4;
	v5 =	vunpack.i.l.bf16.f32 v3  }
0xfb: {  	s24 =	sshll.u32 s24, $0x14;
	v3 =	vunpack.i.u.bf16.f32 v3;
	[tilespmem:s29+$0x150] =	vst v5  }
0xfc: {  	s24 =	sor.u32 s10, s24;
	[tilespmem:s29+$0x1D0] =	vst v3;
	v1 =	vunpack.i.l.bf16.f32 v0  }
0xfd: {  	s24 =	sshrl.u32 s24, $0x3;
	v0 =	vunpack.i.u.bf16.f32 v0;
	[tilespmem:s29+$0x160] =	vst v1  }
0xfe: {  	s26 =	simm.s32 @!p1 $0x3;
	s31 =	sadd.s32 s2, s24;
	[tilespmem:s29+$0x1E0] =	vst v0  }
0xff: {  	[hbm4b:s31+s3] =	stream.linear.scatter [tilespmem:s17], [sflag:$0x2], $0x2000, $0x38;
	[tilespmem:$0x1E420] =	vst v63  }
0x100: {  	_ =	swait.ge @!p1 [sflag:s26], $0x2000  }
0x101: {  	[sflag:s26] =	ssyncset.done @!p1 $0x0  }
0x102: {  	[sflag:s26] =	ssyncadd.s32 @!p1 $0xFFFFE000  }
0x103: {  	v5 =	vld [tilespmem:s28+$0x0];
	_ =	sdelay $0x1  }
0x104: {  	v6 =	vld [tilespmem:s28+$0xFFFFFFA0];
	_ =	sdelay $0x1  }
0x105: {  	v4 =	vld [tilespmem:s28+$0xFFFFFFB0];
	_ =	sdelay $0x1  }
0x106: {  	v2 =	vld [tilespmem:s28+$0xFFFFFFC0]  }
0x107: {  	v7 =	vld [tilespmem:s28+$0xFFFFFF90]  }
0x108: {  	v1 =	vld.idx.msk [tilespmem:v5+s3+$0x0], $0xffff;
	_ =	sdelay $0x1  }
0x109: {  	v8 =	vld.idx.msk [tilespmem:v6+s3+$0x0], $0xffff  }
0x10a: {  	v3 =	vld [tilespmem:s28+$0xFFFFFFD0]  }
0x10b: {  	v9 =	vld.idx.msk [tilespmem:v4+s3+$0x0], $0xffff  }
0x10c: {  	s26 =	simm.s32 $0x1C810;
	v0 =	vld [tilespmem:s28+$0xFFFFFFE0];
	v10 =	vunpack.i.l.bf16.f32 v1  }
0x10d: {  	v11 =	vld.idx.msk [tilespmem:v2+s3+$0x0], $0xffff;
	v1 =	vunpack.i.u.bf16.f32 v1;
	[tilespmem:s26+$0xFFFFFC80] =	vst v10  }
0x10e: {  	v12 =	vunpack.i.l.bf16.f32 v8;
	v10 =	vld.idx.msk [tilespmem:v7+s3+$0x0], $0xffff;
	[tilespmem:s26+$0xFFFFFD00] =	vst v1  }
0x10f: {  	v8 =	vunpack.i.u.bf16.f32 v8;
	v1 =	vld [tilespmem:s28+$0xFFFFFFF0];
	[tilespmem:s26+$0xFFFFFC20] =	vst v12  }
0x110: {  	v12 =	vunpack.i.l.bf16.f32 v9;
	[tilespmem:s26+$0xFFFFFCA0] =	vst v8  }
0x111: {  	v8 =	vunpack.i.u.bf16.f32 v9;
	v13 =	vld.idx.msk [tilespmem:v5+s12+$0x0], $0xffff;
	[tilespmem:s26+$0xFFFFFC30] =	vst v12  }
0x112: {  	v9 =	vunpack.i.l.bf16.f32 v11;
	[tilespmem:s26+$0xFFFFFCB0] =	vst v8  }
0x113: {  	v11 =	vunpack.i.u.bf16.f32 v11;
	v8 =	vld.idx.msk [tilespmem:v3+s3+$0x0], $0xffff;
	[tilespmem:s26+$0xFFFFFC40] =	vst v9  }
0x114: {  	[tilespmem:s26+$0xFFFFFCC0] =	vst v11;
	v12 =	vunpack.i.l.bf16.f32 v10  }
0x115: {  	v9 =	vunpack.i.u.bf16.f32 v10;
	v10 =	vld.idx.msk [tilespmem:v0+s3+$0x0], $0xffff;
	[tilespmem:s26+$0xFFFFFC10] =	vst v12  }
0x116: {  	[tilespmem:s26+$0xFFFFFC90] =	vst v9;
	v9 =	vunpack.i.l.bf16.f32 v13  }
0x117: {  	v12 =	vunpack.i.u.bf16.f32 v13;
	[tilespmem:s26+$0xFFFFFD80] =	vst v9;
	v9 =	vld.idx.msk [tilespmem:v1+s3+$0x0], $0xffff  }
0x118: {  	[tilespmem:s26+$0xFFFFFE00] =	vst v12;
	v12 =	vunpack.i.l.bf16.f32 v8  }
0x119: {  	v8 =	vunpack.i.u.bf16.f32 v8;
	v11 =	vld.idx.msk [tilespmem:v5+s13+$0x0], $0xffff;
	[tilespmem:s26+$0xFFFFFC50] =	vst v12  }
0x11a: {  	[tilespmem:s26+$0xFFFFFCD0] =	vst v8;
	v12 =	vunpack.i.l.bf16.f32 v10  }
0x11b: {  	v8 =	vunpack.i.u.bf16.f32 v10;
	v10 =	vld.idx.msk [tilespmem:v7+s12+$0x0], $0xffff;
	[tilespmem:s26+$0xFFFFFC60] =	vst v12  }
0x11c: {  	[tilespmem:s26+$0xFFFFFCE0] =	vst v8;
	v12 =	vunpack.i.l.bf16.f32 v9  }
0x11d: {  	v8 =	vld.idx.msk [tilespmem:v6+s12+$0x0], $0xffff;
	v9 =	vunpack.i.u.bf16.f32 v9;
	[tilespmem:s26+$0xFFFFFC70] =	vst v12  }
0x11e: {  	[tilespmem:s26+$0xFFFFFCF0] =	vst v9;
	v9 =	vunpack.i.l.bf16.f32 v11  }
0x11f: {  	v12 =	vld.idx.msk [tilespmem:v4+s12+$0x0], $0xffff;
	v11 =	vunpack.i.u.bf16.f32 v11;
	[tilespmem:s26+$0xFFFFFE80] =	vst v9  }
0x120: {  	v9 =	vunpack.i.l.bf16.f32 v10;
	[tilespmem:s26+$0xFFFFFF00] =	vst v11  }
0x121: {  	v11 =	vld.idx.msk [tilespmem:v2+s12+$0x0], $0xffff;
	v10 =	vunpack.i.u.bf16.f32 v10;
	[tilespmem:s26+$0xFFFFFD10] =	vst v9  }
0x122: {  	v9 =	vunpack.i.l.bf16.f32 v8;
	v13 =	vld.idx.msk [tilespmem:v5+s14+$0x0], $0xffff;
	[tilespmem:s26+$0xFFFFFD90] =	vst v10  }
0x123: {  	v5 =	vunpack.i.u.bf16.f32 v8;
	[tilespmem:s26+$0xFFFFFD20] =	vst v9  }
0x124: {  	v9 =	vld.idx.msk [tilespmem:v3+s12+$0x0], $0xffff;
	[tilespmem:s26+$0xFFFFFDA0] =	vst v5;
	v8 =	vunpack.i.l.bf16.f32 v12  }
0x125: {  	v5 =	vunpack.i.u.bf16.f32 v12;
	[tilespmem:s26+$0xFFFFFD30] =	vst v8  }
0x126: {  	v8 =	vld.idx.msk [tilespmem:v0+s12+$0x0], $0xffff;
	v10 =	vunpack.i.l.bf16.f32 v11;
	[tilespmem:s26+$0xFFFFFDB0] =	vst v5  }
0x127: {  	[tilespmem:s26+$0xFFFFFD40] =	vst v10;
	v5 =	vunpack.i.u.bf16.f32 v13  }
0x128: {  	v10 =	vunpack.i.u.bf16.f32 v11;
	v11 =	vld.idx.msk [tilespmem:v1+s12+$0x0], $0xffff;
	[tilespmem:s26+$0x0] =	vst v5  }
0x129: {  	v5 =	vunpack.i.l.bf16.f32 v9;
	[tilespmem:s26+$0xFFFFFDC0] =	vst v10  }
0x12a: {  	v9 =	vunpack.i.u.bf16.f32 v9;
	v10 =	vld.idx.msk [tilespmem:v7+s13+$0x0], $0xffff;
	[tilespmem:s26+$0xFFFFFD50] =	vst v5  }
0x12b: {  	[tilespmem:s26+$0xFFFFFDD0] =	vst v9;
	v5 =	vunpack.i.l.bf16.f32 v8  }
0x12c: {  	v9 =	vld.idx.msk [tilespmem:v6+s13+$0x0], $0xffff;
	v8 =	vunpack.i.u.bf16.f32 v8;
	[tilespmem:s26+$0xFFFFFD60] =	vst v5  }
0x12d: {  	v5 =	vunpack.i.l.bf16.f32 v11;
	[tilespmem:s26+$0xFFFFFDE0] =	vst v8  }
0x12e: {  	v8 =	vunpack.i.u.bf16.f32 v11;
	v11 =	vld.idx.msk [tilespmem:v4+s13+$0x0], $0xffff;
	[tilespmem:s26+$0xFFFFFD70] =	vst v5  }
0x12f: {  	v5 =	vunpack.i.l.bf16.f32 v10;
	[tilespmem:s26+$0xFFFFFDF0] =	vst v8  }
0x130: {  	v8 =	vunpack.i.u.bf16.f32 v10;
	v10 =	vld.idx.msk [tilespmem:v2+s13+$0x0], $0xffff;
	[tilespmem:s26+$0xFFFFFE10] =	vst v5  }
0x131: {  	v5 =	vunpack.i.l.bf16.f32 v9;
	[tilespmem:s26+$0xFFFFFE90] =	vst v8  }
0x132: {  	v8 =	vunpack.i.u.bf16.f32 v9;
	v9 =	vld.idx.msk [tilespmem:v3+s13+$0x0], $0xffff;
	[tilespmem:s26+$0xFFFFFE20] =	vst v5  }
0x133: {  	[tilespmem:s26+$0xFFFFFEA0] =	vst v8;
	v5 =	vunpack.i.l.bf16.f32 v11  }
0x134: {  	v8 =	vunpack.i.u.bf16.f32 v11;
	v11 =	vld.idx.msk [tilespmem:v0+s13+$0x0], $0xffff;
	[tilespmem:s26+$0xFFFFFE30] =	vst v5  }
0x135: {  	v5 =	vunpack.i.l.bf16.f32 v10;
	[tilespmem:s26+$0xFFFFFEB0] =	vst v8  }
0x136: {  	v8 =	vunpack.i.u.bf16.f32 v10;
	[tilespmem:s26+$0xFFFFFE40] =	vst v5  }
0x137: {  	v10 =	vld.idx.msk [tilespmem:v1+s13+$0x0], $0xffff;
	v5 =	vunpack.i.l.bf16.f32 v9;
	[tilespmem:s26+$0xFFFFFEC0] =	vst v8  }
0x138: {  	v8 =	vunpack.i.u.bf16.f32 v9;
	[tilespmem:s26+$0xFFFFFE50] =	vst v5  }
0x139: {  	v7 =	vld.idx.msk [tilespmem:v7+s14+$0x0], $0xffff;
	[tilespmem:s26+$0xFFFFFED0] =	vst v8;
	v5 =	vunpack.i.l.bf16.f32 v11  }
0x13a: {  	v8 =	vunpack.i.u.bf16.f32 v11;
	[tilespmem:s26+$0xFFFFFE60] =	vst v5  }
0x13b: {  	s30 =	sadd.s32 $0x80, s28;
	v6 =	vld.idx.msk [tilespmem:v6+s14+$0x0], $0xffff;
	v11 =	vunpack.i.l.bf16.f32 v13;
	[tilespmem:s26+$0xFFFFFEE0] =	vst v8  }
0x13c: {  	v9 =	vld [tilespmem:s30+$0x0];
	v5 =	vunpack.i.l.bf16.f32 v10;
	[tilespmem:s26+$0xFFFFFF80] =	vst v11  }
0x13d: {  	v8 =	vld.idx.msk [tilespmem:v4+s14+$0x0], $0xffff;
	v4 =	vunpack.i.u.bf16.f32 v10;
	[tilespmem:s26+$0xFFFFFE70] =	vst v5  }
0x13e: {  	v5 =	vunpack.i.l.bf16.f32 v7;
	[tilespmem:s26+$0xFFFFFEF0] =	vst v4;
	v4 =	vunpack.i.u.bf16.f32 v7;
	v7 =	vld.idx.msk [tilespmem:v2+s14+$0x0], $0xffff  }
0x13f: {  	v2 =	vld [tilespmem:s30+$0xFFFFFFA0];
	[tilespmem:s26+$0xFFFFFF10] =	vst v5  }
0x140: {  	v10 =	vld.idx.msk [tilespmem:v3+s14+$0x0], $0xffff;
	v5 =	vunpack.i.l.bf16.f32 v6;
	[tilespmem:s26+$0xFFFFFF90] =	vst v4  }
0x141: {  	v6 =	vunpack.i.u.bf16.f32 v6;
	v4 =	vld [tilespmem:s30+$0xFFFFFFB0];
	[tilespmem:s26+$0xFFFFFF20] =	vst v5  }
0x142: {  	v0 =	vld.idx.msk [tilespmem:v0+s14+$0x0], $0xffff;
	[tilespmem:s26+$0xFFFFFFA0] =	vst v6;
	v3 =	vunpack.i.l.bf16.f32 v8  }
0x143: {  	v5 =	vunpack.i.u.bf16.f32 v8;
	[tilespmem:s26+$0xFFFFFF30] =	vst v3;
	v3 =	vld [tilespmem:s30+$0xFFFFFFC0]  }
0x144: {  	v6 =	vunpack.i.l.bf16.f32 v7;
	[tilespmem:s26+$0xFFFFFFB0] =	vst v5;
	v5 =	vunpack.i.u.bf16.f32 v7;
	v7 =	vld [tilespmem:s30+$0xFFFFFF90]  }
0x145: {  	v8 =	vld.idx.msk [tilespmem:v9+s3+$0x0], $0xffff;
	[tilespmem:s26+$0xFFFFFF40] =	vst v6  }
0x146: {  	v6 =	vunpack.i.l.bf16.f32 v10;
	[tilespmem:s26+$0xFFFFFFC0] =	vst v5  }
0x147: {  	v5 =	vunpack.i.u.bf16.f32 v10;
	[tilespmem:s26+$0xFFFFFF50] =	vst v6;
	v10 =	vld.idx.msk [tilespmem:v2+s3+$0x0], $0xffff  }
0x148: {  	v6 =	vunpack.i.l.bf16.f32 v0;
	[tilespmem:s26+$0xFFFFFFD0] =	vst v5;
	v5 =	vld [tilespmem:s30+$0xFFFFFFD0]  }
0x149: {  	v0 =	vunpack.i.u.bf16.f32 v0;
	[tilespmem:s26+$0xFFFFFF60] =	vst v6;
	v12 =	vld.idx.msk [tilespmem:v4+s3+$0x0], $0xffff  }
0x14a: {  	s28 =	simm.s32 $0x1CC10;
	[tilespmem:s26+$0xFFFFFFE0] =	vst v0;
	v6 =	vld [tilespmem:s30+$0xFFFFFFE0];
	v0 =	vunpack.i.l.bf16.f32 v8  }
0x14b: {  	v8 =	vunpack.i.u.bf16.f32 v8;
	[tilespmem:s28+$0xFFFFFC80] =	vst v0;
	v11 =	vld.idx.msk [tilespmem:v3+s3+$0x0], $0xffff  }
0x14c: {  	[tilespmem:s28+$0xFFFFFD00] =	vst v8;
	v13 =	vld.idx.msk [tilespmem:v7+s3+$0x0], $0xffff;
	v14 =	vunpack.i.l.bf16.f32 v10  }
0x14d: {  	v0 =	vld [tilespmem:s30+$0xFFFFFFF0];
	v8 =	vunpack.i.u.bf16.f32 v10;
	[tilespmem:s28+$0xFFFFFC20] =	vst v14  }
0x14e: {  	v10 =	vunpack.i.l.bf16.f32 v12;
	[tilespmem:s28+$0xFFFFFCA0] =	vst v8  }
0x14f: {  	v14 =	vld.idx.msk [tilespmem:v9+s12+$0x0], $0xffff;
	v8 =	vunpack.i.u.bf16.f32 v12;
	[tilespmem:s28+$0xFFFFFC30] =	vst v10  }
0x150: {  	[tilespmem:s28+$0xFFFFFCB0] =	vst v8;
	v10 =	vunpack.i.l.bf16.f32 v11  }
0x151: {  	v8 =	vld.idx.msk [tilespmem:v5+s3+$0x0], $0xffff;
	v12 =	vunpack.i.l.bf16.f32 v13;
	[tilespmem:s28+$0xFFFFFC40] =	vst v10  }
0x152: {  	v11 =	vunpack.i.u.bf16.f32 v11;
	[tilespmem:s28+$0xFFFFFC10] =	vst v12  }
0x153: {  	v10 =	vunpack.i.u.bf16.f32 v13;
	v12 =	vld.idx.msk [tilespmem:v6+s3+$0x0], $0xffff;
	[tilespmem:s28+$0xFFFFFCC0] =	vst v11  }
0x154: {  	[tilespmem:s28+$0xFFFFFC90] =	vst v10;
	v10 =	vunpack.i.l.bf16.f32 v14  }
0x155: {  	v13 =	vunpack.i.u.bf16.f32 v14;
	[tilespmem:s28+$0xFFFFFD80] =	vst v10;
	v10 =	vld.idx.msk [tilespmem:v0+s3+$0x0], $0xffff  }
0x156: {  	[tilespmem:s28+$0xFFFFFE00] =	vst v13;
	v13 =	vunpack.i.l.bf16.f32 v8  }
0x157: {  	v8 =	vunpack.i.u.bf16.f32 v8;
	[tilespmem:s28+$0xFFFFFC50] =	vst v13;
	v11 =	vld.idx.msk [tilespmem:v9+s13+$0x0], $0xffff  }
0x158: {  	[tilespmem:s28+$0xFFFFFCD0] =	vst v8;
	v13 =	vunpack.i.l.bf16.f32 v12  }
0x159: {  	v8 =	vunpack.i.u.bf16.f32 v12;
	v12 =	vld.idx.msk [tilespmem:v7+s12+$0x0], $0xffff;
	[tilespmem:s28+$0xFFFFFC60] =	vst v13  }
0x15a: {  	[tilespmem:s28+$0xFFFFFCE0] =	vst v8;
	v13 =	vunpack.i.l.bf16.f32 v10  }
0x15b: {  	v8 =	vld.idx.msk [tilespmem:v2+s12+$0x0], $0xffff;
	v10 =	vunpack.i.u.bf16.f32 v10;
	[tilespmem:s28+$0xFFFFFC70] =	vst v13  }
0x15c: {  	[tilespmem:s28+$0xFFFFFCF0] =	vst v10;
	v10 =	vunpack.i.l.bf16.f32 v11  }
0x15d: {  	v13 =	vld.idx.msk [tilespmem:v4+s12+$0x0], $0xffff;
	v11 =	vunpack.i.u.bf16.f32 v11;
	[tilespmem:s28+$0xFFFFFE80] =	vst v10  }
0x15e: {  	[tilespmem:s28+$0xFFFFFF00] =	vst v11;
	v10 =	vunpack.i.l.bf16.f32 v12  }
0x15f: {  	v11 =	vld.idx.msk [tilespmem:v3+s12+$0x0], $0xffff;
	v12 =	vunpack.i.u.bf16.f32 v12;
	[tilespmem:s28+$0xFFFFFD10] =	vst v10  }
0x160: {  	v10 =	vunpack.i.l.bf16.f32 v8;
	[tilespmem:s28+$0xFFFFFD90] =	vst v12  }
0x161: {  	v9 =	vld.idx.msk [tilespmem:v9+s14+$0x0], $0xffff;
	v8 =	vunpack.i.u.bf16.f32 v8;
	[tilespmem:s28+$0xFFFFFD20] =	vst v10  }
0x162: {  	v12 =	vld.idx.msk [tilespmem:v5+s12+$0x0], $0xffff;
	[tilespmem:s28+$0xFFFFFDA0] =	vst v8;
	v10 =	vunpack.i.l.bf16.f32 v13  }
0x163: {  	v8 =	vunpack.i.u.bf16.f32 v13;
	[tilespmem:s28+$0xFFFFFD30] =	vst v10  }
0x164: {  	v10 =	vld.idx.msk [tilespmem:v6+s12+$0x0], $0xffff;
	v13 =	vunpack.i.l.bf16.f32 v11;
	[tilespmem:s28+$0xFFFFFDB0] =	vst v8  }
0x165: {  	v11 =	vunpack.i.u.bf16.f32 v11;
	[tilespmem:s28+$0xFFFFFD40] =	vst v13  }
0x166: {  	v8 =	vunpack.i.u.bf16.f32 v9;
	v13 =	vld.idx.msk [tilespmem:v0+s12+$0x0], $0xffff;
	[tilespmem:s28+$0xFFFFFDC0] =	vst v11  }
0x167: {  	[tilespmem:s28+$0x0] =	vst v8;
	v8 =	vunpack.i.l.bf16.f32 v12  }
0x168: {  	v11 =	vunpack.i.u.bf16.f32 v12;
	v12 =	vld.idx.msk [tilespmem:v7+s13+$0x0], $0xffff;
	[tilespmem:s28+$0xFFFFFD50] =	vst v8  }
0x169: {  	[tilespmem:s28+$0xFFFFFDD0] =	vst v11;
	v8 =	vunpack.i.l.bf16.f32 v10  }
0x16a: {  	v11 =	vld.idx.msk [tilespmem:v2+s13+$0x0], $0xffff;
	v10 =	vunpack.i.u.bf16.f32 v10;
	[tilespmem:s28+$0xFFFFFD60] =	vst v8  }
0x16b: {  	v8 =	vunpack.i.l.bf16.f32 v13;
	[tilespmem:s28+$0xFFFFFDE0] =	vst v10  }
0x16c: {  	v10 =	vunpack.i.u.bf16.f32 v13;
	v13 =	vld.idx.msk [tilespmem:v4+s13+$0x0], $0xffff;
	[tilespmem:s28+$0xFFFFFD70] =	vst v8  }
0x16d: {  	v8 =	vunpack.i.l.bf16.f32 v12;
	[tilespmem:s28+$0xFFFFFDF0] =	vst v10  }
0x16e: {  	v10 =	vunpack.i.u.bf16.f32 v12;
	v12 =	vld.idx.msk [tilespmem:v3+s13+$0x0], $0xffff;
	[tilespmem:s28+$0xFFFFFE10] =	vst v8  }
0x16f: {  	v8 =	vunpack.i.l.bf16.f32 v11;
	[tilespmem:s28+$0xFFFFFE90] =	vst v10  }
0x170: {  	v10 =	vunpack.i.u.bf16.f32 v11;
	v11 =	vld.idx.msk [tilespmem:v5+s13+$0x0], $0xffff;
	[tilespmem:s28+$0xFFFFFE20] =	vst v8  }
0x171: {  	v8 =	vld.idx.msk [tilespmem:v1+s14+$0x0], $0xffff;
	[tilespmem:s28+$0xFFFFFEA0] =	vst v10;
	v1 =	vunpack.i.l.bf16.f32 v13  }
0x172: {  	v14 =	vld.idx.msk [tilespmem:v0+s13+$0x0], $0xffff;
	v10 =	vunpack.i.u.bf16.f32 v13;
	[tilespmem:s28+$0xFFFFFE30] =	vst v1  }
0x173: {  	v13 =	vld.idx.msk [tilespmem:v6+s13+$0x0], $0xffff;
	v1 =	vunpack.i.l.bf16.f32 v12;
	[tilespmem:s28+$0xFFFFFEB0] =	vst v10  }
0x174: {  	v15 =	vld.idx.msk [tilespmem:v7+s14+$0x0], $0xffff;
	v10 =	vunpack.i.u.bf16.f32 v12;
	[tilespmem:s28+$0xFFFFFE40] =	vst v1  }
0x175: {  	v16 =	vld.idx.msk [tilespmem:v2+s14+$0x0], $0xffff;
	v1 =	vunpack.i.l.bf16.f32 v11;
	[tilespmem:s28+$0xFFFFFEC0] =	vst v10  }
0x176: {  	v2 =	vunpack.i.u.bf16.f32 v11;
	v10 =	vld.idx.msk [tilespmem:v4+s14+$0x0], $0xffff;
	[tilespmem:s28+$0xFFFFFE50] =	vst v1  }
0x177: {  	v17 =	vunpack.i.u.bf16.f32 v14;
	[tilespmem:s28+$0xFFFFFED0] =	vst v2;
	v7 =	vld.idx.msk [tilespmem:v3+s14+$0x0], $0xffff  }
0x178: {  	v1 =	vunpack.i.u.bf16.f32 v8;
	v2 =	vunpack.i.l.bf16.f32 v8;
	[tilespmem:s28+$0xFFFFFEF0] =	vst v17;
	v4 =	vunpack.i.l.bf16.f32 v13  }
0x179: {  	v8 =	vunpack.i.l.bf16.f32 v9;
	v12 =	vunpack.i.u.bf16.f32 v15;
	v11 =	vunpack.i.u.bf16.f32 v13;
	[tilespmem:s28+$0xFFFFFE60] =	vst v4;
	v4 =	vld.idx.msk [tilespmem:v5+s14+$0x0], $0xffff  }
0x17a: {  	v9 =	vunpack.i.u.bf16.f32 v16;
	v13 =	vunpack.i.l.bf16.f32 v14;
	v14 =	vunpack.i.l.bf16.f32 v15;
	[tilespmem:s28+$0xFFFFFEE0] =	vst v11  }
0x17b: {  	s29 =	simm.s32 $0x8;
	s30 =	sadd.s32 $0x80, s30;
	[tilespmem:s28+$0xFFFFFE70] =	vst v13;
	v5 =	vunpack.i.l.bf16.f32 v16;
	v11 =	vunpack.i.u.bf16.f32 v10;
	v13 =	vunpack.i.l.bf16.f32 v10;
	v3 =	vld.idx.msk [tilespmem:v6+s14+$0x0], $0xffff  }
.LBB2_8:
0x17c: {  	v10 =	vld [tilespmem:s30+$0x0];
	[tilespmem:s28+$0xFFFFFF10] =	vst v14;
	v14 =	vunpack.i.u.bf16.f32 v7;
	v15 =	vunpack.i.l.bf16.f32 v7  }
0x17d: {  	v7 =	vld [tilespmem:s30+$0xFFFFFFA0];
	[tilespmem:s28+$0xFFFFFF90] =	vst v12  }
0x17e: {  	v12 =	vunpack.i.u.bf16.f32 v4;
	v16 =	vunpack.i.l.bf16.f32 v4;
	v6 =	vld [tilespmem:s30+$0xFFFFFFB0];
	[tilespmem:s28+$0xFFFFFF20] =	vst v5  }
0x17f: {  	s29 =	sadd.s32 $0x8, s29;
	v5 =	vld [tilespmem:s30+$0xFFFFFFC0];
	[tilespmem:s28+$0xFFFFFFA0] =	vst v9  }
0x180: {  	p1 =	slt.u32 s29, $0x38;
	v17 =	vunpack.i.l.bf16.f32 v3;
	v4 =	vld [tilespmem:s30+$0xFFFFFFD0];
	[tilespmem:s28+$0xFFFFFF30] =	vst v13;
	v13 =	vunpack.i.u.bf16.f32 v3  }
0x181: {  	v3 =	vld [tilespmem:s30+$0xFFFFFFE0];
	[tilespmem:s28+$0xFFFFFFB0] =	vst v11  }
0x182: {  	v11 =	vld [tilespmem:s30+$0xFFFFFFF0];
	[tilespmem:s28+$0xFFFFFF40] =	vst v15  }
0x183: {  	v9 =	vld [tilespmem:s30+$0xFFFFFF90];
	[tilespmem:s28+$0xFFFFFFC0] =	vst v14  }
0x184: {  	v14 =	vld.idx.msk [tilespmem:v10+s3+$0x0], $0xffff;
	[tilespmem:s28+$0xFFFFFF50] =	vst v16  }
0x185: {  	v15 =	vld.idx.msk [tilespmem:v7+s3+$0x0], $0xffff;
	[tilespmem:s28+$0xFFFFFFD0] =	vst v12  }
0x186: {  	v12 =	vld.idx.msk [tilespmem:v6+s3+$0x0], $0xffff;
	[tilespmem:s28+$0xFFFFFF60] =	vst v17  }
0x187: {  	v16 =	vld.idx.msk [tilespmem:v5+s3+$0x0], $0xffff;
	[tilespmem:s28+$0xFFFFFFE0] =	vst v13  }
0x188: {  	v13 =	vld.idx.msk [tilespmem:v4+s3+$0x0], $0xffff;
	[tilespmem:s26+$0xFFFFFF70] =	vst v2  }
0x189: {  	v2 =	vld.idx.msk [tilespmem:v3+s3+$0x0], $0xffff;
	[tilespmem:s26+$0xFFFFFFF0] =	vst v1;
	s26 =	smov.u32 s28  }
0x18a: {  	v17 =	vunpack.i.l.bf16.f32 v14;
	s28 =	sadd.s32 $0x400, s28;
	v1 =	vld.idx.msk [tilespmem:v11+s3+$0x0], $0xffff;
	[tilespmem:s26+$0xFFFFFF80] =	vst v8  }
0x18b: {  	v14 =	vunpack.i.u.bf16.f32 v14;
	v18 =	vunpack.i.u.bf16.f32 v15;
	v15 =	vunpack.i.l.bf16.f32 v15;
	v8 =	vld.idx.msk [tilespmem:v9+s3+$0x0], $0xffff;
	[tilespmem:s28+$0xFFFFFC80] =	vst v17  }
0x18c: {  	v17 =	vunpack.i.u.bf16.f32 v12;
	v12 =	vunpack.i.l.bf16.f32 v12;
	[tilespmem:s28+$0xFFFFFD00] =	vst v14;
	v14 =	vld.idx.msk [tilespmem:v0+s14+$0x0], $0xffff;
	v0 =	vmov v11  }
0x18d: {  	v11 =	vunpack.i.u.bf16.f32 v16;
	[tilespmem:s28+$0xFFFFFC20] =	vst v15;
	v15 =	vunpack.i.l.bf16.f32 v16;
	v16 =	vld.idx.msk [tilespmem:v10+s12+$0x0], $0xffff  }
0x18e: {  	[tilespmem:s28+$0xFFFFFCA0] =	vst v18;
	v18 =	vunpack.i.u.bf16.f32 v13;
	v13 =	vunpack.i.l.bf16.f32 v13  }
0x18f: {  	v20 =	vunpack.i.l.bf16.f32 v2;
	v19 =	vld.idx.msk [tilespmem:v7+s12+$0x0], $0xffff;
	[tilespmem:s28+$0xFFFFFC30] =	vst v12;
	v12 =	vunpack.i.u.bf16.f32 v2  }
0x190: {  	v21 =	vunpack.i.l.bf16.f32 v1;
	[tilespmem:s28+$0xFFFFFCB0] =	vst v17;
	v17 =	vunpack.i.u.bf16.f32 v1  }
0x191: {  	v22 =	vunpack.i.u.bf16.f32 v8;
	v1 =	vunpack.i.l.bf16.f32 v8;
	v8 =	vld.idx.msk [tilespmem:v6+s12+$0x0], $0xffff;
	[tilespmem:s28+$0xFFFFFC40] =	vst v15  }
0x192: {  	v2 =	vunpack.i.l.bf16.f32 v14;
	[tilespmem:s28+$0xFFFFFC10] =	vst v1;
	v1 =	vunpack.i.u.bf16.f32 v14  }
0x193: {  	v14 =	vunpack.i.l.bf16.f32 v16;
	[tilespmem:s28+$0xFFFFFC90] =	vst v22  }
0x194: {  	v16 =	vunpack.i.u.bf16.f32 v16;
	v15 =	vld.idx.msk [tilespmem:v9+s12+$0x0], $0xffff;
	[tilespmem:s28+$0xFFFFFD80] =	vst v14  }
0x195: {  	v14 =	vunpack.i.u.bf16.f32 v19;
	v19 =	vunpack.i.l.bf16.f32 v19;
	[tilespmem:s28+$0xFFFFFE00] =	vst v16  }
0x196: {  	[tilespmem:s28+$0xFFFFFCC0] =	vst v11;
	v11 =	vld.idx.msk [tilespmem:v10+s13+$0x0], $0xffff  }
0x197: {  	v16 =	vunpack.i.u.bf16.f32 v8;
	v8 =	vunpack.i.l.bf16.f32 v8;
	v22 =	vld.idx.msk [tilespmem:v5+s12+$0x0], $0xffff;
	[tilespmem:s28+$0xFFFFFC50] =	vst v13  }
0x198: {  	[tilespmem:s28+$0xFFFFFCD0] =	vst v18  }
0x199: {  	v13 =	vld.idx.msk [tilespmem:v4+s12+$0x0], $0xffff;
	[tilespmem:s28+$0xFFFFFC60] =	vst v20  }
0x19a: {  	v18 =	vunpack.i.u.bf16.f32 v15;
	v15 =	vunpack.i.l.bf16.f32 v15;
	[tilespmem:s28+$0xFFFFFCE0] =	vst v12  }
0x19b: {  	v12 =	vld.idx.msk [tilespmem:v3+s12+$0x0], $0xffff;
	[tilespmem:s28+$0xFFFFFC70] =	vst v21  }
0x19c: {  	[tilespmem:s28+$0xFFFFFCF0] =	vst v17;
	v17 =	vunpack.i.l.bf16.f32 v11  }
0x19d: {  	v20 =	vunpack.i.u.bf16.f32 v22;
	v21 =	vunpack.i.l.bf16.f32 v22;
	v11 =	vunpack.i.u.bf16.f32 v11;
	v22 =	vld.idx.msk [tilespmem:v0+s12+$0x0], $0xffff;
	[tilespmem:s28+$0xFFFFFE80] =	vst v17  }
0x19e: {  	[tilespmem:s28+$0xFFFFFF00] =	vst v11  }
0x19f: {  	v11 =	vunpack.i.u.bf16.f32 v13;
	v13 =	vunpack.i.l.bf16.f32 v13;
	[tilespmem:s28+$0xFFFFFD10] =	vst v15;
	v10 =	vld.idx.msk [tilespmem:v10+s14+$0x0], $0xffff  }
0x1a0: {  	[tilespmem:s28+$0xFFFFFD90] =	vst v18  }
0x1a1: {  	v17 =	vunpack.i.u.bf16.f32 v12;
	v12 =	vunpack.i.l.bf16.f32 v12;
	v15 =	vld.idx.msk [tilespmem:v9+s13+$0x0], $0xffff;
	[tilespmem:s28+$0xFFFFFD20] =	vst v19  }
0x1a2: {  	[tilespmem:s28+$0xFFFFFDA0] =	vst v14  }
0x1a3: {  	v18 =	vunpack.i.u.bf16.f32 v22;
	v19 =	vunpack.i.l.bf16.f32 v22;
	v14 =	vld.idx.msk [tilespmem:v7+s13+$0x0], $0xffff;
	[tilespmem:s28+$0xFFFFFD30] =	vst v8  }
0x1a4: {  	[tilespmem:s28+$0xFFFFFDB0] =	vst v16  }
0x1a5: {  	v8 =	vunpack.i.l.bf16.f32 v10;
	v16 =	vld.idx.msk [tilespmem:v6+s13+$0x0], $0xffff;
	[tilespmem:s28+$0xFFFFFD40] =	vst v21;
	v21 =	vunpack.i.u.bf16.f32 v10  }
0x1a6: {  	[tilespmem:s28+$0x0] =	vst v21  }
0x1a7: {  	v10 =	vunpack.i.u.bf16.f32 v15;
	v15 =	vunpack.i.l.bf16.f32 v15;
	[tilespmem:s28+$0xFFFFFDC0] =	vst v20  }
0x1a8: {  	v20 =	vld.idx.msk [tilespmem:v5+s13+$0x0], $0xffff;
	[tilespmem:s28+$0xFFFFFD50] =	vst v13  }
0x1a9: {  	v13 =	vunpack.i.u.bf16.f32 v14;
	v14 =	vunpack.i.l.bf16.f32 v14;
	[tilespmem:s28+$0xFFFFFDD0] =	vst v11  }
0x1aa: {  	v11 =	vld.idx.msk [tilespmem:v4+s13+$0x0], $0xffff;
	[tilespmem:s28+$0xFFFFFD60] =	vst v12  }
0x1ab: {  	v12 =	vunpack.i.u.bf16.f32 v16;
	v16 =	vunpack.i.l.bf16.f32 v16;
	[tilespmem:s28+$0xFFFFFDE0] =	vst v17  }
0x1ac: {  	v17 =	vld.idx.msk [tilespmem:v3+s13+$0x0], $0xffff;
	[tilespmem:s28+$0xFFFFFD70] =	vst v19  }
0x1ad: {  	[tilespmem:s28+$0xFFFFFDF0] =	vst v18  }
0x1ae: {  	v18 =	vunpack.i.l.bf16.f32 v20;
	[tilespmem:s28+$0xFFFFFE10] =	vst v15;
	v15 =	vunpack.i.u.bf16.f32 v20;
	v19 =	vld.idx.msk [tilespmem:v0+s13+$0x0], $0xffff  }
0x1af: {  	[tilespmem:s28+$0xFFFFFE90] =	vst v10  }
0x1b0: {  	v10 =	vunpack.i.u.bf16.f32 v11;
	v11 =	vunpack.i.l.bf16.f32 v11;
	v9 =	vld.idx.msk [tilespmem:v9+s14+$0x0], $0xffff;
	[tilespmem:s28+$0xFFFFFE20] =	vst v14  }
0x1b1: {  	[tilespmem:s28+$0xFFFFFEA0] =	vst v13  }
0x1b2: {  	v13 =	vld.idx.msk [tilespmem:v7+s14+$0x0], $0xffff;
	[tilespmem:s28+$0xFFFFFE30] =	vst v16;
	v16 =	vunpack.i.u.bf16.f32 v17;
	v17 =	vunpack.i.l.bf16.f32 v17  }
0x1b3: {  	[tilespmem:s28+$0xFFFFFEB0] =	vst v12  }
0x1b4: {  	v6 =	vld.idx.msk [tilespmem:v6+s14+$0x0], $0xffff;
	[tilespmem:s28+$0xFFFFFE40] =	vst v18;
	v18 =	vunpack.i.u.bf16.f32 v19;
	v19 =	vunpack.i.l.bf16.f32 v19  }
0x1b5: {  	[tilespmem:s28+$0xFFFFFEC0] =	vst v15  }
0x1b6: {  	v12 =	vunpack.i.u.bf16.f32 v9;
	v14 =	vunpack.i.l.bf16.f32 v9;
	v7 =	vld.idx.msk [tilespmem:v5+s14+$0x0], $0xffff;
	[tilespmem:s28+$0xFFFFFE50] =	vst v11  }
.Ltmp3:
0x1b7: {  	[tilespmem:s28+$0xFFFFFED0] =	vst v10;
	(pc) =	sbr.rel @p1 .LBB2_8-.Ltmp3, $4  }
0x1b8: {  	v9 =	vunpack.i.u.bf16.f32 v13;
	v5 =	vunpack.i.l.bf16.f32 v13;
	v4 =	vld.idx.msk [tilespmem:v4+s14+$0x0], $0xffff;
	[tilespmem:s28+$0xFFFFFE60] =	vst v17  }
0x1b9: {  	[tilespmem:s28+$0xFFFFFEE0] =	vst v16  }
0x1ba: {  	v11 =	vunpack.i.u.bf16.f32 v6;
	v13 =	vunpack.i.l.bf16.f32 v6;
	v3 =	vld.idx.msk [tilespmem:v3+s14+$0x0], $0xffff;
	[tilespmem:s28+$0xFFFFFE70] =	vst v19  }
0x1bb: {  	s30 =	sadd.s32 $0x80, s30;
	[tilespmem:s28+$0xFFFFFEF0] =	vst v18  }
0x1bc: {  	[tilespmem:s28+$0xFFFFFF10] =	vst v14  }
0x1bd: {  	[tilespmem:s28+$0xFFFFFF90] =	vst v12  }
0x1be: {  	[tilespmem:s28+$0xFFFFFF20] =	vst v5  }
0x1bf: {  	[tilespmem:s28+$0xFFFFFFA0] =	vst v9  }
0x1c0: {  	[tilespmem:s28+$0xFFFFFF30] =	vst v13  }
0x1c1: {  	[tilespmem:s28+$0xFFFFFFB0] =	vst v11  }
0x1c2: {  	[tilespmem:s26+$0xFFFFFF70] =	vst v2  }
0x1c3: {  	[tilespmem:s26+$0xFFFFFFF0] =	vst v1  }
0x1c4: {  	v5 =	vunpack.i.l.bf16.f32 v7;
	[tilespmem:s28+$0xFFFFFF80] =	vst v8  }
0x1c5: {  	v6 =	vunpack.i.u.bf16.f32 v7;
	v0 =	vld.idx.msk [tilespmem:v0+s14+$0x0], $0xffff;
	[tilespmem:s28+$0xFFFFFF40] =	vst v5  }
0x1c6: {  	v5 =	vunpack.i.l.bf16.f32 v4;
	[tilespmem:s28+$0xFFFFFFC0] =	vst v6  }
0x1c7: {  	v4 =	vunpack.i.u.bf16.f32 v4;
	[tilespmem:s28+$0xFFFFFF50] =	vst v5  }
0x1c8: {  	[tilespmem:s28+$0xFFFFFFD0] =	vst v4;
	v5 =	vunpack.i.l.bf16.f32 v3  }
0x1c9: {  	v3 =	vunpack.i.u.bf16.f32 v3;
	[tilespmem:s28+$0xFFFFFF60] =	vst v5  }
0x1ca: {  	[tilespmem:s28+$0xFFFFFFE0] =	vst v3;
	v1 =	vunpack.i.l.bf16.f32 v0  }
0x1cb: {  	s24 =	sadd.s32 s24, s2;
	v0 =	vunpack.i.u.bf16.f32 v0;
	[tilespmem:s28+$0xFFFFFF70] =	vst v1  }
0x1cc: {  	s31 =	sadd.s32 $0x400, s24;
	[tilespmem:s28+$0xFFFFFFF0] =	vst v0  }
0x1cd: {  	[hbm4b:s31+s3] =	stream.linear.scatter [tilespmem:s18], [sflag:$0x3], $0x2000, $0x38;
	[tilespmem:$0x1E420] =	vst v63  }
0x1ce: {  	_ =	swait.ge [sflag:s19], $0x2000  }
0x1cf: {  	[sflag:s19] =	ssyncset.done $0x0  }
0x1d0: {  	[sflag:s19] =	ssyncadd.s32 $0xFFFFE000  }
0x1d1: {  	v5 =	vld [tilespmem:s25+$0x0];
	_ =	sdelay $0x1  }
0x1d2: {  	v6 =	vld [tilespmem:s25+$0xFFFFFFA0];
	_ =	sdelay $0x1  }
0x1d3: {  	v4 =	vld [tilespmem:s25+$0xFFFFFFB0];
	_ =	sdelay $0x1  }
0x1d4: {  	v2 =	vld [tilespmem:s25+$0xFFFFFFC0]  }
0x1d5: {  	v7 =	vld [tilespmem:s25+$0xFFFFFF90]  }
0x1d6: {  	v1 =	vld.idx.msk [tilespmem:v5+s3+$0x0], $0xffff;
	_ =	sdelay $0x1  }
0x1d7: {  	v8 =	vld.idx.msk [tilespmem:v6+s3+$0x0], $0xffff  }
0x1d8: {  	v3 =	vld [tilespmem:s25+$0xFFFFFFD0]  }
0x1d9: {  	v9 =	vld.idx.msk [tilespmem:v4+s3+$0x0], $0xffff  }
0x1da: {  	s26 =	simm.s32 $0x1A620;
	v0 =	vld [tilespmem:s25+$0xFFFFFFE0];
	v10 =	vunpack.i.l.bf16.f32 v1  }
0x1db: {  	v11 =	vld.idx.msk [tilespmem:v2+s3+$0x0], $0xffff;
	v1 =	vunpack.i.u.bf16.f32 v1;
	[tilespmem:s26+$0xFFFFFE70] =	vst v10  }
0x1dc: {  	v12 =	vunpack.i.l.bf16.f32 v8;
	v10 =	vld.idx.msk [tilespmem:v7+s3+$0x0], $0xffff;
	[tilespmem:s26+$0xFFFFFEF0] =	vst v1  }
0x1dd: {  	v8 =	vunpack.i.u.bf16.f32 v8;
	v1 =	vld [tilespmem:s25+$0xFFFFFFF0];
	[tilespmem:s26+$0xFFFFFE10] =	vst v12  }
0x1de: {  	v12 =	vunpack.i.l.bf16.f32 v9;
	[tilespmem:s26+$0xFFFFFE90] =	vst v8  }
0x1df: {  	v8 =	vunpack.i.u.bf16.f32 v9;
	v13 =	vld.idx.msk [tilespmem:v5+s12+$0x0], $0xffff;
	[tilespmem:s26+$0xFFFFFE20] =	vst v12  }
0x1e0: {  	v9 =	vunpack.i.l.bf16.f32 v11;
	[tilespmem:s26+$0xFFFFFEA0] =	vst v8  }
0x1e1: {  	v11 =	vunpack.i.u.bf16.f32 v11;
	v8 =	vld.idx.msk [tilespmem:v3+s3+$0x0], $0xffff;
	[tilespmem:s26+$0xFFFFFE30] =	vst v9  }
0x1e2: {  	[tilespmem:s26+$0xFFFFFEB0] =	vst v11;
	v12 =	vunpack.i.l.bf16.f32 v10  }
0x1e3: {  	v9 =	vunpack.i.u.bf16.f32 v10;
	v10 =	vld.idx.msk [tilespmem:v0+s3+$0x0], $0xffff;
	[tilespmem:s26+$0xFFFFFE00] =	vst v12  }
0x1e4: {  	[tilespmem:s26+$0xFFFFFE80] =	vst v9;
	v9 =	vunpack.i.l.bf16.f32 v13  }
0x1e5: {  	v12 =	vunpack.i.u.bf16.f32 v13;
	[tilespmem:s26+$0xFFFFFF70] =	vst v9;
	v9 =	vld.idx.msk [tilespmem:v1+s3+$0x0], $0xffff  }
0x1e6: {  	[tilespmem:s26+$0xFFFFFFF0] =	vst v12;
	v12 =	vunpack.i.l.bf16.f32 v8  }
0x1e7: {  	v8 =	vunpack.i.u.bf16.f32 v8;
	v11 =	vld.idx.msk [tilespmem:v5+s13+$0x0], $0xffff;
	[tilespmem:s26+$0xFFFFFE40] =	vst v12  }
0x1e8: {  	[tilespmem:s26+$0xFFFFFEC0] =	vst v8;
	v12 =	vunpack.i.l.bf16.f32 v10  }
0x1e9: {  	v8 =	vunpack.i.u.bf16.f32 v10;
	v10 =	vld.idx.msk [tilespmem:v7+s12+$0x0], $0xffff;
	[tilespmem:s26+$0xFFFFFE50] =	vst v12  }
0x1ea: {  	[tilespmem:s26+$0xFFFFFED0] =	vst v8;
	v12 =	vunpack.i.l.bf16.f32 v9  }
0x1eb: {  	v8 =	vld.idx.msk [tilespmem:v6+s12+$0x0], $0xffff;
	v9 =	vunpack.i.u.bf16.f32 v9;
	[tilespmem:s26+$0xFFFFFE60] =	vst v12  }
0x1ec: {  	[tilespmem:s26+$0xFFFFFEE0] =	vst v9;
	v9 =	vunpack.i.l.bf16.f32 v11  }
0x1ed: {  	v12 =	vld.idx.msk [tilespmem:v4+s12+$0x0], $0xffff;
	v11 =	vunpack.i.u.bf16.f32 v11;
	[tilespmem:s26+$0x70] =	vst v9  }
0x1ee: {  	v9 =	vunpack.i.l.bf16.f32 v10;
	[tilespmem:s26+$0xF0] =	vst v11  }
0x1ef: {  	v11 =	vld.idx.msk [tilespmem:v2+s12+$0x0], $0xffff;
	v10 =	vunpack.i.u.bf16.f32 v10;
	[tilespmem:s26+$0xFFFFFF00] =	vst v9  }
0x1f0: {  	v9 =	vunpack.i.l.bf16.f32 v8;
	v13 =	vld.idx.msk [tilespmem:v5+s14+$0x0], $0xffff;
	[tilespmem:s26+$0xFFFFFF80] =	vst v10  }
0x1f1: {  	v5 =	vunpack.i.u.bf16.f32 v8;
	[tilespmem:s26+$0xFFFFFF10] =	vst v9  }
0x1f2: {  	v9 =	vld.idx.msk [tilespmem:v3+s12+$0x0], $0xffff;
	[tilespmem:s26+$0xFFFFFF90] =	vst v5;
	v8 =	vunpack.i.l.bf16.f32 v12  }
0x1f3: {  	v5 =	vunpack.i.u.bf16.f32 v12;
	[tilespmem:s26+$0xFFFFFF20] =	vst v8  }
0x1f4: {  	v8 =	vld.idx.msk [tilespmem:v0+s12+$0x0], $0xffff;
	v10 =	vunpack.i.l.bf16.f32 v11;
	[tilespmem:s26+$0xFFFFFFA0] =	vst v5  }
0x1f5: {  	[tilespmem:s26+$0xFFFFFF30] =	vst v10;
	v5 =	vunpack.i.u.bf16.f32 v13  }
0x1f6: {  	v10 =	vunpack.i.u.bf16.f32 v11;
	v11 =	vld.idx.msk [tilespmem:v1+s12+$0x0], $0xffff;
	[tilespmem:s26+$0x1F0] =	vst v5  }
0x1f7: {  	v5 =	vunpack.i.l.bf16.f32 v9;
	[tilespmem:s26+$0xFFFFFFB0] =	vst v10  }
0x1f8: {  	v9 =	vunpack.i.u.bf16.f32 v9;
	v10 =	vld.idx.msk [tilespmem:v7+s13+$0x0], $0xffff;
	[tilespmem:s26+$0xFFFFFF40] =	vst v5  }
0x1f9: {  	[tilespmem:s26+$0xFFFFFFC0] =	vst v9;
	v5 =	vunpack.i.l.bf16.f32 v8  }
0x1fa: {  	v9 =	vld.idx.msk [tilespmem:v6+s13+$0x0], $0xffff;
	v8 =	vunpack.i.u.bf16.f32 v8;
	[tilespmem:s26+$0xFFFFFF50] =	vst v5  }
0x1fb: {  	v5 =	vunpack.i.l.bf16.f32 v11;
	[tilespmem:s26+$0xFFFFFFD0] =	vst v8  }
0x1fc: {  	v8 =	vunpack.i.u.bf16.f32 v11;
	v11 =	vld.idx.msk [tilespmem:v4+s13+$0x0], $0xffff;
	[tilespmem:s26+$0xFFFFFF60] =	vst v5  }
0x1fd: {  	v5 =	vunpack.i.l.bf16.f32 v10;
	[tilespmem:s26+$0xFFFFFFE0] =	vst v8  }
0x1fe: {  	v8 =	vunpack.i.u.bf16.f32 v10;
	v10 =	vld.idx.msk [tilespmem:v2+s13+$0x0], $0xffff;
	[tilespmem:s26+$0x0] =	vst v5  }
0x1ff: {  	v5 =	vunpack.i.l.bf16.f32 v9;
	[tilespmem:s26+$0x80] =	vst v8  }
0x200: {  	v8 =	vunpack.i.u.bf16.f32 v9;
	v9 =	vld.idx.msk [tilespmem:v3+s13+$0x0], $0xffff;
	[tilespmem:s26+$0x10] =	vst v5  }
0x201: {  	[tilespmem:s26+$0x90] =	vst v8;
	v5 =	vunpack.i.l.bf16.f32 v11  }
0x202: {  	v8 =	vunpack.i.u.bf16.f32 v11;
	v11 =	vld.idx.msk [tilespmem:v0+s13+$0x0], $0xffff;
	[tilespmem:s26+$0x20] =	vst v5  }
0x203: {  	v5 =	vunpack.i.l.bf16.f32 v10;
	[tilespmem:s26+$0xA0] =	vst v8  }
0x204: {  	v8 =	vunpack.i.u.bf16.f32 v10;
	[tilespmem:s26+$0x30] =	vst v5  }
0x205: {  	v10 =	vld.idx.msk [tilespmem:v1+s13+$0x0], $0xffff;
	v5 =	vunpack.i.l.bf16.f32 v9;
	[tilespmem:s26+$0xB0] =	vst v8  }
0x206: {  	v8 =	vunpack.i.u.bf16.f32 v9;
	[tilespmem:s26+$0x40] =	vst v5  }
0x207: {  	v7 =	vld.idx.msk [tilespmem:v7+s14+$0x0], $0xffff;
	[tilespmem:s26+$0xC0] =	vst v8;
	v5 =	vunpack.i.l.bf16.f32 v11  }
0x208: {  	v8 =	vunpack.i.u.bf16.f32 v11;
	[tilespmem:s26+$0x50] =	vst v5  }
0x209: {  	s29 =	sadd.s32 $0x80, s25;
	v6 =	vld.idx.msk [tilespmem:v6+s14+$0x0], $0xffff;
	v11 =	vunpack.i.l.bf16.f32 v13;
	[tilespmem:s26+$0xD0] =	vst v8  }
0x20a: {  	v9 =	vld [tilespmem:s29+$0x0];
	v5 =	vunpack.i.l.bf16.f32 v10;
	[tilespmem:s26+$0x170] =	vst v11  }
0x20b: {  	v8 =	vld.idx.msk [tilespmem:v4+s14+$0x0], $0xffff;
	v4 =	vunpack.i.u.bf16.f32 v10;
	[tilespmem:s26+$0x60] =	vst v5  }
0x20c: {  	v5 =	vunpack.i.l.bf16.f32 v7;
	[tilespmem:s26+$0xE0] =	vst v4;
	v4 =	vunpack.i.u.bf16.f32 v7;
	v7 =	vld.idx.msk [tilespmem:v2+s14+$0x0], $0xffff  }
0x20d: {  	v2 =	vld [tilespmem:s29+$0xFFFFFFA0];
	[tilespmem:s26+$0x100] =	vst v5  }
0x20e: {  	v10 =	vld.idx.msk [tilespmem:v3+s14+$0x0], $0xffff;
	v5 =	vunpack.i.l.bf16.f32 v6;
	[tilespmem:s26+$0x180] =	vst v4  }
0x20f: {  	v6 =	vunpack.i.u.bf16.f32 v6;
	v4 =	vld [tilespmem:s29+$0xFFFFFFB0];
	[tilespmem:s26+$0x110] =	vst v5  }
0x210: {  	v0 =	vld.idx.msk [tilespmem:v0+s14+$0x0], $0xffff;
	[tilespmem:s26+$0x190] =	vst v6;
	v3 =	vunpack.i.l.bf16.f32 v8  }
0x211: {  	v5 =	vunpack.i.u.bf16.f32 v8;
	[tilespmem:s26+$0x120] =	vst v3;
	v3 =	vld [tilespmem:s29+$0xFFFFFFC0]  }
0x212: {  	v6 =	vunpack.i.l.bf16.f32 v7;
	[tilespmem:s26+$0x1A0] =	vst v5;
	v5 =	vunpack.i.u.bf16.f32 v7;
	v7 =	vld [tilespmem:s29+$0xFFFFFF90]  }
0x213: {  	v8 =	vld.idx.msk [tilespmem:v9+s3+$0x0], $0xffff;
	[tilespmem:s26+$0x130] =	vst v6  }
0x214: {  	v6 =	vunpack.i.l.bf16.f32 v10;
	[tilespmem:s26+$0x1B0] =	vst v5  }
0x215: {  	v5 =	vunpack.i.u.bf16.f32 v10;
	[tilespmem:s26+$0x140] =	vst v6;
	v10 =	vld.idx.msk [tilespmem:v2+s3+$0x0], $0xffff  }
0x216: {  	v6 =	vunpack.i.l.bf16.f32 v0;
	[tilespmem:s26+$0x1C0] =	vst v5;
	v5 =	vld [tilespmem:s29+$0xFFFFFFD0]  }
0x217: {  	v0 =	vunpack.i.u.bf16.f32 v0;
	[tilespmem:s26+$0x150] =	vst v6;
	v12 =	vld.idx.msk [tilespmem:v4+s3+$0x0], $0xffff  }
0x218: {  	s25 =	simm.s32 $0x1AA20;
	[tilespmem:s26+$0x1D0] =	vst v0;
	v6 =	vld [tilespmem:s29+$0xFFFFFFE0];
	v0 =	vunpack.i.l.bf16.f32 v8  }
0x219: {  	v8 =	vunpack.i.u.bf16.f32 v8;
	[tilespmem:s25+$0xFFFFFE70] =	vst v0;
	v11 =	vld.idx.msk [tilespmem:v3+s3+$0x0], $0xffff  }
0x21a: {  	[tilespmem:s25+$0xFFFFFEF0] =	vst v8;
	v13 =	vld.idx.msk [tilespmem:v7+s3+$0x0], $0xffff;
	v14 =	vunpack.i.l.bf16.f32 v10  }
0x21b: {  	v0 =	vld [tilespmem:s29+$0xFFFFFFF0];
	v8 =	vunpack.i.u.bf16.f32 v10;
	[tilespmem:s25+$0xFFFFFE10] =	vst v14  }
0x21c: {  	v10 =	vunpack.i.l.bf16.f32 v12;
	[tilespmem:s25+$0xFFFFFE90] =	vst v8  }
0x21d: {  	v14 =	vld.idx.msk [tilespmem:v9+s12+$0x0], $0xffff;
	v8 =	vunpack.i.u.bf16.f32 v12;
	[tilespmem:s25+$0xFFFFFE20] =	vst v10  }
0x21e: {  	[tilespmem:s25+$0xFFFFFEA0] =	vst v8;
	v10 =	vunpack.i.l.bf16.f32 v11  }
0x21f: {  	v8 =	vld.idx.msk [tilespmem:v5+s3+$0x0], $0xffff;
	v12 =	vunpack.i.l.bf16.f32 v13;
	[tilespmem:s25+$0xFFFFFE30] =	vst v10  }
0x220: {  	v11 =	vunpack.i.u.bf16.f32 v11;
	[tilespmem:s25+$0xFFFFFE00] =	vst v12  }
0x221: {  	v10 =	vunpack.i.u.bf16.f32 v13;
	v12 =	vld.idx.msk [tilespmem:v6+s3+$0x0], $0xffff;
	[tilespmem:s25+$0xFFFFFEB0] =	vst v11  }
0x222: {  	[tilespmem:s25+$0xFFFFFE80] =	vst v10;
	v10 =	vunpack.i.l.bf16.f32 v14  }
0x223: {  	v13 =	vunpack.i.u.bf16.f32 v14;
	[tilespmem:s25+$0xFFFFFF70] =	vst v10;
	v10 =	vld.idx.msk [tilespmem:v0+s3+$0x0], $0xffff  }
0x224: {  	[tilespmem:s25+$0xFFFFFFF0] =	vst v13;
	v13 =	vunpack.i.l.bf16.f32 v8  }
0x225: {  	v8 =	vunpack.i.u.bf16.f32 v8;
	[tilespmem:s25+$0xFFFFFE40] =	vst v13;
	v11 =	vld.idx.msk [tilespmem:v9+s13+$0x0], $0xffff  }
0x226: {  	[tilespmem:s25+$0xFFFFFEC0] =	vst v8;
	v13 =	vunpack.i.l.bf16.f32 v12  }
0x227: {  	v8 =	vunpack.i.u.bf16.f32 v12;
	v12 =	vld.idx.msk [tilespmem:v7+s12+$0x0], $0xffff;
	[tilespmem:s25+$0xFFFFFE50] =	vst v13  }
0x228: {  	[tilespmem:s25+$0xFFFFFED0] =	vst v8;
	v13 =	vunpack.i.l.bf16.f32 v10  }
0x229: {  	v8 =	vld.idx.msk [tilespmem:v2+s12+$0x0], $0xffff;
	v10 =	vunpack.i.u.bf16.f32 v10;
	[tilespmem:s25+$0xFFFFFE60] =	vst v13  }
0x22a: {  	[tilespmem:s25+$0xFFFFFEE0] =	vst v10;
	v10 =	vunpack.i.l.bf16.f32 v11  }
0x22b: {  	v13 =	vld.idx.msk [tilespmem:v4+s12+$0x0], $0xffff;
	v11 =	vunpack.i.u.bf16.f32 v11;
	[tilespmem:s25+$0x70] =	vst v10  }
0x22c: {  	[tilespmem:s25+$0xF0] =	vst v11;
	v10 =	vunpack.i.l.bf16.f32 v12  }
0x22d: {  	v11 =	vld.idx.msk [tilespmem:v3+s12+$0x0], $0xffff;
	v12 =	vunpack.i.u.bf16.f32 v12;
	[tilespmem:s25+$0xFFFFFF00] =	vst v10  }
0x22e: {  	v10 =	vunpack.i.l.bf16.f32 v8;
	[tilespmem:s25+$0xFFFFFF80] =	vst v12  }
0x22f: {  	v9 =	vld.idx.msk [tilespmem:v9+s14+$0x0], $0xffff;
	v8 =	vunpack.i.u.bf16.f32 v8;
	[tilespmem:s25+$0xFFFFFF10] =	vst v10  }
0x230: {  	v12 =	vld.idx.msk [tilespmem:v5+s12+$0x0], $0xffff;
	[tilespmem:s25+$0xFFFFFF90] =	vst v8;
	v10 =	vunpack.i.l.bf16.f32 v13  }
0x231: {  	v8 =	vunpack.i.u.bf16.f32 v13;
	[tilespmem:s25+$0xFFFFFF20] =	vst v10  }
0x232: {  	v10 =	vld.idx.msk [tilespmem:v6+s12+$0x0], $0xffff;
	v13 =	vunpack.i.l.bf16.f32 v11;
	[tilespmem:s25+$0xFFFFFFA0] =	vst v8  }
0x233: {  	v11 =	vunpack.i.u.bf16.f32 v11;
	[tilespmem:s25+$0xFFFFFF30] =	vst v13  }
0x234: {  	v8 =	vunpack.i.u.bf16.f32 v9;
	v13 =	vld.idx.msk [tilespmem:v0+s12+$0x0], $0xffff;
	[tilespmem:s25+$0xFFFFFFB0] =	vst v11  }
0x235: {  	[tilespmem:s25+$0x1F0] =	vst v8;
	v8 =	vunpack.i.l.bf16.f32 v12  }
0x236: {  	v11 =	vunpack.i.u.bf16.f32 v12;
	v12 =	vld.idx.msk [tilespmem:v7+s13+$0x0], $0xffff;
	[tilespmem:s25+$0xFFFFFF40] =	vst v8  }
0x237: {  	[tilespmem:s25+$0xFFFFFFC0] =	vst v11;
	v8 =	vunpack.i.l.bf16.f32 v10  }
0x238: {  	v11 =	vld.idx.msk [tilespmem:v2+s13+$0x0], $0xffff;
	v10 =	vunpack.i.u.bf16.f32 v10;
	[tilespmem:s25+$0xFFFFFF50] =	vst v8  }
0x239: {  	v8 =	vunpack.i.l.bf16.f32 v13;
	[tilespmem:s25+$0xFFFFFFD0] =	vst v10  }
0x23a: {  	v10 =	vunpack.i.u.bf16.f32 v13;
	v13 =	vld.idx.msk [tilespmem:v4+s13+$0x0], $0xffff;
	[tilespmem:s25+$0xFFFFFF60] =	vst v8  }
0x23b: {  	v8 =	vunpack.i.l.bf16.f32 v12;
	[tilespmem:s25+$0xFFFFFFE0] =	vst v10  }
0x23c: {  	v10 =	vunpack.i.u.bf16.f32 v12;
	v12 =	vld.idx.msk [tilespmem:v3+s13+$0x0], $0xffff;
	[tilespmem:s25+$0x0] =	vst v8  }
0x23d: {  	v8 =	vunpack.i.l.bf16.f32 v11;
	[tilespmem:s25+$0x80] =	vst v10  }
0x23e: {  	v10 =	vunpack.i.u.bf16.f32 v11;
	v11 =	vld.idx.msk [tilespmem:v5+s13+$0x0], $0xffff;
	[tilespmem:s25+$0x10] =	vst v8  }
0x23f: {  	v8 =	vld.idx.msk [tilespmem:v1+s14+$0x0], $0xffff;
	[tilespmem:s25+$0x90] =	vst v10;
	v1 =	vunpack.i.l.bf16.f32 v13  }
0x240: {  	v14 =	vld.idx.msk [tilespmem:v0+s13+$0x0], $0xffff;
	v10 =	vunpack.i.u.bf16.f32 v13;
	[tilespmem:s25+$0x20] =	vst v1  }
0x241: {  	v13 =	vld.idx.msk [tilespmem:v6+s13+$0x0], $0xffff;
	v1 =	vunpack.i.l.bf16.f32 v12;
	[tilespmem:s25+$0xA0] =	vst v10  }
0x242: {  	v15 =	vld.idx.msk [tilespmem:v7+s14+$0x0], $0xffff;
	v10 =	vunpack.i.u.bf16.f32 v12;
	[tilespmem:s25+$0x30] =	vst v1  }
0x243: {  	v16 =	vld.idx.msk [tilespmem:v2+s14+$0x0], $0xffff;
	v1 =	vunpack.i.l.bf16.f32 v11;
	[tilespmem:s25+$0xB0] =	vst v10  }
0x244: {  	v2 =	vunpack.i.u.bf16.f32 v11;
	v10 =	vld.idx.msk [tilespmem:v4+s14+$0x0], $0xffff;
	[tilespmem:s25+$0x40] =	vst v1  }
0x245: {  	v17 =	vunpack.i.u.bf16.f32 v14;
	[tilespmem:s25+$0xC0] =	vst v2;
	v7 =	vld.idx.msk [tilespmem:v3+s14+$0x0], $0xffff  }
0x246: {  	v1 =	vunpack.i.u.bf16.f32 v8;
	v2 =	vunpack.i.l.bf16.f32 v8;
	[tilespmem:s25+$0xE0] =	vst v17;
	v4 =	vunpack.i.l.bf16.f32 v13  }
0x247: {  	v8 =	vunpack.i.l.bf16.f32 v9;
	v12 =	vunpack.i.u.bf16.f32 v15;
	v11 =	vunpack.i.u.bf16.f32 v13;
	[tilespmem:s25+$0x50] =	vst v4;
	v4 =	vld.idx.msk [tilespmem:v5+s14+$0x0], $0xffff  }
0x248: {  	v9 =	vunpack.i.u.bf16.f32 v16;
	v13 =	vunpack.i.l.bf16.f32 v14;
	v14 =	vunpack.i.l.bf16.f32 v15;
	[tilespmem:s25+$0xD0] =	vst v11  }
0x249: {  	s28 =	simm.s32 $0x8;
	s29 =	sadd.s32 $0x80, s29;
	[tilespmem:s25+$0x60] =	vst v13;
	v5 =	vunpack.i.l.bf16.f32 v16;
	v11 =	vunpack.i.u.bf16.f32 v10;
	v13 =	vunpack.i.l.bf16.f32 v10;
	v3 =	vld.idx.msk [tilespmem:v6+s14+$0x0], $0xffff  }
.LBB2_10:
0x24a: {  	v10 =	vld [tilespmem:s29+$0x0];
	[tilespmem:s25+$0x100] =	vst v14;
	v14 =	vunpack.i.u.bf16.f32 v7;
	v15 =	vunpack.i.l.bf16.f32 v7  }
0x24b: {  	v7 =	vld [tilespmem:s29+$0xFFFFFFA0];
	[tilespmem:s25+$0x180] =	vst v12  }
0x24c: {  	v12 =	vunpack.i.u.bf16.f32 v4;
	v16 =	vunpack.i.l.bf16.f32 v4;
	v6 =	vld [tilespmem:s29+$0xFFFFFFB0];
	[tilespmem:s25+$0x110] =	vst v5  }
0x24d: {  	s28 =	sadd.s32 $0x8, s28;
	v5 =	vld [tilespmem:s29+$0xFFFFFFC0];
	[tilespmem:s25+$0x190] =	vst v9  }
0x24e: {  	p1 =	slt.u32 s28, $0x38;
	v17 =	vunpack.i.l.bf16.f32 v3;
	v4 =	vld [tilespmem:s29+$0xFFFFFFD0];
	[tilespmem:s25+$0x120] =	vst v13;
	v13 =	vunpack.i.u.bf16.f32 v3  }
0x24f: {  	v3 =	vld [tilespmem:s29+$0xFFFFFFE0];
	[tilespmem:s25+$0x1A0] =	vst v11  }
0x250: {  	v11 =	vld [tilespmem:s29+$0xFFFFFFF0];
	[tilespmem:s25+$0x130] =	vst v15  }
0x251: {  	v9 =	vld [tilespmem:s29+$0xFFFFFF90];
	[tilespmem:s25+$0x1B0] =	vst v14  }
0x252: {  	v14 =	vld.idx.msk [tilespmem:v10+s3+$0x0], $0xffff;
	[tilespmem:s25+$0x140] =	vst v16  }
0x253: {  	v15 =	vld.idx.msk [tilespmem:v7+s3+$0x0], $0xffff;
	[tilespmem:s25+$0x1C0] =	vst v12  }
0x254: {  	v12 =	vld.idx.msk [tilespmem:v6+s3+$0x0], $0xffff;
	[tilespmem:s25+$0x150] =	vst v17  }
0x255: {  	v16 =	vld.idx.msk [tilespmem:v5+s3+$0x0], $0xffff;
	[tilespmem:s25+$0x1D0] =	vst v13  }
0x256: {  	v13 =	vld.idx.msk [tilespmem:v4+s3+$0x0], $0xffff;
	[tilespmem:s26+$0x160] =	vst v2  }
0x257: {  	v2 =	vld.idx.msk [tilespmem:v3+s3+$0x0], $0xffff;
	[tilespmem:s26+$0x1E0] =	vst v1;
	s26 =	smov.u32 s25  }
0x258: {  	v17 =	vunpack.i.l.bf16.f32 v14;
	s25 =	sadd.s32 $0x400, s25;
	v1 =	vld.idx.msk [tilespmem:v11+s3+$0x0], $0xffff;
	[tilespmem:s26+$0x170] =	vst v8  }
0x259: {  	v14 =	vunpack.i.u.bf16.f32 v14;
	v18 =	vunpack.i.u.bf16.f32 v15;
	v15 =	vunpack.i.l.bf16.f32 v15;
	v8 =	vld.idx.msk [tilespmem:v9+s3+$0x0], $0xffff;
	[tilespmem:s25+$0xFFFFFE70] =	vst v17  }
0x25a: {  	v17 =	vunpack.i.u.bf16.f32 v12;
	v12 =	vunpack.i.l.bf16.f32 v12;
	[tilespmem:s25+$0xFFFFFEF0] =	vst v14;
	v14 =	vld.idx.msk [tilespmem:v0+s14+$0x0], $0xffff;
	v0 =	vmov v11  }
0x25b: {  	v11 =	vunpack.i.u.bf16.f32 v16;
	[tilespmem:s25+$0xFFFFFE10] =	vst v15;
	v15 =	vunpack.i.l.bf16.f32 v16;
	v16 =	vld.idx.msk [tilespmem:v10+s12+$0x0], $0xffff  }
0x25c: {  	[tilespmem:s25+$0xFFFFFE90] =	vst v18;
	v18 =	vunpack.i.u.bf16.f32 v13;
	v13 =	vunpack.i.l.bf16.f32 v13  }
0x25d: {  	v20 =	vunpack.i.l.bf16.f32 v2;
	v19 =	vld.idx.msk [tilespmem:v7+s12+$0x0], $0xffff;
	[tilespmem:s25+$0xFFFFFE20] =	vst v12;
	v12 =	vunpack.i.u.bf16.f32 v2  }
0x25e: {  	v21 =	vunpack.i.l.bf16.f32 v1;
	[tilespmem:s25+$0xFFFFFEA0] =	vst v17;
	v17 =	vunpack.i.u.bf16.f32 v1  }
0x25f: {  	v22 =	vunpack.i.u.bf16.f32 v8;
	v1 =	vunpack.i.l.bf16.f32 v8;
	v8 =	vld.idx.msk [tilespmem:v6+s12+$0x0], $0xffff;
	[tilespmem:s25+$0xFFFFFE30] =	vst v15  }
0x260: {  	v2 =	vunpack.i.l.bf16.f32 v14;
	[tilespmem:s25+$0xFFFFFE00] =	vst v1;
	v1 =	vunpack.i.u.bf16.f32 v14  }
0x261: {  	v14 =	vunpack.i.l.bf16.f32 v16;
	[tilespmem:s25+$0xFFFFFE80] =	vst v22  }
0x262: {  	v16 =	vunpack.i.u.bf16.f32 v16;
	v15 =	vld.idx.msk [tilespmem:v9+s12+$0x0], $0xffff;
	[tilespmem:s25+$0xFFFFFF70] =	vst v14  }
0x263: {  	v14 =	vunpack.i.u.bf16.f32 v19;
	v19 =	vunpack.i.l.bf16.f32 v19;
	[tilespmem:s25+$0xFFFFFFF0] =	vst v16  }
0x264: {  	[tilespmem:s25+$0xFFFFFEB0] =	vst v11;
	v11 =	vld.idx.msk [tilespmem:v10+s13+$0x0], $0xffff  }
0x265: {  	v16 =	vunpack.i.u.bf16.f32 v8;
	v8 =	vunpack.i.l.bf16.f32 v8;
	v22 =	vld.idx.msk [tilespmem:v5+s12+$0x0], $0xffff;
	[tilespmem:s25+$0xFFFFFE40] =	vst v13  }
0x266: {  	[tilespmem:s25+$0xFFFFFEC0] =	vst v18  }
0x267: {  	v13 =	vld.idx.msk [tilespmem:v4+s12+$0x0], $0xffff;
	[tilespmem:s25+$0xFFFFFE50] =	vst v20  }
0x268: {  	v18 =	vunpack.i.u.bf16.f32 v15;
	v15 =	vunpack.i.l.bf16.f32 v15;
	[tilespmem:s25+$0xFFFFFED0] =	vst v12  }
0x269: {  	v12 =	vld.idx.msk [tilespmem:v3+s12+$0x0], $0xffff;
	[tilespmem:s25+$0xFFFFFE60] =	vst v21  }
0x26a: {  	[tilespmem:s25+$0xFFFFFEE0] =	vst v17;
	v17 =	vunpack.i.l.bf16.f32 v11  }
0x26b: {  	v20 =	vunpack.i.u.bf16.f32 v22;
	v21 =	vunpack.i.l.bf16.f32 v22;
	v11 =	vunpack.i.u.bf16.f32 v11;
	v22 =	vld.idx.msk [tilespmem:v0+s12+$0x0], $0xffff;
	[tilespmem:s25+$0x70] =	vst v17  }
0x26c: {  	[tilespmem:s25+$0xF0] =	vst v11  }
0x26d: {  	v11 =	vunpack.i.u.bf16.f32 v13;
	v13 =	vunpack.i.l.bf16.f32 v13;
	[tilespmem:s25+$0xFFFFFF00] =	vst v15;
	v10 =	vld.idx.msk [tilespmem:v10+s14+$0x0], $0xffff  }
0x26e: {  	[tilespmem:s25+$0xFFFFFF80] =	vst v18  }
0x26f: {  	v17 =	vunpack.i.u.bf16.f32 v12;
	v12 =	vunpack.i.l.bf16.f32 v12;
	v15 =	vld.idx.msk [tilespmem:v9+s13+$0x0], $0xffff;
	[tilespmem:s25+$0xFFFFFF10] =	vst v19  }
0x270: {  	[tilespmem:s25+$0xFFFFFF90] =	vst v14  }
0x271: {  	v18 =	vunpack.i.u.bf16.f32 v22;
	v19 =	vunpack.i.l.bf16.f32 v22;
	v14 =	vld.idx.msk [tilespmem:v7+s13+$0x0], $0xffff;
	[tilespmem:s25+$0xFFFFFF20] =	vst v8  }
0x272: {  	[tilespmem:s25+$0xFFFFFFA0] =	vst v16  }
0x273: {  	v8 =	vunpack.i.l.bf16.f32 v10;
	v16 =	vld.idx.msk [tilespmem:v6+s13+$0x0], $0xffff;
	[tilespmem:s25+$0xFFFFFF30] =	vst v21;
	v21 =	vunpack.i.u.bf16.f32 v10  }
0x274: {  	[tilespmem:s25+$0x1F0] =	vst v21  }
0x275: {  	v10 =	vunpack.i.u.bf16.f32 v15;
	v15 =	vunpack.i.l.bf16.f32 v15;
	[tilespmem:s25+$0xFFFFFFB0] =	vst v20  }
0x276: {  	v20 =	vld.idx.msk [tilespmem:v5+s13+$0x0], $0xffff;
	[tilespmem:s25+$0xFFFFFF40] =	vst v13  }
0x277: {  	v13 =	vunpack.i.u.bf16.f32 v14;
	v14 =	vunpack.i.l.bf16.f32 v14;
	[tilespmem:s25+$0xFFFFFFC0] =	vst v11  }
0x278: {  	v11 =	vld.idx.msk [tilespmem:v4+s13+$0x0], $0xffff;
	[tilespmem:s25+$0xFFFFFF50] =	vst v12  }
0x279: {  	v12 =	vunpack.i.u.bf16.f32 v16;
	v16 =	vunpack.i.l.bf16.f32 v16;
	[tilespmem:s25+$0xFFFFFFD0] =	vst v17  }
0x27a: {  	v17 =	vld.idx.msk [tilespmem:v3+s13+$0x0], $0xffff;
	[tilespmem:s25+$0xFFFFFF60] =	vst v19  }
0x27b: {  	[tilespmem:s25+$0xFFFFFFE0] =	vst v18  }
0x27c: {  	v18 =	vunpack.i.l.bf16.f32 v20;
	[tilespmem:s25+$0x0] =	vst v15;
	v15 =	vunpack.i.u.bf16.f32 v20;
	v19 =	vld.idx.msk [tilespmem:v0+s13+$0x0], $0xffff  }
0x27d: {  	[tilespmem:s25+$0x80] =	vst v10  }
0x27e: {  	v10 =	vunpack.i.u.bf16.f32 v11;
	v11 =	vunpack.i.l.bf16.f32 v11;
	v9 =	vld.idx.msk [tilespmem:v9+s14+$0x0], $0xffff;
	[tilespmem:s25+$0x10] =	vst v14  }
0x27f: {  	[tilespmem:s25+$0x90] =	vst v13  }
0x280: {  	v13 =	vld.idx.msk [tilespmem:v7+s14+$0x0], $0xffff;
	[tilespmem:s25+$0x20] =	vst v16;
	v16 =	vunpack.i.u.bf16.f32 v17;
	v17 =	vunpack.i.l.bf16.f32 v17  }
0x281: {  	[tilespmem:s25+$0xA0] =	vst v12  }
0x282: {  	v6 =	vld.idx.msk [tilespmem:v6+s14+$0x0], $0xffff;
	[tilespmem:s25+$0x30] =	vst v18;
	v18 =	vunpack.i.u.bf16.f32 v19;
	v19 =	vunpack.i.l.bf16.f32 v19  }
0x283: {  	[tilespmem:s25+$0xB0] =	vst v15  }
0x284: {  	v12 =	vunpack.i.u.bf16.f32 v9;
	v14 =	vunpack.i.l.bf16.f32 v9;
	v7 =	vld.idx.msk [tilespmem:v5+s14+$0x0], $0xffff;
	[tilespmem:s25+$0x40] =	vst v11  }
.Ltmp4:
0x285: {  	[tilespmem:s25+$0xC0] =	vst v10;
	(pc) =	sbr.rel @p1 .LBB2_10-.Ltmp4, $4  }
0x286: {  	v9 =	vunpack.i.u.bf16.f32 v13;
	v5 =	vunpack.i.l.bf16.f32 v13;
	v4 =	vld.idx.msk [tilespmem:v4+s14+$0x0], $0xffff;
	[tilespmem:s25+$0x50] =	vst v17  }
0x287: {  	[tilespmem:s25+$0xD0] =	vst v16  }
0x288: {  	v11 =	vunpack.i.u.bf16.f32 v6;
	v13 =	vunpack.i.l.bf16.f32 v6;
	v3 =	vld.idx.msk [tilespmem:v3+s14+$0x0], $0xffff;
	[tilespmem:s25+$0x60] =	vst v19  }
0x289: {  	s29 =	sadd.s32 $0x80, s29;
	[tilespmem:s25+$0xE0] =	vst v18  }
0x28a: {  	[tilespmem:s25+$0x100] =	vst v14  }
0x28b: {  	[tilespmem:s25+$0x180] =	vst v12  }
0x28c: {  	[tilespmem:s25+$0x110] =	vst v5  }
0x28d: {  	[tilespmem:s25+$0x190] =	vst v9  }
0x28e: {  	[tilespmem:s25+$0x120] =	vst v13  }
0x28f: {  	[tilespmem:s25+$0x1A0] =	vst v11  }
0x290: {  	[tilespmem:s26+$0x160] =	vst v2  }
0x291: {  	[tilespmem:s26+$0x1E0] =	vst v1  }
0x292: {  	v5 =	vunpack.i.l.bf16.f32 v7;
	[tilespmem:s25+$0x170] =	vst v8  }
0x293: {  	v6 =	vunpack.i.u.bf16.f32 v7;
	v0 =	vld.idx.msk [tilespmem:v0+s14+$0x0], $0xffff;
	[tilespmem:s25+$0x130] =	vst v5  }
0x294: {  	v5 =	vunpack.i.l.bf16.f32 v4;
	[tilespmem:s25+$0x1B0] =	vst v6  }
0x295: {  	v4 =	vunpack.i.u.bf16.f32 v4;
	[tilespmem:s25+$0x140] =	vst v5  }
0x296: {  	[tilespmem:s25+$0x1C0] =	vst v4;
	v5 =	vunpack.i.l.bf16.f32 v3  }
0x297: {  	v3 =	vunpack.i.u.bf16.f32 v3;
	[tilespmem:s25+$0x150] =	vst v5  }
0x298: {  	[tilespmem:s25+$0x1D0] =	vst v3;
	v1 =	vunpack.i.l.bf16.f32 v0  }
0x299: {  	v0 =	vunpack.i.u.bf16.f32 v0;
	[tilespmem:s25+$0x160] =	vst v1  }
0x29a: {  	s31 =	sadd.s32 $0x800, s24;
	[tilespmem:s25+$0x1E0] =	vst v0  }
0x29b: {  	[hbm4b:s31+s3] =	stream.linear.scatter [tilespmem:s17], [sflag:$0x2], $0x2000, $0x38;
	[tilespmem:$0x1E420] =	vst v63  }
0x29c: {  	_ =	swait.ge [sflag:s20], $0x2000  }
0x29d: {  	[sflag:s20] =	ssyncset.done $0x0  }
0x29e: {  	[sflag:s20] =	ssyncadd.s32 $0xFFFFE000  }
0x29f: {  	v5 =	vld [tilespmem:s23+$0x0];
	_ =	sdelay $0x1  }
0x2a0: {  	v6 =	vld [tilespmem:s23+$0xFFFFFFA0];
	_ =	sdelay $0x1  }
0x2a1: {  	v4 =	vld [tilespmem:s23+$0xFFFFFFB0];
	_ =	sdelay $0x1  }
0x2a2: {  	v2 =	vld [tilespmem:s23+$0xFFFFFFC0]  }
0x2a3: {  	v7 =	vld [tilespmem:s23+$0xFFFFFF90]  }
0x2a4: {  	v1 =	vld.idx.msk [tilespmem:v5+s3+$0x0], $0xffff;
	_ =	sdelay $0x1  }
0x2a5: {  	v8 =	vld.idx.msk [tilespmem:v6+s3+$0x0], $0xffff  }
0x2a6: {  	v3 =	vld [tilespmem:s23+$0xFFFFFFD0]  }
0x2a7: {  	v9 =	vld.idx.msk [tilespmem:v4+s3+$0x0], $0xffff  }
0x2a8: {  	s25 =	simm.s32 $0x1C810;
	v0 =	vld [tilespmem:s23+$0xFFFFFFE0];
	v10 =	vunpack.i.l.bf16.f32 v1  }
0x2a9: {  	v11 =	vld.idx.msk [tilespmem:v2+s3+$0x0], $0xffff;
	v1 =	vunpack.i.u.bf16.f32 v1;
	[tilespmem:s25+$0xFFFFFC80] =	vst v10  }
0x2aa: {  	v12 =	vunpack.i.l.bf16.f32 v8;
	v10 =	vld.idx.msk [tilespmem:v7+s3+$0x0], $0xffff;
	[tilespmem:s25+$0xFFFFFD00] =	vst v1  }
0x2ab: {  	v8 =	vunpack.i.u.bf16.f32 v8;
	v1 =	vld [tilespmem:s23+$0xFFFFFFF0];
	[tilespmem:s25+$0xFFFFFC20] =	vst v12  }
0x2ac: {  	v12 =	vunpack.i.l.bf16.f32 v9;
	[tilespmem:s25+$0xFFFFFCA0] =	vst v8  }
0x2ad: {  	v8 =	vunpack.i.u.bf16.f32 v9;
	v13 =	vld.idx.msk [tilespmem:v5+s12+$0x0], $0xffff;
	[tilespmem:s25+$0xFFFFFC30] =	vst v12  }
0x2ae: {  	v9 =	vunpack.i.l.bf16.f32 v11;
	[tilespmem:s25+$0xFFFFFCB0] =	vst v8  }
0x2af: {  	v11 =	vunpack.i.u.bf16.f32 v11;
	v8 =	vld.idx.msk [tilespmem:v3+s3+$0x0], $0xffff;
	[tilespmem:s25+$0xFFFFFC40] =	vst v9  }
0x2b0: {  	[tilespmem:s25+$0xFFFFFCC0] =	vst v11;
	v12 =	vunpack.i.l.bf16.f32 v10  }
0x2b1: {  	v9 =	vunpack.i.u.bf16.f32 v10;
	v10 =	vld.idx.msk [tilespmem:v0+s3+$0x0], $0xffff;
	[tilespmem:s25+$0xFFFFFC10] =	vst v12  }
0x2b2: {  	[tilespmem:s25+$0xFFFFFC90] =	vst v9;
	v9 =	vunpack.i.l.bf16.f32 v13  }
0x2b3: {  	v12 =	vunpack.i.u.bf16.f32 v13;
	[tilespmem:s25+$0xFFFFFD80] =	vst v9;
	v9 =	vld.idx.msk [tilespmem:v1+s3+$0x0], $0xffff  }
0x2b4: {  	[tilespmem:s25+$0xFFFFFE00] =	vst v12;
	v12 =	vunpack.i.l.bf16.f32 v8  }
0x2b5: {  	v8 =	vunpack.i.u.bf16.f32 v8;
	v11 =	vld.idx.msk [tilespmem:v5+s13+$0x0], $0xffff;
	[tilespmem:s25+$0xFFFFFC50] =	vst v12  }
0x2b6: {  	[tilespmem:s25+$0xFFFFFCD0] =	vst v8;
	v12 =	vunpack.i.l.bf16.f32 v10  }
0x2b7: {  	v8 =	vunpack.i.u.bf16.f32 v10;
	v10 =	vld.idx.msk [tilespmem:v7+s12+$0x0], $0xffff;
	[tilespmem:s25+$0xFFFFFC60] =	vst v12  }
0x2b8: {  	[tilespmem:s25+$0xFFFFFCE0] =	vst v8;
	v12 =	vunpack.i.l.bf16.f32 v9  }
0x2b9: {  	v8 =	vld.idx.msk [tilespmem:v6+s12+$0x0], $0xffff;
	v9 =	vunpack.i.u.bf16.f32 v9;
	[tilespmem:s25+$0xFFFFFC70] =	vst v12  }
0x2ba: {  	[tilespmem:s25+$0xFFFFFCF0] =	vst v9;
	v9 =	vunpack.i.l.bf16.f32 v11  }
0x2bb: {  	v12 =	vld.idx.msk [tilespmem:v4+s12+$0x0], $0xffff;
	v11 =	vunpack.i.u.bf16.f32 v11;
	[tilespmem:s25+$0xFFFFFE80] =	vst v9  }
0x2bc: {  	v9 =	vunpack.i.l.bf16.f32 v10;
	[tilespmem:s25+$0xFFFFFF00] =	vst v11  }
0x2bd: {  	v11 =	vld.idx.msk [tilespmem:v2+s12+$0x0], $0xffff;
	v10 =	vunpack.i.u.bf16.f32 v10;
	[tilespmem:s25+$0xFFFFFD10] =	vst v9  }
0x2be: {  	v9 =	vunpack.i.l.bf16.f32 v8;
	v13 =	vld.idx.msk [tilespmem:v5+s14+$0x0], $0xffff;
	[tilespmem:s25+$0xFFFFFD90] =	vst v10  }
0x2bf: {  	v5 =	vunpack.i.u.bf16.f32 v8;
	[tilespmem:s25+$0xFFFFFD20] =	vst v9  }
0x2c0: {  	v9 =	vld.idx.msk [tilespmem:v3+s12+$0x0], $0xffff;
	[tilespmem:s25+$0xFFFFFDA0] =	vst v5;
	v8 =	vunpack.i.l.bf16.f32 v12  }
0x2c1: {  	v5 =	vunpack.i.u.bf16.f32 v12;
	[tilespmem:s25+$0xFFFFFD30] =	vst v8  }
0x2c2: {  	v8 =	vld.idx.msk [tilespmem:v0+s12+$0x0], $0xffff;
	v10 =	vunpack.i.l.bf16.f32 v11;
	[tilespmem:s25+$0xFFFFFDB0] =	vst v5  }
0x2c3: {  	[tilespmem:s25+$0xFFFFFD40] =	vst v10;
	v5 =	vunpack.i.u.bf16.f32 v13  }
0x2c4: {  	v10 =	vunpack.i.u.bf16.f32 v11;
	v11 =	vld.idx.msk [tilespmem:v1+s12+$0x0], $0xffff;
	[tilespmem:s25+$0x0] =	vst v5  }
0x2c5: {  	v5 =	vunpack.i.l.bf16.f32 v9;
	[tilespmem:s25+$0xFFFFFDC0] =	vst v10  }
0x2c6: {  	v9 =	vunpack.i.u.bf16.f32 v9;
	v10 =	vld.idx.msk [tilespmem:v7+s13+$0x0], $0xffff;
	[tilespmem:s25+$0xFFFFFD50] =	vst v5  }
0x2c7: {  	[tilespmem:s25+$0xFFFFFDD0] =	vst v9;
	v5 =	vunpack.i.l.bf16.f32 v8  }
0x2c8: {  	v9 =	vld.idx.msk [tilespmem:v6+s13+$0x0], $0xffff;
	v8 =	vunpack.i.u.bf16.f32 v8;
	[tilespmem:s25+$0xFFFFFD60] =	vst v5  }
0x2c9: {  	v5 =	vunpack.i.l.bf16.f32 v11;
	[tilespmem:s25+$0xFFFFFDE0] =	vst v8  }
0x2ca: {  	v8 =	vunpack.i.u.bf16.f32 v11;
	v11 =	vld.idx.msk [tilespmem:v4+s13+$0x0], $0xffff;
	[tilespmem:s25+$0xFFFFFD70] =	vst v5  }
0x2cb: {  	v5 =	vunpack.i.l.bf16.f32 v10;
	[tilespmem:s25+$0xFFFFFDF0] =	vst v8  }
0x2cc: {  	v8 =	vunpack.i.u.bf16.f32 v10;
	v10 =	vld.idx.msk [tilespmem:v2+s13+$0x0], $0xffff;
	[tilespmem:s25+$0xFFFFFE10] =	vst v5  }
0x2cd: {  	v5 =	vunpack.i.l.bf16.f32 v9;
	[tilespmem:s25+$0xFFFFFE90] =	vst v8  }
0x2ce: {  	v8 =	vunpack.i.u.bf16.f32 v9;
	v9 =	vld.idx.msk [tilespmem:v3+s13+$0x0], $0xffff;
	[tilespmem:s25+$0xFFFFFE20] =	vst v5  }
0x2cf: {  	[tilespmem:s25+$0xFFFFFEA0] =	vst v8;
	v5 =	vunpack.i.l.bf16.f32 v11  }
0x2d0: {  	v8 =	vunpack.i.u.bf16.f32 v11;
	v11 =	vld.idx.msk [tilespmem:v0+s13+$0x0], $0xffff;
	[tilespmem:s25+$0xFFFFFE30] =	vst v5  }
0x2d1: {  	v5 =	vunpack.i.l.bf16.f32 v10;
	[tilespmem:s25+$0xFFFFFEB0] =	vst v8  }
0x2d2: {  	v8 =	vunpack.i.u.bf16.f32 v10;
	[tilespmem:s25+$0xFFFFFE40] =	vst v5  }
0x2d3: {  	v10 =	vld.idx.msk [tilespmem:v1+s13+$0x0], $0xffff;
	v5 =	vunpack.i.l.bf16.f32 v9;
	[tilespmem:s25+$0xFFFFFEC0] =	vst v8  }
0x2d4: {  	v8 =	vunpack.i.u.bf16.f32 v9;
	[tilespmem:s25+$0xFFFFFE50] =	vst v5  }
0x2d5: {  	v7 =	vld.idx.msk [tilespmem:v7+s14+$0x0], $0xffff;
	[tilespmem:s25+$0xFFFFFED0] =	vst v8;
	v5 =	vunpack.i.l.bf16.f32 v11  }
0x2d6: {  	v8 =	vunpack.i.u.bf16.f32 v11;
	[tilespmem:s25+$0xFFFFFE60] =	vst v5  }
0x2d7: {  	s28 =	sadd.s32 $0x80, s23;
	v6 =	vld.idx.msk [tilespmem:v6+s14+$0x0], $0xffff;
	v11 =	vunpack.i.l.bf16.f32 v13;
	[tilespmem:s25+$0xFFFFFEE0] =	vst v8  }
0x2d8: {  	v9 =	vld [tilespmem:s28+$0x0];
	v5 =	vunpack.i.l.bf16.f32 v10;
	[tilespmem:s25+$0xFFFFFF80] =	vst v11  }
0x2d9: {  	v8 =	vld.idx.msk [tilespmem:v4+s14+$0x0], $0xffff;
	v4 =	vunpack.i.u.bf16.f32 v10;
	[tilespmem:s25+$0xFFFFFE70] =	vst v5  }
0x2da: {  	v5 =	vunpack.i.l.bf16.f32 v7;
	[tilespmem:s25+$0xFFFFFEF0] =	vst v4;
	v4 =	vunpack.i.u.bf16.f32 v7;
	v7 =	vld.idx.msk [tilespmem:v2+s14+$0x0], $0xffff  }
0x2db: {  	v2 =	vld [tilespmem:s28+$0xFFFFFFA0];
	[tilespmem:s25+$0xFFFFFF10] =	vst v5  }
0x2dc: {  	v10 =	vld.idx.msk [tilespmem:v3+s14+$0x0], $0xffff;
	v5 =	vunpack.i.l.bf16.f32 v6;
	[tilespmem:s25+$0xFFFFFF90] =	vst v4  }
0x2dd: {  	v6 =	vunpack.i.u.bf16.f32 v6;
	v4 =	vld [tilespmem:s28+$0xFFFFFFB0];
	[tilespmem:s25+$0xFFFFFF20] =	vst v5  }
0x2de: {  	v0 =	vld.idx.msk [tilespmem:v0+s14+$0x0], $0xffff;
	[tilespmem:s25+$0xFFFFFFA0] =	vst v6;
	v3 =	vunpack.i.l.bf16.f32 v8  }
0x2df: {  	v5 =	vunpack.i.u.bf16.f32 v8;
	[tilespmem:s25+$0xFFFFFF30] =	vst v3;
	v3 =	vld [tilespmem:s28+$0xFFFFFFC0]  }
0x2e0: {  	v6 =	vunpack.i.l.bf16.f32 v7;
	[tilespmem:s25+$0xFFFFFFB0] =	vst v5;
	v5 =	vunpack.i.u.bf16.f32 v7;
	v7 =	vld [tilespmem:s28+$0xFFFFFF90]  }
0x2e1: {  	v8 =	vld.idx.msk [tilespmem:v9+s3+$0x0], $0xffff;
	[tilespmem:s25+$0xFFFFFF40] =	vst v6  }
0x2e2: {  	v6 =	vunpack.i.l.bf16.f32 v10;
	[tilespmem:s25+$0xFFFFFFC0] =	vst v5  }
0x2e3: {  	v5 =	vunpack.i.u.bf16.f32 v10;
	[tilespmem:s25+$0xFFFFFF50] =	vst v6;
	v10 =	vld.idx.msk [tilespmem:v2+s3+$0x0], $0xffff  }
0x2e4: {  	v6 =	vunpack.i.l.bf16.f32 v0;
	[tilespmem:s25+$0xFFFFFFD0] =	vst v5;
	v5 =	vld [tilespmem:s28+$0xFFFFFFD0]  }
0x2e5: {  	v0 =	vunpack.i.u.bf16.f32 v0;
	[tilespmem:s25+$0xFFFFFF60] =	vst v6;
	v12 =	vld.idx.msk [tilespmem:v4+s3+$0x0], $0xffff  }
0x2e6: {  	s23 =	simm.s32 $0x1CC10;
	[tilespmem:s25+$0xFFFFFFE0] =	vst v0;
	v6 =	vld [tilespmem:s28+$0xFFFFFFE0];
	v0 =	vunpack.i.l.bf16.f32 v8  }
0x2e7: {  	v8 =	vunpack.i.u.bf16.f32 v8;
	[tilespmem:s23+$0xFFFFFC80] =	vst v0;
	v11 =	vld.idx.msk [tilespmem:v3+s3+$0x0], $0xffff  }
0x2e8: {  	[tilespmem:s23+$0xFFFFFD00] =	vst v8;
	v13 =	vld.idx.msk [tilespmem:v7+s3+$0x0], $0xffff;
	v14 =	vunpack.i.l.bf16.f32 v10  }
0x2e9: {  	v0 =	vld [tilespmem:s28+$0xFFFFFFF0];
	v8 =	vunpack.i.u.bf16.f32 v10;
	[tilespmem:s23+$0xFFFFFC20] =	vst v14  }
0x2ea: {  	v10 =	vunpack.i.l.bf16.f32 v12;
	[tilespmem:s23+$0xFFFFFCA0] =	vst v8  }
0x2eb: {  	v14 =	vld.idx.msk [tilespmem:v9+s12+$0x0], $0xffff;
	v8 =	vunpack.i.u.bf16.f32 v12;
	[tilespmem:s23+$0xFFFFFC30] =	vst v10  }
0x2ec: {  	[tilespmem:s23+$0xFFFFFCB0] =	vst v8;
	v10 =	vunpack.i.l.bf16.f32 v11  }
0x2ed: {  	v8 =	vld.idx.msk [tilespmem:v5+s3+$0x0], $0xffff;
	v12 =	vunpack.i.l.bf16.f32 v13;
	[tilespmem:s23+$0xFFFFFC40] =	vst v10  }
0x2ee: {  	v11 =	vunpack.i.u.bf16.f32 v11;
	[tilespmem:s23+$0xFFFFFC10] =	vst v12  }
0x2ef: {  	v10 =	vunpack.i.u.bf16.f32 v13;
	v12 =	vld.idx.msk [tilespmem:v6+s3+$0x0], $0xffff;
	[tilespmem:s23+$0xFFFFFCC0] =	vst v11  }
0x2f0: {  	[tilespmem:s23+$0xFFFFFC90] =	vst v10;
	v10 =	vunpack.i.l.bf16.f32 v14  }
0x2f1: {  	v13 =	vunpack.i.u.bf16.f32 v14;
	[tilespmem:s23+$0xFFFFFD80] =	vst v10;
	v10 =	vld.idx.msk [tilespmem:v0+s3+$0x0], $0xffff  }
0x2f2: {  	[tilespmem:s23+$0xFFFFFE00] =	vst v13;
	v13 =	vunpack.i.l.bf16.f32 v8  }
0x2f3: {  	v8 =	vunpack.i.u.bf16.f32 v8;
	[tilespmem:s23+$0xFFFFFC50] =	vst v13;
	v11 =	vld.idx.msk [tilespmem:v9+s13+$0x0], $0xffff  }
0x2f4: {  	[tilespmem:s23+$0xFFFFFCD0] =	vst v8;
	v13 =	vunpack.i.l.bf16.f32 v12  }
0x2f5: {  	v8 =	vunpack.i.u.bf16.f32 v12;
	v12 =	vld.idx.msk [tilespmem:v7+s12+$0x0], $0xffff;
	[tilespmem:s23+$0xFFFFFC60] =	vst v13  }
0x2f6: {  	[tilespmem:s23+$0xFFFFFCE0] =	vst v8;
	v13 =	vunpack.i.l.bf16.f32 v10  }
0x2f7: {  	v8 =	vld.idx.msk [tilespmem:v2+s12+$0x0], $0xffff;
	v10 =	vunpack.i.u.bf16.f32 v10;
	[tilespmem:s23+$0xFFFFFC70] =	vst v13  }
0x2f8: {  	[tilespmem:s23+$0xFFFFFCF0] =	vst v10;
	v10 =	vunpack.i.l.bf16.f32 v11  }
0x2f9: {  	v13 =	vld.idx.msk [tilespmem:v4+s12+$0x0], $0xffff;
	v11 =	vunpack.i.u.bf16.f32 v11;
	[tilespmem:s23+$0xFFFFFE80] =	vst v10  }
0x2fa: {  	[tilespmem:s23+$0xFFFFFF00] =	vst v11;
	v10 =	vunpack.i.l.bf16.f32 v12  }
0x2fb: {  	v11 =	vld.idx.msk [tilespmem:v3+s12+$0x0], $0xffff;
	v12 =	vunpack.i.u.bf16.f32 v12;
	[tilespmem:s23+$0xFFFFFD10] =	vst v10  }
0x2fc: {  	v10 =	vunpack.i.l.bf16.f32 v8;
	[tilespmem:s23+$0xFFFFFD90] =	vst v12  }
0x2fd: {  	v9 =	vld.idx.msk [tilespmem:v9+s14+$0x0], $0xffff;
	v8 =	vunpack.i.u.bf16.f32 v8;
	[tilespmem:s23+$0xFFFFFD20] =	vst v10  }
0x2fe: {  	v12 =	vld.idx.msk [tilespmem:v5+s12+$0x0], $0xffff;
	[tilespmem:s23+$0xFFFFFDA0] =	vst v8;
	v10 =	vunpack.i.l.bf16.f32 v13  }
0x2ff: {  	v8 =	vunpack.i.u.bf16.f32 v13;
	[tilespmem:s23+$0xFFFFFD30] =	vst v10  }
0x300: {  	v10 =	vld.idx.msk [tilespmem:v6+s12+$0x0], $0xffff;
	v13 =	vunpack.i.l.bf16.f32 v11;
	[tilespmem:s23+$0xFFFFFDB0] =	vst v8  }
0x301: {  	v11 =	vunpack.i.u.bf16.f32 v11;
	[tilespmem:s23+$0xFFFFFD40] =	vst v13  }
0x302: {  	v8 =	vunpack.i.u.bf16.f32 v9;
	v13 =	vld.idx.msk [tilespmem:v0+s12+$0x0], $0xffff;
	[tilespmem:s23+$0xFFFFFDC0] =	vst v11  }
0x303: {  	[tilespmem:s23+$0x0] =	vst v8;
	v8 =	vunpack.i.l.bf16.f32 v12  }
0x304: {  	v11 =	vunpack.i.u.bf16.f32 v12;
	v12 =	vld.idx.msk [tilespmem:v7+s13+$0x0], $0xffff;
	[tilespmem:s23+$0xFFFFFD50] =	vst v8  }
0x305: {  	[tilespmem:s23+$0xFFFFFDD0] =	vst v11;
	v8 =	vunpack.i.l.bf16.f32 v10  }
0x306: {  	v11 =	vld.idx.msk [tilespmem:v2+s13+$0x0], $0xffff;
	v10 =	vunpack.i.u.bf16.f32 v10;
	[tilespmem:s23+$0xFFFFFD60] =	vst v8  }
0x307: {  	v8 =	vunpack.i.l.bf16.f32 v13;
	[tilespmem:s23+$0xFFFFFDE0] =	vst v10  }
0x308: {  	v10 =	vunpack.i.u.bf16.f32 v13;
	v13 =	vld.idx.msk [tilespmem:v4+s13+$0x0], $0xffff;
	[tilespmem:s23+$0xFFFFFD70] =	vst v8  }
0x309: {  	v8 =	vunpack.i.l.bf16.f32 v12;
	[tilespmem:s23+$0xFFFFFDF0] =	vst v10  }
0x30a: {  	v10 =	vunpack.i.u.bf16.f32 v12;
	v12 =	vld.idx.msk [tilespmem:v3+s13+$0x0], $0xffff;
	[tilespmem:s23+$0xFFFFFE10] =	vst v8  }
0x30b: {  	v8 =	vunpack.i.l.bf16.f32 v11;
	[tilespmem:s23+$0xFFFFFE90] =	vst v10  }
0x30c: {  	v10 =	vunpack.i.u.bf16.f32 v11;
	v11 =	vld.idx.msk [tilespmem:v5+s13+$0x0], $0xffff;
	[tilespmem:s23+$0xFFFFFE20] =	vst v8  }
0x30d: {  	v8 =	vld.idx.msk [tilespmem:v1+s14+$0x0], $0xffff;
	[tilespmem:s23+$0xFFFFFEA0] =	vst v10;
	v1 =	vunpack.i.l.bf16.f32 v13  }
0x30e: {  	v14 =	vld.idx.msk [tilespmem:v0+s13+$0x0], $0xffff;
	v10 =	vunpack.i.u.bf16.f32 v13;
	[tilespmem:s23+$0xFFFFFE30] =	vst v1  }
0x30f: {  	v13 =	vld.idx.msk [tilespmem:v6+s13+$0x0], $0xffff;
	v1 =	vunpack.i.l.bf16.f32 v12;
	[tilespmem:s23+$0xFFFFFEB0] =	vst v10  }
0x310: {  	v15 =	vld.idx.msk [tilespmem:v7+s14+$0x0], $0xffff;
	v10 =	vunpack.i.u.bf16.f32 v12;
	[tilespmem:s23+$0xFFFFFE40] =	vst v1  }
0x311: {  	v16 =	vld.idx.msk [tilespmem:v2+s14+$0x0], $0xffff;
	v1 =	vunpack.i.l.bf16.f32 v11;
	[tilespmem:s23+$0xFFFFFEC0] =	vst v10  }
0x312: {  	v2 =	vunpack.i.u.bf16.f32 v11;
	v10 =	vld.idx.msk [tilespmem:v4+s14+$0x0], $0xffff;
	[tilespmem:s23+$0xFFFFFE50] =	vst v1  }
0x313: {  	v17 =	vunpack.i.u.bf16.f32 v14;
	[tilespmem:s23+$0xFFFFFED0] =	vst v2;
	v7 =	vld.idx.msk [tilespmem:v3+s14+$0x0], $0xffff  }
0x314: {  	v1 =	vunpack.i.u.bf16.f32 v8;
	v2 =	vunpack.i.l.bf16.f32 v8;
	[tilespmem:s23+$0xFFFFFEF0] =	vst v17;
	v4 =	vunpack.i.l.bf16.f32 v13  }
0x315: {  	v8 =	vunpack.i.l.bf16.f32 v9;
	v12 =	vunpack.i.u.bf16.f32 v15;
	v11 =	vunpack.i.u.bf16.f32 v13;
	[tilespmem:s23+$0xFFFFFE60] =	vst v4;
	v4 =	vld.idx.msk [tilespmem:v5+s14+$0x0], $0xffff  }
0x316: {  	v9 =	vunpack.i.u.bf16.f32 v16;
	v13 =	vunpack.i.l.bf16.f32 v14;
	v14 =	vunpack.i.l.bf16.f32 v15;
	[tilespmem:s23+$0xFFFFFEE0] =	vst v11  }
0x317: {  	s26 =	simm.s32 $0x8;
	s28 =	sadd.s32 $0x80, s28;
	[tilespmem:s23+$0xFFFFFE70] =	vst v13;
	v5 =	vunpack.i.l.bf16.f32 v16;
	v11 =	vunpack.i.u.bf16.f32 v10;
	v13 =	vunpack.i.l.bf16.f32 v10;
	v3 =	vld.idx.msk [tilespmem:v6+s14+$0x0], $0xffff  }
.LBB2_12:
0x318: {  	v10 =	vld [tilespmem:s28+$0x0];
	[tilespmem:s23+$0xFFFFFF10] =	vst v14;
	v14 =	vunpack.i.u.bf16.f32 v7;
	v15 =	vunpack.i.l.bf16.f32 v7  }
0x319: {  	v7 =	vld [tilespmem:s28+$0xFFFFFFA0];
	[tilespmem:s23+$0xFFFFFF90] =	vst v12  }
0x31a: {  	v12 =	vunpack.i.u.bf16.f32 v4;
	v16 =	vunpack.i.l.bf16.f32 v4;
	v6 =	vld [tilespmem:s28+$0xFFFFFFB0];
	[tilespmem:s23+$0xFFFFFF20] =	vst v5  }
0x31b: {  	s26 =	sadd.s32 $0x8, s26;
	v5 =	vld [tilespmem:s28+$0xFFFFFFC0];
	[tilespmem:s23+$0xFFFFFFA0] =	vst v9  }
0x31c: {  	p1 =	slt.u32 s26, $0x38;
	v17 =	vunpack.i.l.bf16.f32 v3;
	v4 =	vld [tilespmem:s28+$0xFFFFFFD0];
	[tilespmem:s23+$0xFFFFFF30] =	vst v13;
	v13 =	vunpack.i.u.bf16.f32 v3  }
0x31d: {  	v3 =	vld [tilespmem:s28+$0xFFFFFFE0];
	[tilespmem:s23+$0xFFFFFFB0] =	vst v11  }
0x31e: {  	v11 =	vld [tilespmem:s28+$0xFFFFFFF0];
	[tilespmem:s23+$0xFFFFFF40] =	vst v15  }
0x31f: {  	v9 =	vld [tilespmem:s28+$0xFFFFFF90];
	[tilespmem:s23+$0xFFFFFFC0] =	vst v14  }
0x320: {  	v14 =	vld.idx.msk [tilespmem:v10+s3+$0x0], $0xffff;
	[tilespmem:s23+$0xFFFFFF50] =	vst v16  }
0x321: {  	v15 =	vld.idx.msk [tilespmem:v7+s3+$0x0], $0xffff;
	[tilespmem:s23+$0xFFFFFFD0] =	vst v12  }
0x322: {  	v12 =	vld.idx.msk [tilespmem:v6+s3+$0x0], $0xffff;
	[tilespmem:s23+$0xFFFFFF60] =	vst v17  }
0x323: {  	v16 =	vld.idx.msk [tilespmem:v5+s3+$0x0], $0xffff;
	[tilespmem:s23+$0xFFFFFFE0] =	vst v13  }
0x324: {  	v13 =	vld.idx.msk [tilespmem:v4+s3+$0x0], $0xffff;
	[tilespmem:s25+$0xFFFFFF70] =	vst v2  }
0x325: {  	v2 =	vld.idx.msk [tilespmem:v3+s3+$0x0], $0xffff;
	[tilespmem:s25+$0xFFFFFFF0] =	vst v1;
	s25 =	smov.u32 s23  }
0x326: {  	v17 =	vunpack.i.l.bf16.f32 v14;
	s23 =	sadd.s32 $0x400, s23;
	v1 =	vld.idx.msk [tilespmem:v11+s3+$0x0], $0xffff;
	[tilespmem:s25+$0xFFFFFF80] =	vst v8  }
0x327: {  	v14 =	vunpack.i.u.bf16.f32 v14;
	v18 =	vunpack.i.u.bf16.f32 v15;
	v15 =	vunpack.i.l.bf16.f32 v15;
	v8 =	vld.idx.msk [tilespmem:v9+s3+$0x0], $0xffff;
	[tilespmem:s23+$0xFFFFFC80] =	vst v17  }
0x328: {  	v17 =	vunpack.i.u.bf16.f32 v12;
	v12 =	vunpack.i.l.bf16.f32 v12;
	[tilespmem:s23+$0xFFFFFD00] =	vst v14;
	v14 =	vld.idx.msk [tilespmem:v0+s14+$0x0], $0xffff;
	v0 =	vmov v11  }
0x329: {  	v11 =	vunpack.i.u.bf16.f32 v16;
	[tilespmem:s23+$0xFFFFFC20] =	vst v15;
	v15 =	vunpack.i.l.bf16.f32 v16;
	v16 =	vld.idx.msk [tilespmem:v10+s12+$0x0], $0xffff  }
0x32a: {  	[tilespmem:s23+$0xFFFFFCA0] =	vst v18;
	v18 =	vunpack.i.u.bf16.f32 v13;
	v13 =	vunpack.i.l.bf16.f32 v13  }
0x32b: {  	v20 =	vunpack.i.l.bf16.f32 v2;
	v19 =	vld.idx.msk [tilespmem:v7+s12+$0x0], $0xffff;
	[tilespmem:s23+$0xFFFFFC30] =	vst v12;
	v12 =	vunpack.i.u.bf16.f32 v2  }
0x32c: {  	v21 =	vunpack.i.l.bf16.f32 v1;
	[tilespmem:s23+$0xFFFFFCB0] =	vst v17;
	v17 =	vunpack.i.u.bf16.f32 v1  }
0x32d: {  	v22 =	vunpack.i.u.bf16.f32 v8;
	v1 =	vunpack.i.l.bf16.f32 v8;
	v8 =	vld.idx.msk [tilespmem:v6+s12+$0x0], $0xffff;
	[tilespmem:s23+$0xFFFFFC40] =	vst v15  }
0x32e: {  	v2 =	vunpack.i.l.bf16.f32 v14;
	[tilespmem:s23+$0xFFFFFC10] =	vst v1;
	v1 =	vunpack.i.u.bf16.f32 v14  }
0x32f: {  	v14 =	vunpack.i.l.bf16.f32 v16;
	[tilespmem:s23+$0xFFFFFC90] =	vst v22  }
0x330: {  	v16 =	vunpack.i.u.bf16.f32 v16;
	v15 =	vld.idx.msk [tilespmem:v9+s12+$0x0], $0xffff;
	[tilespmem:s23+$0xFFFFFD80] =	vst v14  }
0x331: {  	v14 =	vunpack.i.u.bf16.f32 v19;
	v19 =	vunpack.i.l.bf16.f32 v19;
	[tilespmem:s23+$0xFFFFFE00] =	vst v16  }
0x332: {  	[tilespmem:s23+$0xFFFFFCC0] =	vst v11;
	v11 =	vld.idx.msk [tilespmem:v10+s13+$0x0], $0xffff  }
0x333: {  	v16 =	vunpack.i.u.bf16.f32 v8;
	v8 =	vunpack.i.l.bf16.f32 v8;
	v22 =	vld.idx.msk [tilespmem:v5+s12+$0x0], $0xffff;
	[tilespmem:s23+$0xFFFFFC50] =	vst v13  }
0x334: {  	[tilespmem:s23+$0xFFFFFCD0] =	vst v18  }
0x335: {  	v13 =	vld.idx.msk [tilespmem:v4+s12+$0x0], $0xffff;
	[tilespmem:s23+$0xFFFFFC60] =	vst v20  }
0x336: {  	v18 =	vunpack.i.u.bf16.f32 v15;
	v15 =	vunpack.i.l.bf16.f32 v15;
	[tilespmem:s23+$0xFFFFFCE0] =	vst v12  }
0x337: {  	v12 =	vld.idx.msk [tilespmem:v3+s12+$0x0], $0xffff;
	[tilespmem:s23+$0xFFFFFC70] =	vst v21  }
0x338: {  	[tilespmem:s23+$0xFFFFFCF0] =	vst v17;
	v17 =	vunpack.i.l.bf16.f32 v11  }
0x339: {  	v20 =	vunpack.i.u.bf16.f32 v22;
	v21 =	vunpack.i.l.bf16.f32 v22;
	v11 =	vunpack.i.u.bf16.f32 v11;
	v22 =	vld.idx.msk [tilespmem:v0+s12+$0x0], $0xffff;
	[tilespmem:s23+$0xFFFFFE80] =	vst v17  }
0x33a: {  	[tilespmem:s23+$0xFFFFFF00] =	vst v11  }
0x33b: {  	v11 =	vunpack.i.u.bf16.f32 v13;
	v13 =	vunpack.i.l.bf16.f32 v13;
	[tilespmem:s23+$0xFFFFFD10] =	vst v15;
	v10 =	vld.idx.msk [tilespmem:v10+s14+$0x0], $0xffff  }
0x33c: {  	[tilespmem:s23+$0xFFFFFD90] =	vst v18  }
0x33d: {  	v17 =	vunpack.i.u.bf16.f32 v12;
	v12 =	vunpack.i.l.bf16.f32 v12;
	v15 =	vld.idx.msk [tilespmem:v9+s13+$0x0], $0xffff;
	[tilespmem:s23+$0xFFFFFD20] =	vst v19  }
0x33e: {  	[tilespmem:s23+$0xFFFFFDA0] =	vst v14  }
0x33f: {  	v18 =	vunpack.i.u.bf16.f32 v22;
	v19 =	vunpack.i.l.bf16.f32 v22;
	v14 =	vld.idx.msk [tilespmem:v7+s13+$0x0], $0xffff;
	[tilespmem:s23+$0xFFFFFD30] =	vst v8  }
0x340: {  	[tilespmem:s23+$0xFFFFFDB0] =	vst v16  }
0x341: {  	v8 =	vunpack.i.l.bf16.f32 v10;
	v16 =	vld.idx.msk [tilespmem:v6+s13+$0x0], $0xffff;
	[tilespmem:s23+$0xFFFFFD40] =	vst v21;
	v21 =	vunpack.i.u.bf16.f32 v10  }
0x342: {  	[tilespmem:s23+$0x0] =	vst v21  }
0x343: {  	v10 =	vunpack.i.u.bf16.f32 v15;
	v15 =	vunpack.i.l.bf16.f32 v15;
	[tilespmem:s23+$0xFFFFFDC0] =	vst v20  }
0x344: {  	v20 =	vld.idx.msk [tilespmem:v5+s13+$0x0], $0xffff;
	[tilespmem:s23+$0xFFFFFD50] =	vst v13  }
0x345: {  	v13 =	vunpack.i.u.bf16.f32 v14;
	v14 =	vunpack.i.l.bf16.f32 v14;
	[tilespmem:s23+$0xFFFFFDD0] =	vst v11  }
0x346: {  	v11 =	vld.idx.msk [tilespmem:v4+s13+$0x0], $0xffff;
	[tilespmem:s23+$0xFFFFFD60] =	vst v12  }
0x347: {  	v12 =	vunpack.i.u.bf16.f32 v16;
	v16 =	vunpack.i.l.bf16.f32 v16;
	[tilespmem:s23+$0xFFFFFDE0] =	vst v17  }
0x348: {  	v17 =	vld.idx.msk [tilespmem:v3+s13+$0x0], $0xffff;
	[tilespmem:s23+$0xFFFFFD70] =	vst v19  }
0x349: {  	[tilespmem:s23+$0xFFFFFDF0] =	vst v18  }
0x34a: {  	v18 =	vunpack.i.l.bf16.f32 v20;
	[tilespmem:s23+$0xFFFFFE10] =	vst v15;
	v15 =	vunpack.i.u.bf16.f32 v20;
	v19 =	vld.idx.msk [tilespmem:v0+s13+$0x0], $0xffff  }
0x34b: {  	[tilespmem:s23+$0xFFFFFE90] =	vst v10  }
0x34c: {  	v10 =	vunpack.i.u.bf16.f32 v11;
	v11 =	vunpack.i.l.bf16.f32 v11;
	v9 =	vld.idx.msk [tilespmem:v9+s14+$0x0], $0xffff;
	[tilespmem:s23+$0xFFFFFE20] =	vst v14  }
0x34d: {  	[tilespmem:s23+$0xFFFFFEA0] =	vst v13  }
0x34e: {  	v13 =	vld.idx.msk [tilespmem:v7+s14+$0x0], $0xffff;
	[tilespmem:s23+$0xFFFFFE30] =	vst v16;
	v16 =	vunpack.i.u.bf16.f32 v17;
	v17 =	vunpack.i.l.bf16.f32 v17  }
0x34f: {  	[tilespmem:s23+$0xFFFFFEB0] =	vst v12  }
0x350: {  	v6 =	vld.idx.msk [tilespmem:v6+s14+$0x0], $0xffff;
	[tilespmem:s23+$0xFFFFFE40] =	vst v18;
	v18 =	vunpack.i.u.bf16.f32 v19;
	v19 =	vunpack.i.l.bf16.f32 v19  }
0x351: {  	[tilespmem:s23+$0xFFFFFEC0] =	vst v15  }
0x352: {  	v12 =	vunpack.i.u.bf16.f32 v9;
	v14 =	vunpack.i.l.bf16.f32 v9;
	v7 =	vld.idx.msk [tilespmem:v5+s14+$0x0], $0xffff;
	[tilespmem:s23+$0xFFFFFE50] =	vst v11  }
.Ltmp5:
0x353: {  	[tilespmem:s23+$0xFFFFFED0] =	vst v10;
	(pc) =	sbr.rel @p1 .LBB2_12-.Ltmp5, $4  }
0x354: {  	v9 =	vunpack.i.u.bf16.f32 v13;
	v5 =	vunpack.i.l.bf16.f32 v13;
	v4 =	vld.idx.msk [tilespmem:v4+s14+$0x0], $0xffff;
	[tilespmem:s23+$0xFFFFFE60] =	vst v17  }
0x355: {  	[tilespmem:s23+$0xFFFFFEE0] =	vst v16  }
0x356: {  	v11 =	vunpack.i.u.bf16.f32 v6;
	v13 =	vunpack.i.l.bf16.f32 v6;
	v3 =	vld.idx.msk [tilespmem:v3+s14+$0x0], $0xffff;
	[tilespmem:s23+$0xFFFFFE70] =	vst v19  }
0x357: {  	s28 =	sadd.s32 $0x80, s28;
	[tilespmem:s23+$0xFFFFFEF0] =	vst v18  }
0x358: {  	[tilespmem:s23+$0xFFFFFF10] =	vst v14  }
0x359: {  	[tilespmem:s23+$0xFFFFFF90] =	vst v12  }
0x35a: {  	[tilespmem:s23+$0xFFFFFF20] =	vst v5  }
0x35b: {  	[tilespmem:s23+$0xFFFFFFA0] =	vst v9  }
0x35c: {  	[tilespmem:s23+$0xFFFFFF30] =	vst v13  }
0x35d: {  	[tilespmem:s23+$0xFFFFFFB0] =	vst v11  }
0x35e: {  	[tilespmem:s25+$0xFFFFFF70] =	vst v2  }
0x35f: {  	[tilespmem:s25+$0xFFFFFFF0] =	vst v1  }
0x360: {  	v58 =	vunpack.i.l.bf16.f32 v7;
	[tilespmem:s23+$0xFFFFFF80] =	vst v8  }
0x361: {  	v6 =	vunpack.i.u.bf16.f32 v7;
	v0 =	vld.idx.msk [tilespmem:v0+s14+$0x0], $0xffff;
	[tilespmem:s23+$0xFFFFFF40] =	vst v58  }
0x362: {  	v59 =	vunpack.i.l.bf16.f32 v4;
	[tilespmem:s23+$0xFFFFFFC0] =	vst v6  }
0x363: {  	v60 =	vunpack.i.u.bf16.f32 v4;
	[tilespmem:s23+$0xFFFFFF50] =	vst v59  }
0x364: {  	p1 =	sne.s32 s22, $0x32;
	[tilespmem:s23+$0xFFFFFFD0] =	vst v60;
	v61 =	vunpack.i.l.bf16.f32 v3  }
.Ltmp6:
0x365: {  	v62 =	vunpack.i.u.bf16.f32 v3;
	[tilespmem:s23+$0xFFFFFF60] =	vst v61;
	(pc) =	sbr.rel @p1 .LBB2_2-.Ltmp6, $4  }
0x366: {  	[tilespmem:s23+$0xFFFFFFE0] =	vst v62;
	v63 =	vunpack.i.l.bf16.f32 v0  }
0x367: {  	v0 =	vunpack.i.u.bf16.f32 v0;
	[tilespmem:s23+$0xFFFFFF70] =	vst v63  }
0x368: {  	s31 =	sadd.s32 $0xC00, s24;
	p0 =	por !p0, !p0;
	s24 =	smov.u32 s22;
	[tilespmem:s23+$0xFFFFFFF0] =	vst v0  }
0x369: {  	[hbm4b:s31+s3] =	stream.linear.scatter [tilespmem:s18], [sflag:$0x3], $0x2000, $0x38;
	[tilespmem:$0x1E420] =	vst v63  }
0x36a: {  	s21 =	sadd.s32 $0x1, s21  }
0x36b: {  	_ =	swait.ge [sflag:s19], $0x2000;
	p0 =	sne.s32 s21, s9  }
.Ltmp7:
0x36c: {  	[sflag:s19] =	ssyncset.done $0x0;
	(pc) =	sbr.rel @p0 .LBB2_1-.Ltmp7, $4  }
0x36d: {  	[sflag:s19] =	ssyncadd.s32 $0xFFFFE000  }
0x36e: {  	_ =	swait.ge [sflag:s20], $0x2000  }
0x36f: {  	[sflag:s20] =	ssyncset.done $0x0  }
0x370: {  	[sflag:s20] =	ssyncadd.s32 $0xFFFFE000  }
0x371: {  	_ =	sfence.sel $0x180000  }
0x372: {  	[bflag:$0x0] =	sbarrier.arrive $0xFFFF  }
0x373: {  	p0 =	sne.s32 s1, $0x0;
	_ =	strace $0x90000047  }
0x374: {  	s0 =	sadd.s32 @!p0 $0x100000, s0;
	[bflag:$0x2] =	sbarrier.arrive $0xFFFF  }
0x375: {  	[sflag:s0] =	ssyncadd.tile.s32 @!p0 $0x1;
	_ =	shalt  }
.Lfunc_end2:
_tile_overlayer_lowered:
.L_overlay_start_2:
0x376: {  	(tag) =	ssettag $0x2  }
0x377: {  	s0 =	rddreg [dreg:$0x0];
	s2 =	stileid.u32  }
0x378: {  	s1 =	rddreg [dreg:$0x1];
	p0 =	sne.s32 s2, $0x0  }
0x379: {  	s3 =	rddreg [dreg:$0x2];
	[bflag:$0x3] =	sbarrier.arrive $0xFFFF;
	s2 =	simm.s32 @!p0 $0x1C04  }
0x37a: {  	[timem:s3], [sflag:s2] =	dma.local @!p0 [hbm:s0], s1  }
0x37b: {  	s0 =	simm.s32 @!p0 $0x4  }
0x37c: {  	_ =	swait.ge @!p0 [sflag:s0], s1  }
0x37d: {  	s1 =	ssub.s32 @!p0 $0x0, s1;
	[sflag:s0] =	ssyncset.done @!p0 $0x0  }
0x37e: {  	[sflag:s0] =	ssyncadd.s32 @!p0 s1  }
0x37f: {  	[bflag:$0x3] =	sbarrier.arrive $0xFFFF  }
0x380: {  	_ =	shalt  }

</sc_bundles>
